<compile_context>
chip_gen: v7x
topology: tpu7x:2x2x1
jax: 0.10.2.dev20260603
libtpu: 0.0.44.dev20260713+nightly
codegen_flags: <defaults>
</compile_context>

<pallas_src>
import functools

import jax
import jax.numpy as jnp
from jax import lax
from jax.experimental import pallas as pl
from jax.experimental.pallas import tpu as pltpu
from jax.experimental.pallas import tpu_sc as plsc

GROUP_SIZE = 32
BQ = 256

NC = 2
NS = 16
NW = NC * NS

FINF = float("inf")


def _dist_kernel(xyzq_ref, xyz_ref, dist_ref, tau_ref, *, n):
    q = xyzq_ref[0]
    ka = xyz_ref[0]
    sqq = jnp.sum(q * q, axis=1)
    sqk = jnp.sum(ka * ka, axis=1)
    inner = lax.dot_general(q, ka, (((1,), (1,)), ((), ())),
                            preferred_element_type=jnp.float32)
    dist = (sqq[:, None] + sqk[None, :]) - 2.0 * inner
    dist_ref[...] = dist
    nch = n // 128
    tau = jnp.min(lax.slice_in_dim(dist, 0, 128, axis=1), axis=1)
    for ci in range(1, nch):
        m = jnp.min(lax.slice_in_dim(dist, ci * 128, (ci + 1) * 128, axis=1),
                    axis=1)
        tau = jnp.maximum(tau, m)
    tau_ref[0, 0, :] = tau


def _dist_tc(xyz):
    b, n, _ = xyz.shape
    grid = (b, n // BQ)
    nq = n // BQ
    return pl.pallas_call(
        functools.partial(_dist_kernel, n=n),
        grid=grid,
        in_specs=[
            pl.BlockSpec((1, BQ, 3), lambda bi, qi: (bi, qi, 0)),
            pl.BlockSpec((1, n, 3), lambda bi, qi: (bi, 0, 0)),
        ],
        out_specs=(
            pl.BlockSpec((BQ, n), lambda bi, qi: (bi * nq + qi, 0)),
            pl.BlockSpec((1, 1, BQ), lambda bi, qi: (bi * nq + qi, 0, 0)),
        ),
        out_shape=(
            jax.ShapeDtypeStruct((b * n, n), jnp.float32),
            jax.ShapeDtypeStruct((b * nq, 1, BQ), jnp.float32),
        ),
    )(xyz, xyz)


def _sc_select_gather(dist2, tau1, feat_flat, xyz2, *, b, n, k, c):
    rtot = b * n * k
    rw = rtot // NW
    pw = rw // k
    nvreg = n // 16
    cap = n + 32

    mesh = plsc.VectorSubcoreMesh(core_axis_name="c", subcore_axis_name="s",
                                  num_cores=NC, num_subcores=NS)

    @functools.partial(
        pl.kernel, mesh=mesh,
        compiler_params=pltpu.CompilerParams(needs_layout_passes=False),
        out_type=(
            jax.ShapeDtypeStruct((rtot, c), jnp.float32),
            jax.ShapeDtypeStruct((rtot * 3,), jnp.float32),
        ),
        scratch_types=[
            pltpu.VMEM((n,), jnp.float32),
            pltpu.VMEM((n,), jnp.float32),
            pltpu.VMEM((cap,), jnp.int32),
            pltpu.VMEM((cap,), jnp.int32),
            pltpu.VMEM((pw + 16,), jnp.float32),
            pltpu.VMEM((n * 3,), jnp.float32),
            pltpu.VMEM((rw * 3,), jnp.float32),
            pltpu.VMEM((k,), jnp.int32),
            pltpu.VMEM((k,), jnp.int32),
            pltpu.VMEM((k, c), jnp.float32),
            pltpu.VMEM((k, c), jnp.float32),
            pltpu.SemaphoreType.DMA,
            pltpu.SemaphoreType.DMA,
            pltpu.SemaphoreType.DMA,
            pltpu.SemaphoreType.DMA,
            pltpu.SemaphoreType.DMA,
            pltpu.SemaphoreType.DMA,
        ],
    )
    def body(dist_hbm, tau_hbm, feat_hbm, xyz_hbm, feat_out, neigh_out,
             dr0, dr1, cia_v, cib_v, tau_v, xyz_v, nst_v,
             ir0, ir1, fb0, fb1, ds0, ds1, fs0, fs1, ws0, ws1):
        wid = lax.axis_index("s") * NC + lax.axis_index("c")
        bi = wid // (n // pw)
        row0 = wid * pw
        base = wid * rw
        boff = bi * n

        iota16 = lax.broadcasted_iota(jnp.int32, (16,), 0)
        zer16 = jnp.zeros((16,), jnp.int32)
        zer16f = jnp.zeros((16,), jnp.float32)
        inf16 = jnp.full((16,), FINF, jnp.float32)

        drs = (dr0, dr1)
        dsems = (ds0, ds1)
        irs = (ir0, ir1)
        fbs = (fb0, fb1)
        fsems = (fs0, fs1)
        wsems = (ws0, ws1)

        pltpu.sync_copy(tau_hbm.at[pl.ds(row0, pw)], tau_v.at[pl.ds(0, pw)])
        pltpu.sync_copy(xyz_hbm.at[bi], xyz_v)
        pltpu.async_copy(dist_hbm.at[row0], dr0, ds0)
        pltpu.async_copy(dist_hbm.at[row0 + 1], dr1, ds1)

        def process_point(r, slot):
            dr = drs[slot]
            pltpu.make_async_copy(dist_hbm.at[row0 + r], dr, dsems[slot]).wait()

            tv = tau_v[pl.ds(r, 16)]
            tau16 = zer16f + tv[0]

            half = n // 2

            def comp_body(i, carry):
                cna, cnb, civ = carry
                va = dr[pl.ds(i * 16, 16)]
                vb = dr[pl.ds(half + i * 16, 16)]
                mska = va <= tau16
                mskb = vb <= tau16
                plsc.store_compressed(cia_v.at[pl.ds(cna, 16)], civ,
                                      mask=mska)
                plsc.store_compressed(cib_v.at[pl.ds(cnb, 16)], civ + half,
                                      mask=mskb)
                pca = plsc.all_reduce_population_count(mska)
                pcb = plsc.all_reduce_population_count(mskb)
                return cna + pca[0], cnb + pcb[0], civ + 16

            cna, cnb, _ = lax.fori_loop(
                0, half // 16, comp_body,
                (jnp.int32(0), jnp.int32(0), iota16), unroll=8)
            cia_v[pl.ds(cna, 16)] = zer16
            cib_v[pl.ds(cnb, 16)] = zer16

            def make_leaf(buf, cnt16):
                def leaf(g, carry):
                    tk0, tk1, tv0_, tv1_ = carry
                    civ = buf[pl.ds(g * 16, 16)]
                    kv = plsc.load_gather(dr, [civ])
                    valid = (g * 16 + iota16) < cnt16
                    kv = jnp.where(valid, kv, inf16)
                    ks, vs = plsc.sort_key_val(kv, civ)
                    rk = jnp.flip(ks)
                    rv = jnp.flip(vs)
                    m = tk1 <= rk
                    ck = jnp.where(m, tk1, rk)
                    cw = jnp.where(m, tv1_, rv)
                    ck, cw = plsc.sort_key_val(ck, cw)
                    rk2 = jnp.flip(ck)
                    rv2 = jnp.flip(cw)
                    m2 = tk0 <= rk2
                    lok = jnp.where(m2, tk0, rk2)
                    lov = jnp.where(m2, tv0_, rv2)
                    hik = jnp.where(m2, rk2, tk0)
                    hiv = jnp.where(m2, rv2, tv0_)
                    tk0, tv0_ = plsc.sort_key_val(lok, lov)
                    tk1, tv1_ = plsc.sort_key_val(hik, hiv)
                    return tk0, tk1, tv0_, tv1_
                return leaf

            carry = (inf16, inf16, zer16, zer16)
            carry = lax.fori_loop(0, (cna + 15) // 16,
                                  make_leaf(cia_v, zer16 + cna), carry)
            carry = lax.fori_loop(0, (cnb + 15) // 16,
                                  make_leaf(cib_v, zer16 + cnb), carry)
            _, _, acc0, acc1 = carry

            cp = (row0 - bi * n + r) * 3
            cs3 = [plsc.load_gather(xyz_v, [zer16 + (cp + d)])
                   for d in range(3)]
            for h, acc in ((0, acc0), (1, acc1)):
                rl = (r * k + 16 * h) * 3 + iota16 * 3
                for d in range(3):
                    xs = plsc.load_gather(xyz_v, [acc * 3 + d])
                    plsc.store_scatter(nst_v, [rl + d], xs - cs3[d])
                irs[slot][pl.ds(16 * h, 16)] = acc + boff

            @pl.when(r >= 2)
            def _wfree():
                pltpu.make_async_copy(
                    fbs[slot], feat_out.at[pl.ds(base + (r - 2) * k, k)],
                    wsems[slot]).wait()

            pltpu.async_copy(feat_hbm.at[irs[slot]], fbs[slot], fsems[slot])

            @pl.when(r >= 1)
            def _drain():
                other = 1 - slot
                pltpu.make_async_copy(feat_hbm.at[irs[other]], fbs[other],
                                      fsems[other]).wait()
                pltpu.async_copy(fbs[other],
                                 feat_out.at[pl.ds(base + (r - 1) * k, k)],
                                 wsems[other])

            @pl.when(r + 2 < pw)
            def _prefetch():
                pltpu.async_copy(dist_hbm.at[row0 + r + 2], dr, dsems[slot])

        @pl.loop(0, pw, step=2)
        def _(r0):
            for slot in range(2):
                process_point(r0 + slot, slot)

        lslot = (pw - 1) % 2
        pltpu.make_async_copy(
            fbs[1 - lslot], feat_out.at[pl.ds(base + (pw - 2) * k, k)],
            wsems[1 - lslot]).wait()
        pltpu.make_async_copy(feat_hbm.at[irs[lslot]], fbs[lslot],
                              fsems[lslot]).wait()
        pltpu.sync_copy(fbs[lslot],
                        feat_out.at[pl.ds(base + (pw - 1) * k, k)])
        pltpu.sync_copy(nst_v, neigh_out.at[pl.ds(base * 3, rw * 3)])

    return body(dist2, tau1, feat_flat, xyz2)


def kernel(xyz, feat):
    b, n, _ = xyz.shape
    c = feat.shape[-1]
    k = GROUP_SIZE
    dist, tau = _dist_tc(xyz)
    nfeat, neigh = _sc_select_gather(
        dist.reshape(b * n, n), tau.reshape(b * n), feat.reshape(b * n, c),
        xyz.reshape(b, n * 3), b=b, n=n, k=k, c=c)
    return (neigh.reshape(b, n, k, 3), nfeat.reshape(b, n, k, c))

# --- scband reference (transcript-rebuilt; emitter-appended) ---
"""Pipeline reference for scband-group-feature-17678085390962 (READ-ONLY COPY).

The authoritative reference and input builder live on the scoring server;
editing this copy changes nothing except your own understanding.
"""

import jax, jax.numpy as jnp
import numpy as np

GROUP_SIZE = 32

def setup_inputs(seed: int = 0) -> dict:
    key = jax.random.key(seed)
    k1, k2 = jax.random.split(key)
    xyz = jax.random.normal(k1, (4, 4096, 3), dtype=jnp.float32)
    feat = jax.random.normal(k2, (4, 4096, 128), dtype=jnp.float32)
    return {"xyz": xyz, "feat": feat}

def _knn_idx(xyz, k):
    # xyz: [B, N, 3] -> idx of k nearest neighbors per point, [B, N, k]
    sq = jnp.sum(xyz * xyz, axis=-1)  # [B, N]
    inner = jnp.einsum('bnd,bmd->bnm', xyz, xyz)  # [B, N, N]
    dist = sq[:, :, None] + sq[:, None, :] - 2.0 * inner  # squared euclidean
    _, idx = jax.lax.top_k(-dist, k)  # nearest = largest negative distance
    return idx

def _index_points(points, idx):
    # points: [B, N, C], idx: [B, S, K] -> [B, S, K, C]
    return jax.vmap(lambda p, i: p[i])(points, idx)

def reference(xyz, feat):
    # Faithful translation of GroupFeature.forward
    idx = _knn_idx(xyz, GROUP_SIZE)  # [B, N, K]
    center = xyz
    neighborhood = _index_points(xyz, idx)          # [B, N, K, 3]
    neighborhood = neighborhood - center[:, :, None, :]
    neighborhood_feat = _index_points(feat, idx)    # [B, N, K, C]
    return (neighborhood, neighborhood_feat)

if __name__ == "__main__":
    import jax
    _d = setup_inputs()
    print(jax.jit(kernel)(*tuple(_d.values())))

</pallas_src>

<mosaic_0001>
#map = affine_map<(d0, d1) -> (0, 0)>
#map1 = affine_map<(d0, d1) -> (0)>
module attributes {stable_mosaic.version = 14 : i64} {
  func.func @body(%arg0: i32, %arg1: i32, %arg2: memref<16384x4096xf32, #tpu.memory_space<hbm>>, %arg3: memref<16384xf32, #tpu.memory_space<hbm>>, %arg4: memref<16384x128xf32, #tpu.memory_space<hbm>>, %arg5: memref<4x12288xf32, #tpu.memory_space<hbm>>, %arg6: memref<524288x128xf32, #tpu.memory_space<hbm>>, %arg7: memref<1572864xf32, #tpu.memory_space<hbm>>, %arg8: memref<4096xf32, #tpu.memory_space<vmem>>, %arg9: memref<4096xf32, #tpu.memory_space<vmem>>, %arg10: memref<4128xi32, #tpu.memory_space<vmem>>, %arg11: memref<4128xi32, #tpu.memory_space<vmem>>, %arg12: memref<528xf32, #tpu.memory_space<vmem>>, %arg13: memref<12288xf32, #tpu.memory_space<vmem>>, %arg14: memref<49152xf32, #tpu.memory_space<vmem>>, %arg15: memref<32xi32, #tpu.memory_space<vmem>>, %arg16: memref<32xi32, #tpu.memory_space<vmem>>, %arg17: memref<32x128xf32, #tpu.memory_space<vmem>>, %arg18: memref<32x128xf32, #tpu.memory_space<vmem>>, %arg19: memref<!tpu.dma_semaphore, #tpu.memory_space<semaphore_mem>>, %arg20: memref<!tpu.dma_semaphore, #tpu.memory_space<semaphore_mem>>, %arg21: memref<!tpu.dma_semaphore, #tpu.memory_space<semaphore_mem>>, %arg22: memref<!tpu.dma_semaphore, #tpu.memory_space<semaphore_mem>>, %arg23: memref<!tpu.dma_semaphore, #tpu.memory_space<semaphore_mem>>, %arg24: memref<!tpu.dma_semaphore, #tpu.memory_space<semaphore_mem>>) attributes {dimension_semantics = [#tpu.dimension_semantics<core_parallel>, #tpu.dimension_semantics<subcore_parallel>], iteration_bounds = array<i64: 2, 16>, scalar_prefetch = 0 : i64, scratch_operands = 17 : i64, tpu.core_type = #tpu.core_type<sc_vector_subcore>, window_params = [{transform_indices = #map}, {transform_indices = #map1}, {transform_indices = #map}, {transform_indices = #map}, {transform_indices = #map}, {transform_indices = #map1}]} {
    %mul3A = arith.constant 2 : i32
    %mul3A_0 = arith.muli %arg1, %mul3A : i32
    %add3A = arith.addi %mul3A_0, %arg0 : i32
    %jit3A = arith.constant 8 : i32
    %div3A = arith.divsi %add3A, %jit3A : i32
    %sign3A = arith.constant 0 : i32
    %sign3A_1 = arith.cmpi sgt, %add3A, %sign3A : i32
    %sign3A_2 = arith.extui %sign3A_1 : i1 to i32
    %sign3A_3 = arith.constant 0 : i32
    %sign3A_4 = arith.cmpi slt, %add3A, %sign3A_3 : i32
    %sign3A_5 = arith.extui %sign3A_4 : i1 to i32
    %sign3A_6 = arith.subi %sign3A_2, %sign3A_5 : i32
    %sign3A_7 = arith.constant 0 : i32
    %sign3A_8 = arith.cmpi sgt, %jit3A, %sign3A_7 : i32
    %sign3A_9 = arith.extui %sign3A_8 : i1 to i32
    %sign3A_10 = arith.constant 0 : i32
    %sign3A_11 = arith.cmpi slt, %jit3A, %sign3A_10 : i32
    %sign3A_12 = arith.extui %sign3A_11 : i1 to i32
    %sign3A_13 = arith.subi %sign3A_9, %sign3A_12 : i32
    %ne3A = arith.cmpi ne, %sign3A_6, %sign3A_13 : i32
    %rem3A = arith.remsi %add3A, %jit3A : i32
    %ne3A_14 = arith.constant 0 : i32
    %ne3A_15 = arith.cmpi ne, %rem3A, %ne3A_14 : i32
    %and3A = arith.andi %ne3A, %ne3A_15 : i1
    %sub3A = arith.constant 1 : i32
    %sub3A_16 = arith.subi %div3A, %sub3A : i32
    %select_n3A = arith.select %and3A, %sub3A_16, %div3A : i32
    %mul3A_17 = arith.constant 512 : i32
    %mul3A_18 = arith.muli %add3A, %mul3A_17 : i32
    %mul3A_19 = arith.constant 16384 : i32
    %mul3A_20 = arith.muli %add3A, %mul3A_19 : i32
    %mul3A_21 = arith.constant 4096 : i32
    %mul3A_22 = arith.muli %select_n3A, %mul3A_21 : i32
    %iota3A = tpu.iota {dimensions = array<i32: 0>} : vector<16xi32>
    %broadcast_in_dim3A = arith.constant 0 : i32
    %broadcast_in_dim3A_23 = vector.broadcast %broadcast_in_dim3A : i32 to vector<16xi32>
    %broadcast_in_dim3A_24 = arith.constant 0.000000e+00 : f32
    %broadcast_in_dim3A_25 = vector.broadcast %broadcast_in_dim3A_24 : f32 to vector<16xf32>
    %broadcast_in_dim3A_26 = arith.constant 0x7F800000 : f32
    %broadcast_in_dim3A_27 = vector.broadcast %broadcast_in_dim3A_26 : f32 to vector<16xf32>
    "tpu.region"() ({
      %run_scoped3A = tpu.sem_alloc : memref<!tpu.dma_semaphore, #tpu.memory_space<semaphore_mem>>
      %dma_start3A_57 = arith.constant 0 : i32
      %dma_start3A_58 = tpu.memref_slice %arg12[%dma_start3A_57] : memref<528xf32, #tpu.memory_space<vmem>> -> memref<512xf32, #tpu.memory_space<vmem>>
      %dma_start3A_59 = tpu.memref_slice %arg3[%mul3A_18] : memref<16384xf32, #tpu.memory_space<hbm>> -> memref<512xf32, #tpu.memory_space<hbm>>
      %dma_start3A_60 = arith.constant 0 : i32
      %dma_start3A_61 = tpu.memref_slice %arg12[%dma_start3A_60] : memref<528xf32, #tpu.memory_space<vmem>> -> memref<512xf32, #tpu.memory_space<vmem>>
      %dma_start3A_62 = tpu.memref_slice %arg3[%mul3A_18] : memref<16384xf32, #tpu.memory_space<hbm>> -> memref<512xf32, #tpu.memory_space<hbm>>
      tpu.enqueue_dma source(%dma_start3A_62 : memref<512xf32, #tpu.memory_space<hbm>>) target(%dma_start3A_61 : memref<512xf32, #tpu.memory_space<vmem>>) target_semaphore(%run_scoped3A : memref<!tpu.dma_semaphore, #tpu.memory_space<semaphore_mem>>)
      %dma_wait3A_63 = arith.constant 0 : i32
      %dma_wait3A_64 = tpu.memref_slice %arg12[%dma_wait3A_63] : memref<528xf32, #tpu.memory_space<vmem>> -> memref<512xf32, #tpu.memory_space<vmem>>
      %dma_wait3A_65 = tpu.memref_slice %arg3[%mul3A_18] : memref<16384xf32, #tpu.memory_space<hbm>> -> memref<512xf32, #tpu.memory_space<hbm>>
      %dma_wait3A_66 = arith.constant 0 : i32
      %dma_wait3A_67 = tpu.memref_slice %arg12[%dma_wait3A_66] : memref<528xf32, #tpu.memory_space<vmem>> -> memref<512xf32, #tpu.memory_space<vmem>>
      %dma_wait3A_68 = tpu.memref_slice %arg3[%mul3A_18] : memref<16384xf32, #tpu.memory_space<hbm>> -> memref<512xf32, #tpu.memory_space<hbm>>
      tpu.wait_dma2 semaphore(%run_scoped3A : memref<!tpu.dma_semaphore, #tpu.memory_space<semaphore_mem>>) src(%dma_wait3A_68 : memref<512xf32, #tpu.memory_space<hbm>>) dst(%dma_wait3A_67 : memref<512xf32, #tpu.memory_space<vmem>>)
      tpu.yield
    }) : () -> ()
    "tpu.region"() ({
      %run_scoped3A = tpu.sem_alloc : memref<!tpu.dma_semaphore, #tpu.memory_space<semaphore_mem>>
      %dma_start3A_57 = arith.constant 0 : i32
      %dma_start3A_58 = tpu.memref_slice %arg5[%select_n3A, %dma_start3A_57] : memref<4x12288xf32, #tpu.memory_space<hbm>> -> memref<1x12288xf32, #tpu.memory_space<hbm>>
      %dma_start3A_59 = tpu.memref_squeeze %dma_start3A_58 : memref<1x12288xf32, #tpu.memory_space<hbm>> -> memref<12288xf32, #tpu.memory_space<hbm>>
      %dma_start3A_60 = arith.constant 0 : i32
      %dma_start3A_61 = tpu.memref_slice %arg5[%select_n3A, %dma_start3A_60] : memref<4x12288xf32, #tpu.memory_space<hbm>> -> memref<1x12288xf32, #tpu.memory_space<hbm>>
      %dma_start3A_62 = tpu.memref_squeeze %dma_start3A_61 : memref<1x12288xf32, #tpu.memory_space<hbm>> -> memref<12288xf32, #tpu.memory_space<hbm>>
      tpu.enqueue_dma source(%dma_start3A_62 : memref<12288xf32, #tpu.memory_space<hbm>>) target(%arg13 : memref<12288xf32, #tpu.memory_space<vmem>>) target_semaphore(%run_scoped3A : memref<!tpu.dma_semaphore, #tpu.memory_space<semaphore_mem>>)
      %dma_wait3A_63 = arith.constant 0 : i32
      %dma_wait3A_64 = tpu.memref_slice %arg5[%select_n3A, %dma_wait3A_63] : memref<4x12288xf32, #tpu.memory_space<hbm>> -> memref<1x12288xf32, #tpu.memory_space<hbm>>
      %dma_wait3A_65 = tpu.memref_squeeze %dma_wait3A_64 : memref<1x12288xf32, #tpu.memory_space<hbm>> -> memref<12288xf32, #tpu.memory_space<hbm>>
      %dma_wait3A_66 = arith.constant 0 : i32
      %dma_wait3A_67 = tpu.memref_slice %arg5[%select_n3A, %dma_wait3A_66] : memref<4x12288xf32, #tpu.memory_space<hbm>> -> memref<1x12288xf32, #tpu.memory_space<hbm>>
      %dma_wait3A_68 = tpu.memref_squeeze %dma_wait3A_67 : memref<1x12288xf32, #tpu.memory_space<hbm>> -> memref<12288xf32, #tpu.memory_space<hbm>>
      tpu.wait_dma2 semaphore(%run_scoped3A : memref<!tpu.dma_semaphore, #tpu.memory_space<semaphore_mem>>) src(%dma_wait3A_68 : memref<12288xf32, #tpu.memory_space<hbm>>) dst(%arg13 : memref<12288xf32, #tpu.memory_space<vmem>>)
      tpu.yield
    }) : () -> ()
    %dma_start3A = arith.constant 0 : i32
    %dma_start3A_28 = tpu.memref_slice %arg2[%mul3A_18, %dma_start3A] : memref<16384x4096xf32, #tpu.memory_space<hbm>> -> memref<1x4096xf32, #tpu.memory_space<hbm>>
    %dma_start3A_29 = tpu.memref_squeeze %dma_start3A_28 : memref<1x4096xf32, #tpu.memory_space<hbm>> -> memref<4096xf32, #tpu.memory_space<hbm>>
    %dma_start3A_30 = arith.constant 0 : i32
    %dma_start3A_31 = tpu.memref_slice %arg2[%mul3A_18, %dma_start3A_30] : memref<16384x4096xf32, #tpu.memory_space<hbm>> -> memref<1x4096xf32, #tpu.memory_space<hbm>>
    %dma_start3A_32 = tpu.memref_squeeze %dma_start3A_31 : memref<1x4096xf32, #tpu.memory_space<hbm>> -> memref<4096xf32, #tpu.memory_space<hbm>>
    tpu.enqueue_dma source(%dma_start3A_32 : memref<4096xf32, #tpu.memory_space<hbm>>) target(%arg8 : memref<4096xf32, #tpu.memory_space<vmem>>) target_semaphore(%arg19 : memref<!tpu.dma_semaphore, #tpu.memory_space<semaphore_mem>>)
    %add3A_33 = arith.constant 1 : i32
    %add3A_34 = arith.addi %mul3A_18, %add3A_33 : i32
    %dma_start3A_35 = arith.constant 0 : i32
    %dma_start3A_36 = tpu.memref_slice %arg2[%add3A_34, %dma_start3A_35] : memref<16384x4096xf32, #tpu.memory_space<hbm>> -> memref<1x4096xf32, #tpu.memory_space<hbm>>
    %dma_start3A_37 = tpu.memref_squeeze %dma_start3A_36 : memref<1x4096xf32, #tpu.memory_space<hbm>> -> memref<4096xf32, #tpu.memory_space<hbm>>
    %dma_start3A_38 = arith.constant 0 : i32
    %dma_start3A_39 = tpu.memref_slice %arg2[%add3A_34, %dma_start3A_38] : memref<16384x4096xf32, #tpu.memory_space<hbm>> -> memref<1x4096xf32, #tpu.memory_space<hbm>>
    %dma_start3A_40 = tpu.memref_squeeze %dma_start3A_39 : memref<1x4096xf32, #tpu.memory_space<hbm>> -> memref<4096xf32, #tpu.memory_space<hbm>>
    tpu.enqueue_dma source(%dma_start3A_40 : memref<4096xf32, #tpu.memory_space<hbm>>) target(%arg9 : memref<4096xf32, #tpu.memory_space<vmem>>) target_semaphore(%arg20 : memref<!tpu.dma_semaphore, #tpu.memory_space<semaphore_mem>>)
    %scan3A = arith.constant 0 : i32
    %scan3A_41 = arith.constant 256 : i32
    %scan3A_42 = arith.addi %scan3A, %scan3A_41 : i32
    %scan3A_43 = arith.constant 1 : i32
    scf.for %scan3A_57 = %scan3A to %scan3A_42 step %scan3A_43  : i32 {
      %mul3A_58 = arith.constant 2 : i32
      %mul3A_59 = arith.muli %scan3A_57, %mul3A_58 : i32
      %add3A_60 = arith.constant 0 : i32
      %add3A_61 = arith.addi %add3A_60, %mul3A_59 : i32
      %add3A_62 = arith.constant 0 : i32
      %add3A_63 = arith.addi %add3A_61, %add3A_62 : i32
      %add3A_64 = arith.addi %mul3A_18, %add3A_63 : i32
      %dma_wait3A_65 = arith.constant 0 : i32
      %dma_wait3A_66 = tpu.memref_slice %arg2[%add3A_64, %dma_wait3A_65] : memref<16384x4096xf32, #tpu.memory_space<hbm>> -> memref<1x4096xf32, #tpu.memory_space<hbm>>
      %dma_wait3A_67 = tpu.memref_squeeze %dma_wait3A_66 : memref<1x4096xf32, #tpu.memory_space<hbm>> -> memref<4096xf32, #tpu.memory_space<hbm>>
      %dma_wait3A_68 = arith.constant 0 : i32
      %dma_wait3A_69 = tpu.memref_slice %arg2[%add3A_64, %dma_wait3A_68] : memref<16384x4096xf32, #tpu.memory_space<hbm>> -> memref<1x4096xf32, #tpu.memory_space<hbm>>
      %dma_wait3A_70 = tpu.memref_squeeze %dma_wait3A_69 : memref<1x4096xf32, #tpu.memory_space<hbm>> -> memref<4096xf32, #tpu.memory_space<hbm>>
      tpu.wait_dma2 semaphore(%arg19 : memref<!tpu.dma_semaphore, #tpu.memory_space<semaphore_mem>>) src(%dma_wait3A_70 : memref<4096xf32, #tpu.memory_space<hbm>>) dst(%arg8 : memref<4096xf32, #tpu.memory_space<vmem>>)
      %get3A = arith.index_cast %add3A_63 : i32 to index
      %get3A_71 = tpu.vector_load %arg12[%get3A] {strides = array<i32>} : memref<528xf32, #tpu.memory_space<vmem>>, vector<16xf32>,
      %slice3A = vector.extract_strided_slice %get3A_71 {offsets = [0], sizes = [1], strides = [1]} : vector<16xf32> to vector<1xf32>
      %squeeze3A = vector.extract %slice3A[0] : f32 from vector<1xf32>
      %add3A_72 = vector.broadcast %squeeze3A : f32 to vector<16xf32>
      %add3A_73 = arith.addf %broadcast_in_dim3A_25, %add3A_72 : vector<16xf32>
      %scan3A_74 = arith.constant 0 : i32
      %scan3A_75 = arith.constant 0 : i32
      %scan3A_76 = arith.constant 0 : i32
      %scan3A_77 = arith.constant 128 : i32
      %scan3A_78 = arith.addi %scan3A_76, %scan3A_77 : i32
      %scan3A_79 = arith.constant 8 : i32
      %scan3A_80:3 = scf.for %scan3A_536 = %scan3A_76 to %scan3A_78 step %scan3A_79 iter_args(%scan3A_537 = %scan3A_74, %scan3A_538 = %scan3A_75, %scan3A_539 = %iota3A) -> (i32, i32, vector<16xi32>)  : i32 {
        %mul3A_540 = arith.constant 16 : i32
        %mul3A_541 = arith.muli %scan3A_536, %mul3A_540 : i32
        %get3A_542 = arith.index_cast %mul3A_541 : i32 to index
        %get3A_543 = tpu.vector_load %arg8[%get3A_542] {strides = array<i32>} : memref<4096xf32, #tpu.memory_space<vmem>>, vector<16xf32>,
        %mul3A_544 = arith.constant 16 : i32
        %mul3A_545 = arith.muli %scan3A_536, %mul3A_544 : i32
        %add3A_546 = arith.constant 2048 : i32
        %add3A_547 = arith.addi %add3A_546, %mul3A_545 : i32
        %get3A_548 = arith.index_cast %add3A_547 : i32 to index
        %get3A_549 = tpu.vector_load %arg8[%get3A_548] {strides = array<i32>} : memref<4096xf32, #tpu.memory_space<vmem>>, vector<16xf32>,
        %le3A = arith.cmpf ole, %get3A_543, %add3A_73 : vector<16xf32>
        %le3A_550 = arith.cmpf ole, %get3A_549, %add3A_73 : vector<16xf32>
        %swap3A_551 = arith.index_cast %scan3A_537 : i32 to index
        %swap3A_552 = tpu.vector_load %arg10[%swap3A_551] masked %le3A {strides = array<i32>} : memref<4128xi32, #tpu.memory_space<vmem>>, vector<16xi32>, vector<16xi1>
        tpu.vector_store %arg10[%swap3A_551], %scan3A_539 masked %le3A {strides = array<i32>} : memref<4128xi32, #tpu.memory_space<vmem>>, vector<16xi32>, vector<16xi1>
        %add3A_553 = arith.constant 2048 : i32
        %add3A_554 = vector.broadcast %add3A_553 : i32 to vector<16xi32>
        %add3A_555 = arith.addi %scan3A_539, %add3A_554 : vector<16xi32>
        %swap3A_556 = arith.index_cast %scan3A_538 : i32 to index
        %swap3A_557 = tpu.vector_load %arg11[%swap3A_556] masked %le3A_550 {strides = array<i32>} : memref<4128xi32, #tpu.memory_space<vmem>>, vector<16xi32>, vector<16xi1>
        tpu.vector_store %arg11[%swap3A_556], %add3A_555 masked %le3A_550 {strides = array<i32>} : memref<4128xi32, #tpu.memory_space<vmem>>, vector<16xi32>, vector<16xi1>
        %all_reduce_population_count3A = tpu.all_reduce %le3A {dim = 0 : i64, kind = #tpu.reduction_kind<sum>} : vector<16xi1> -> vector<16xi32>
        %all_reduce_population_count3A_558 = tpu.all_reduce %le3A_550 {dim = 0 : i64, kind = #tpu.reduction_kind<sum>} : vector<16xi1> -> vector<16xi32>
        %slice3A_559 = vector.extract_strided_slice %all_reduce_population_count3A {offsets = [0], sizes = [1], strides = [1]} : vector<16xi32> to vector<1xi32>
        %squeeze3A_560 = vector.extract %slice3A_559[0] : i32 from vector<1xi32>
        %add3A_561 = arith.addi %scan3A_537, %squeeze3A_560 : i32
        %slice3A_562 = vector.extract_strided_slice %all_reduce_population_count3A_558 {offsets = [0], sizes = [1], strides = [1]} : vector<16xi32> to vector<1xi32>
        %squeeze3A_563 = vector.extract %slice3A_562[0] : i32 from vector<1xi32>
        %add3A_564 = arith.addi %scan3A_538, %squeeze3A_563 : i32
        %add3A_565 = arith.constant 16 : i32
        %add3A_566 = vector.broadcast %add3A_565 : i32 to vector<16xi32>
        %add3A_567 = arith.addi %scan3A_539, %add3A_566 : vector<16xi32>
        %scan3A_568 = arith.constant 1 : i32
        %scan3A_569 = arith.addi %scan3A_536, %scan3A_568 : i32
        %mul3A_570 = arith.constant 16 : i32
        %mul3A_571 = arith.muli %scan3A_569, %mul3A_570 : i32
        %get3A_572 = arith.index_cast %mul3A_571 : i32 to index
        %get3A_573 = tpu.vector_load %arg8[%get3A_572] {strides = array<i32>} : memref<4096xf32, #tpu.memory_space<vmem>>, vector<16xf32>,
        %mul3A_574 = arith.constant 16 : i32
        %mul3A_575 = arith.muli %scan3A_569, %mul3A_574 : i32
        %add3A_576 = arith.constant 2048 : i32
        %add3A_577 = arith.addi %add3A_576, %mul3A_575 : i32
        %get3A_578 = arith.index_cast %add3A_577 : i32 to index
        %get3A_579 = tpu.vector_load %arg8[%get3A_578] {strides = array<i32>} : memref<4096xf32, #tpu.memory_space<vmem>>, vector<16xf32>,
        %le3A_580 = arith.cmpf ole, %get3A_573, %add3A_73 : vector<16xf32>
        %le3A_581 = arith.cmpf ole, %get3A_579, %add3A_73 : vector<16xf32>
        %swap3A_582 = arith.index_cast %add3A_561 : i32 to index
        %swap3A_583 = tpu.vector_load %arg10[%swap3A_582] masked %le3A_580 {strides = array<i32>} : memref<4128xi32, #tpu.memory_space<vmem>>, vector<16xi32>, vector<16xi1>
        tpu.vector_store %arg10[%swap3A_582], %add3A_567 masked %le3A_580 {strides = array<i32>} : memref<4128xi32, #tpu.memory_space<vmem>>, vector<16xi32>, vector<16xi1>
        %add3A_584 = arith.constant 2048 : i32
        %add3A_585 = vector.broadcast %add3A_584 : i32 to vector<16xi32>
        %add3A_586 = arith.addi %add3A_567, %add3A_585 : vector<16xi32>
        %swap3A_587 = arith.index_cast %add3A_564 : i32 to index
        %swap3A_588 = tpu.vector_load %arg11[%swap3A_587] masked %le3A_581 {strides = array<i32>} : memref<4128xi32, #tpu.memory_space<vmem>>, vector<16xi32>, vector<16xi1>
        tpu.vector_store %arg11[%swap3A_587], %add3A_586 masked %le3A_581 {strides = array<i32>} : memref<4128xi32, #tpu.memory_space<vmem>>, vector<16xi32>, vector<16xi1>
        %all_reduce_population_count3A_589 = tpu.all_reduce %le3A_580 {dim = 0 : i64, kind = #tpu.reduction_kind<sum>} : vector<16xi1> -> vector<16xi32>
        %all_reduce_population_count3A_590 = tpu.all_reduce %le3A_581 {dim = 0 : i64, kind = #tpu.reduction_kind<sum>} : vector<16xi1> -> vector<16xi32>
        %slice3A_591 = vector.extract_strided_slice %all_reduce_population_count3A_589 {offsets = [0], sizes = [1], strides = [1]} : vector<16xi32> to vector<1xi32>
        %squeeze3A_592 = vector.extract %slice3A_591[0] : i32 from vector<1xi32>
        %add3A_593 = arith.addi %add3A_561, %squeeze3A_592 : i32
        %slice3A_594 = vector.extract_strided_slice %all_reduce_population_count3A_590 {offsets = [0], sizes = [1], strides = [1]} : vector<16xi32> to vector<1xi32>
        %squeeze3A_595 = vector.extract %slice3A_594[0] : i32 from vector<1xi32>
        %add3A_596 = arith.addi %add3A_564, %squeeze3A_595 : i32
        %add3A_597 = arith.constant 16 : i32
        %add3A_598 = vector.broadcast %add3A_597 : i32 to vector<16xi32>
        %add3A_599 = arith.addi %add3A_567, %add3A_598 : vector<16xi32>
        %scan3A_600 = arith.constant 2 : i32
        %scan3A_601 = arith.addi %scan3A_536, %scan3A_600 : i32
        %mul3A_602 = arith.constant 16 : i32
        %mul3A_603 = arith.muli %scan3A_601, %mul3A_602 : i32
        %get3A_604 = arith.index_cast %mul3A_603 : i32 to index
        %get3A_605 = tpu.vector_load %arg8[%get3A_604] {strides = array<i32>} : memref<4096xf32, #tpu.memory_space<vmem>>, vector<16xf32>,
        %mul3A_606 = arith.constant 16 : i32
        %mul3A_607 = arith.muli %scan3A_601, %mul3A_606 : i32
        %add3A_608 = arith.constant 2048 : i32
        %add3A_609 = arith.addi %add3A_608, %mul3A_607 : i32
        %get3A_610 = arith.index_cast %add3A_609 : i32 to index
        %get3A_611 = tpu.vector_load %arg8[%get3A_610] {strides = array<i32>} : memref<4096xf32, #tpu.memory_space<vmem>>, vector<16xf32>,
        %le3A_612 = arith.cmpf ole, %get3A_605, %add3A_73 : vector<16xf32>
        %le3A_613 = arith.cmpf ole, %get3A_611, %add3A_73 : vector<16xf32>
        %swap3A_614 = arith.index_cast %add3A_593 : i32 to index
        %swap3A_615 = tpu.vector_load %arg10[%swap3A_614] masked %le3A_612 {strides = array<i32>} : memref<4128xi32, #tpu.memory_space<vmem>>, vector<16xi32>, vector<16xi1>
        tpu.vector_store %arg10[%swap3A_614], %add3A_599 masked %le3A_612 {strides = array<i32>} : memref<4128xi32, #tpu.memory_space<vmem>>, vector<16xi32>, vector<16xi1>
        %add3A_616 = arith.constant 2048 : i32
        %add3A_617 = vector.broadcast %add3A_616 : i32 to vector<16xi32>
        %add3A_618 = arith.addi %add3A_599, %add3A_617 : vector<16xi32>
        %swap3A_619 = arith.index_cast %add3A_596 : i32 to index
        %swap3A_620 = tpu.vector_load %arg11[%swap3A_619] masked %le3A_613 {strides = array<i32>} : memref<4128xi32, #tpu.memory_space<vmem>>, vector<16xi32>, vector<16xi1>
        tpu.vector_store %arg11[%swap3A_619], %add3A_618 masked %le3A_613 {strides = array<i32>} : memref<4128xi32, #tpu.memory_space<vmem>>, vector<16xi32>, vector<16xi1>
        %all_reduce_population_count3A_621 = tpu.all_reduce %le3A_612 {dim = 0 : i64, kind = #tpu.reduction_kind<sum>} : vector<16xi1> -> vector<16xi32>
        %all_reduce_population_count3A_622 = tpu.all_reduce %le3A_613 {dim = 0 : i64, kind = #tpu.reduction_kind<sum>} : vector<16xi1> -> vector<16xi32>
        %slice3A_623 = vector.extract_strided_slice %all_reduce_population_count3A_621 {offsets = [0], sizes = [1], strides = [1]} : vector<16xi32> to vector<1xi32>
        %squeeze3A_624 = vector.extract %slice3A_623[0] : i32 from vector<1xi32>
        %add3A_625 = arith.addi %add3A_593, %squeeze3A_624 : i32
        %slice3A_626 = vector.extract_strided_slice %all_reduce_population_count3A_622 {offsets = [0], sizes = [1], strides = [1]} : vector<16xi32> to vector<1xi32>
        %squeeze3A_627 = vector.extract %slice3A_626[0] : i32 from vector<1xi32>
        %add3A_628 = arith.addi %add3A_596, %squeeze3A_627 : i32
        %add3A_629 = arith.constant 16 : i32
        %add3A_630 = vector.broadcast %add3A_629 : i32 to vector<16xi32>
        %add3A_631 = arith.addi %add3A_599, %add3A_630 : vector<16xi32>
        %scan3A_632 = arith.constant 3 : i32
        %scan3A_633 = arith.addi %scan3A_536, %scan3A_632 : i32
        %mul3A_634 = arith.constant 16 : i32
        %mul3A_635 = arith.muli %scan3A_633, %mul3A_634 : i32
        %get3A_636 = arith.index_cast %mul3A_635 : i32 to index
        %get3A_637 = tpu.vector_load %arg8[%get3A_636] {strides = array<i32>} : memref<4096xf32, #tpu.memory_space<vmem>>, vector<16xf32>,
        %mul3A_638 = arith.constant 16 : i32
        %mul3A_639 = arith.muli %scan3A_633, %mul3A_638 : i32
        %add3A_640 = arith.constant 2048 : i32
        %add3A_641 = arith.addi %add3A_640, %mul3A_639 : i32
        %get3A_642 = arith.index_cast %add3A_641 : i32 to index
        %get3A_643 = tpu.vector_load %arg8[%get3A_642] {strides = array<i32>} : memref<4096xf32, #tpu.memory_space<vmem>>, vector<16xf32>,
        %le3A_644 = arith.cmpf ole, %get3A_637, %add3A_73 : vector<16xf32>
        %le3A_645 = arith.cmpf ole, %get3A_643, %add3A_73 : vector<16xf32>
        %swap3A_646 = arith.index_cast %add3A_625 : i32 to index
        %swap3A_647 = tpu.vector_load %arg10[%swap3A_646] masked %le3A_644 {strides = array<i32>} : memref<4128xi32, #tpu.memory_space<vmem>>, vector<16xi32>, vector<16xi1>
        tpu.vector_store %arg10[%swap3A_646], %add3A_631 masked %le3A_644 {strides = array<i32>} : memref<4128xi32, #tpu.memory_space<vmem>>, vector<16xi32>, vector<16xi1>
        %add3A_648 = arith.constant 2048 : i32
        %add3A_649 = vector.broadcast %add3A_648 : i32 to vector<16xi32>
        %add3A_650 = arith.addi %add3A_631, %add3A_649 : vector<16xi32>
        %swap3A_651 = arith.index_cast %add3A_628 : i32 to index
        %swap3A_652 = tpu.vector_load %arg11[%swap3A_651] masked %le3A_645 {strides = array<i32>} : memref<4128xi32, #tpu.memory_space<vmem>>, vector<16xi32>, vector<16xi1>
        tpu.vector_store %arg11[%swap3A_651], %add3A_650 masked %le3A_645 {strides = array<i32>} : memref<4128xi32, #tpu.memory_space<vmem>>, vector<16xi32>, vector<16xi1>
        %all_reduce_population_count3A_653 = tpu.all_reduce %le3A_644 {dim = 0 : i64, kind = #tpu.reduction_kind<sum>} : vector<16xi1> -> vector<16xi32>
        %all_reduce_population_count3A_654 = tpu.all_reduce %le3A_645 {dim = 0 : i64, kind = #tpu.reduction_kind<sum>} : vector<16xi1> -> vector<16xi32>
        %slice3A_655 = vector.extract_strided_slice %all_reduce_population_count3A_653 {offsets = [0], sizes = [1], strides = [1]} : vector<16xi32> to vector<1xi32>
        %squeeze3A_656 = vector.extract %slice3A_655[0] : i32 from vector<1xi32>
        %add3A_657 = arith.addi %add3A_625, %squeeze3A_656 : i32
        %slice3A_658 = vector.extract_strided_slice %all_reduce_population_count3A_654 {offsets = [0], sizes = [1], strides = [1]} : vector<16xi32> to vector<1xi32>
        %squeeze3A_659 = vector.extract %slice3A_658[0] : i32 from vector<1xi32>
        %add3A_660 = arith.addi %add3A_628, %squeeze3A_659 : i32
        %add3A_661 = arith.constant 16 : i32
        %add3A_662 = vector.broadcast %add3A_661 : i32 to vector<16xi32>
        %add3A_663 = arith.addi %add3A_631, %add3A_662 : vector<16xi32>
        %scan3A_664 = arith.constant 4 : i32
        %scan3A_665 = arith.addi %scan3A_536, %scan3A_664 : i32
        %mul3A_666 = arith.constant 16 : i32
        %mul3A_667 = arith.muli %scan3A_665, %mul3A_666 : i32
        %get3A_668 = arith.index_cast %mul3A_667 : i32 to index
        %get3A_669 = tpu.vector_load %arg8[%get3A_668] {strides = array<i32>} : memref<4096xf32, #tpu.memory_space<vmem>>, vector<16xf32>,
        %mul3A_670 = arith.constant 16 : i32
        %mul3A_671 = arith.muli %scan3A_665, %mul3A_670 : i32
        %add3A_672 = arith.constant 2048 : i32
        %add3A_673 = arith.addi %add3A_672, %mul3A_671 : i32
        %get3A_674 = arith.index_cast %add3A_673 : i32 to index
        %get3A_675 = tpu.vector_load %arg8[%get3A_674] {strides = array<i32>} : memref<4096xf32, #tpu.memory_space<vmem>>, vector<16xf32>,
        %le3A_676 = arith.cmpf ole, %get3A_669, %add3A_73 : vector<16xf32>
        %le3A_677 = arith.cmpf ole, %get3A_675, %add3A_73 : vector<16xf32>
        %swap3A_678 = arith.index_cast %add3A_657 : i32 to index
        %swap3A_679 = tpu.vector_load %arg10[%swap3A_678] masked %le3A_676 {strides = array<i32>} : memref<4128xi32, #tpu.memory_space<vmem>>, vector<16xi32>, vector<16xi1>
        tpu.vector_store %arg10[%swap3A_678], %add3A_663 masked %le3A_676 {strides = array<i32>} : memref<4128xi32, #tpu.memory_space<vmem>>, vector<16xi32>, vector<16xi1>
        %add3A_680 = arith.constant 2048 : i32
        %add3A_681 = vector.broadcast %add3A_680 : i32 to vector<16xi32>
        %add3A_682 = arith.addi %add3A_663, %add3A_681 : vector<16xi32>
        %swap3A_683 = arith.index_cast %add3A_660 : i32 to index
        %swap3A_684 = tpu.vector_load %arg11[%swap3A_683] masked %le3A_677 {strides = array<i32>} : memref<4128xi32, #tpu.memory_space<vmem>>, vector<16xi32>, vector<16xi1>
        tpu.vector_store %arg11[%swap3A_683], %add3A_682 masked %le3A_677 {strides = array<i32>} : memref<4128xi32, #tpu.memory_space<vmem>>, vector<16xi32>, vector<16xi1>
        %all_reduce_population_count3A_685 = tpu.all_reduce %le3A_676 {dim = 0 : i64, kind = #tpu.reduction_kind<sum>} : vector<16xi1> -> vector<16xi32>
        %all_reduce_population_count3A_686 = tpu.all_reduce %le3A_677 {dim = 0 : i64, kind = #tpu.reduction_kind<sum>} : vector<16xi1> -> vector<16xi32>
        %slice3A_687 = vector.extract_strided_slice %all_reduce_population_count3A_685 {offsets = [0], sizes = [1], strides = [1]} : vector<16xi32> to vector<1xi32>
        %squeeze3A_688 = vector.extract %slice3A_687[0] : i32 from vector<1xi32>
        %add3A_689 = arith.addi %add3A_657, %squeeze3A_688 : i32
        %slice3A_690 = vector.extract_strided_slice %all_reduce_population_count3A_686 {offsets = [0], sizes = [1], strides = [1]} : vector<16xi32> to vector<1xi32>
        %squeeze3A_691 = vector.extract %slice3A_690[0] : i32 from vector<1xi32>
        %add3A_692 = arith.addi %add3A_660, %squeeze3A_691 : i32
        %add3A_693 = arith.constant 16 : i32
        %add3A_694 = vector.broadcast %add3A_693 : i32 to vector<16xi32>
        %add3A_695 = arith.addi %add3A_663, %add3A_694 : vector<16xi32>
        %scan3A_696 = arith.constant 5 : i32
        %scan3A_697 = arith.addi %scan3A_536, %scan3A_696 : i32
        %mul3A_698 = arith.constant 16 : i32
        %mul3A_699 = arith.muli %scan3A_697, %mul3A_698 : i32
        %get3A_700 = arith.index_cast %mul3A_699 : i32 to index
        %get3A_701 = tpu.vector_load %arg8[%get3A_700] {strides = array<i32>} : memref<4096xf32, #tpu.memory_space<vmem>>, vector<16xf32>,
        %mul3A_702 = arith.constant 16 : i32
        %mul3A_703 = arith.muli %scan3A_697, %mul3A_702 : i32
        %add3A_704 = arith.constant 2048 : i32
        %add3A_705 = arith.addi %add3A_704, %mul3A_703 : i32
        %get3A_706 = arith.index_cast %add3A_705 : i32 to index
        %get3A_707 = tpu.vector_load %arg8[%get3A_706] {strides = array<i32>} : memref<4096xf32, #tpu.memory_space<vmem>>, vector<16xf32>,
        %le3A_708 = arith.cmpf ole, %get3A_701, %add3A_73 : vector<16xf32>
        %le3A_709 = arith.cmpf ole, %get3A_707, %add3A_73 : vector<16xf32>
        %swap3A_710 = arith.index_cast %add3A_689 : i32 to index
        %swap3A_711 = tpu.vector_load %arg10[%swap3A_710] masked %le3A_708 {strides = array<i32>} : memref<4128xi32, #tpu.memory_space<vmem>>, vector<16xi32>, vector<16xi1>
        tpu.vector_store %arg10[%swap3A_710], %add3A_695 masked %le3A_708 {strides = array<i32>} : memref<4128xi32, #tpu.memory_space<vmem>>, vector<16xi32>, vector<16xi1>
        %add3A_712 = arith.constant 2048 : i32
        %add3A_713 = vector.broadcast %add3A_712 : i32 to vector<16xi32>
        %add3A_714 = arith.addi %add3A_695, %add3A_713 : vector<16xi32>
        %swap3A_715 = arith.index_cast %add3A_692 : i32 to index
        %swap3A_716 = tpu.vector_load %arg11[%swap3A_715] masked %le3A_709 {strides = array<i32>} : memref<4128xi32, #tpu.memory_space<vmem>>, vector<16xi32>, vector<16xi1>
        tpu.vector_store %arg11[%swap3A_715], %add3A_714 masked %le3A_709 {strides = array<i32>} : memref<4128xi32, #tpu.memory_space<vmem>>, vector<16xi32>, vector<16xi1>
        %all_reduce_population_count3A_717 = tpu.all_reduce %le3A_708 {dim = 0 : i64, kind = #tpu.reduction_kind<sum>} : vector<16xi1> -> vector<16xi32>
        %all_reduce_population_count3A_718 = tpu.all_reduce %le3A_709 {dim = 0 : i64, kind = #tpu.reduction_kind<sum>} : vector<16xi1> -> vector<16xi32>
        %slice3A_719 = vector.extract_strided_slice %all_reduce_population_count3A_717 {offsets = [0], sizes = [1], strides = [1]} : vector<16xi32> to vector<1xi32>
        %squeeze3A_720 = vector.extract %slice3A_719[0] : i32 from vector<1xi32>
        %add3A_721 = arith.addi %add3A_689, %squeeze3A_720 : i32
        %slice3A_722 = vector.extract_strided_slice %all_reduce_population_count3A_718 {offsets = [0], sizes = [1], strides = [1]} : vector<16xi32> to vector<1xi32>
        %squeeze3A_723 = vector.extract %slice3A_722[0] : i32 from vector<1xi32>
        %add3A_724 = arith.addi %add3A_692, %squeeze3A_723 : i32
        %add3A_725 = arith.constant 16 : i32
        %add3A_726 = vector.broadcast %add3A_725 : i32 to vector<16xi32>
        %add3A_727 = arith.addi %add3A_695, %add3A_726 : vector<16xi32>
        %scan3A_728 = arith.constant 6 : i32
        %scan3A_729 = arith.addi %scan3A_536, %scan3A_728 : i32
        %mul3A_730 = arith.constant 16 : i32
        %mul3A_731 = arith.muli %scan3A_729, %mul3A_730 : i32
        %get3A_732 = arith.index_cast %mul3A_731 : i32 to index
        %get3A_733 = tpu.vector_load %arg8[%get3A_732] {strides = array<i32>} : memref<4096xf32, #tpu.memory_space<vmem>>, vector<16xf32>,
        %mul3A_734 = arith.constant 16 : i32
        %mul3A_735 = arith.muli %scan3A_729, %mul3A_734 : i32
        %add3A_736 = arith.constant 2048 : i32
        %add3A_737 = arith.addi %add3A_736, %mul3A_735 : i32
        %get3A_738 = arith.index_cast %add3A_737 : i32 to index
        %get3A_739 = tpu.vector_load %arg8[%get3A_738] {strides = array<i32>} : memref<4096xf32, #tpu.memory_space<vmem>>, vector<16xf32>,
        %le3A_740 = arith.cmpf ole, %get3A_733, %add3A_73 : vector<16xf32>
        %le3A_741 = arith.cmpf ole, %get3A_739, %add3A_73 : vector<16xf32>
        %swap3A_742 = arith.index_cast %add3A_721 : i32 to index
        %swap3A_743 = tpu.vector_load %arg10[%swap3A_742] masked %le3A_740 {strides = array<i32>} : memref<4128xi32, #tpu.memory_space<vmem>>, vector<16xi32>, vector<16xi1>
        tpu.vector_store %arg10[%swap3A_742], %add3A_727 masked %le3A_740 {strides = array<i32>} : memref<4128xi32, #tpu.memory_space<vmem>>, vector<16xi32>, vector<16xi1>
        %add3A_744 = arith.constant 2048 : i32
        %add3A_745 = vector.broadcast %add3A_744 : i32 to vector<16xi32>
        %add3A_746 = arith.addi %add3A_727, %add3A_745 : vector<16xi32>
        %swap3A_747 = arith.index_cast %add3A_724 : i32 to index
        %swap3A_748 = tpu.vector_load %arg11[%swap3A_747] masked %le3A_741 {strides = array<i32>} : memref<4128xi32, #tpu.memory_space<vmem>>, vector<16xi32>, vector<16xi1>
        tpu.vector_store %arg11[%swap3A_747], %add3A_746 masked %le3A_741 {strides = array<i32>} : memref<4128xi32, #tpu.memory_space<vmem>>, vector<16xi32>, vector<16xi1>
        %all_reduce_population_count3A_749 = tpu.all_reduce %le3A_740 {dim = 0 : i64, kind = #tpu.reduction_kind<sum>} : vector<16xi1> -> vector<16xi32>
        %all_reduce_population_count3A_750 = tpu.all_reduce %le3A_741 {dim = 0 : i64, kind = #tpu.reduction_kind<sum>} : vector<16xi1> -> vector<16xi32>
        %slice3A_751 = vector.extract_strided_slice %all_reduce_population_count3A_749 {offsets = [0], sizes = [1], strides = [1]} : vector<16xi32> to vector<1xi32>
        %squeeze3A_752 = vector.extract %slice3A_751[0] : i32 from vector<1xi32>
        %add3A_753 = arith.addi %add3A_721, %squeeze3A_752 : i32
        %slice3A_754 = vector.extract_strided_slice %all_reduce_population_count3A_750 {offsets = [0], sizes = [1], strides = [1]} : vector<16xi32> to vector<1xi32>
        %squeeze3A_755 = vector.extract %slice3A_754[0] : i32 from vector<1xi32>
        %add3A_756 = arith.addi %add3A_724, %squeeze3A_755 : i32
        %add3A_757 = arith.constant 16 : i32
        %add3A_758 = vector.broadcast %add3A_757 : i32 to vector<16xi32>
        %add3A_759 = arith.addi %add3A_727, %add3A_758 : vector<16xi32>
        %scan3A_760 = arith.constant 7 : i32
        %scan3A_761 = arith.addi %scan3A_536, %scan3A_760 : i32
        %mul3A_762 = arith.constant 16 : i32
        %mul3A_763 = arith.muli %scan3A_761, %mul3A_762 : i32
        %get3A_764 = arith.index_cast %mul3A_763 : i32 to index
        %get3A_765 = tpu.vector_load %arg8[%get3A_764] {strides = array<i32>} : memref<4096xf32, #tpu.memory_space<vmem>>, vector<16xf32>,
        %mul3A_766 = arith.constant 16 : i32
        %mul3A_767 = arith.muli %scan3A_761, %mul3A_766 : i32
        %add3A_768 = arith.constant 2048 : i32
        %add3A_769 = arith.addi %add3A_768, %mul3A_767 : i32
        %get3A_770 = arith.index_cast %add3A_769 : i32 to index
        %get3A_771 = tpu.vector_load %arg8[%get3A_770] {strides = array<i32>} : memref<4096xf32, #tpu.memory_space<vmem>>, vector<16xf32>,
        %le3A_772 = arith.cmpf ole, %get3A_765, %add3A_73 : vector<16xf32>
        %le3A_773 = arith.cmpf ole, %get3A_771, %add3A_73 : vector<16xf32>
        %swap3A_774 = arith.index_cast %add3A_753 : i32 to index
        %swap3A_775 = tpu.vector_load %arg10[%swap3A_774] masked %le3A_772 {strides = array<i32>} : memref<4128xi32, #tpu.memory_space<vmem>>, vector<16xi32>, vector<16xi1>
        tpu.vector_store %arg10[%swap3A_774], %add3A_759 masked %le3A_772 {strides = array<i32>} : memref<4128xi32, #tpu.memory_space<vmem>>, vector<16xi32>, vector<16xi1>
        %add3A_776 = arith.constant 2048 : i32
        %add3A_777 = vector.broadcast %add3A_776 : i32 to vector<16xi32>
        %add3A_778 = arith.addi %add3A_759, %add3A_777 : vector<16xi32>
        %swap3A_779 = arith.index_cast %add3A_756 : i32 to index
        %swap3A_780 = tpu.vector_load %arg11[%swap3A_779] masked %le3A_773 {strides = array<i32>} : memref<4128xi32, #tpu.memory_space<vmem>>, vector<16xi32>, vector<16xi1>
        tpu.vector_store %arg11[%swap3A_779], %add3A_778 masked %le3A_773 {strides = array<i32>} : memref<4128xi32, #tpu.memory_space<vmem>>, vector<16xi32>, vector<16xi1>
        %all_reduce_population_count3A_781 = tpu.all_reduce %le3A_772 {dim = 0 : i64, kind = #tpu.reduction_kind<sum>} : vector<16xi1> -> vector<16xi32>
        %all_reduce_population_count3A_782 = tpu.all_reduce %le3A_773 {dim = 0 : i64, kind = #tpu.reduction_kind<sum>} : vector<16xi1> -> vector<16xi32>
        %slice3A_783 = vector.extract_strided_slice %all_reduce_population_count3A_781 {offsets = [0], sizes = [1], strides = [1]} : vector<16xi32> to vector<1xi32>
        %squeeze3A_784 = vector.extract %slice3A_783[0] : i32 from vector<1xi32>
        %add3A_785 = arith.addi %add3A_753, %squeeze3A_784 : i32
        %slice3A_786 = vector.extract_strided_slice %all_reduce_population_count3A_782 {offsets = [0], sizes = [1], strides = [1]} : vector<16xi32> to vector<1xi32>
        %squeeze3A_787 = vector.extract %slice3A_786[0] : i32 from vector<1xi32>
        %add3A_788 = arith.addi %add3A_756, %squeeze3A_787 : i32
        %add3A_789 = arith.constant 16 : i32
        %add3A_790 = vector.broadcast %add3A_789 : i32 to vector<16xi32>
        %add3A_791 = arith.addi %add3A_759, %add3A_790 : vector<16xi32>
        scf.yield %add3A_785, %add3A_788, %add3A_791 : i32, i32, vector<16xi32>
      }
      %scan3A_81 = arith.constant 128 : i32
      %swap3A = arith.index_cast %scan3A_80#0 : i32 to index
      %swap3A_82 = tpu.vector_load %arg10[%swap3A] {strides = array<i32>} : memref<4128xi32, #tpu.memory_space<vmem>>, vector<16xi32>,
      tpu.vector_store %arg10[%swap3A], %broadcast_in_dim3A_23 {strides = array<i32>} : memref<4128xi32, #tpu.memory_space<vmem>>, vector<16xi32>,
      %swap3A_83 = arith.index_cast %scan3A_80#1 : i32 to index
      %swap3A_84 = tpu.vector_load %arg11[%swap3A_83] {strides = array<i32>} : memref<4128xi32, #tpu.memory_space<vmem>>, vector<16xi32>,
      tpu.vector_store %arg11[%swap3A_83], %broadcast_in_dim3A_23 {strides = array<i32>} : memref<4128xi32, #tpu.memory_space<vmem>>, vector<16xi32>,
      %add3A_85 = arith.constant 15 : i32
      %add3A_86 = arith.addi %scan3A_80#0, %add3A_85 : i32
      %jit3A_87 = arith.constant 16 : i32
      %div3A_88 = arith.divsi %add3A_86, %jit3A_87 : i32
      %sign3A_89 = arith.constant 0 : i32
      %sign3A_90 = arith.cmpi sgt, %add3A_86, %sign3A_89 : i32
      %sign3A_91 = arith.extui %sign3A_90 : i1 to i32
      %sign3A_92 = arith.constant 0 : i32
      %sign3A_93 = arith.cmpi slt, %add3A_86, %sign3A_92 : i32
      %sign3A_94 = arith.extui %sign3A_93 : i1 to i32
      %sign3A_95 = arith.subi %sign3A_91, %sign3A_94 : i32
      %sign3A_96 = arith.constant 0 : i32
      %sign3A_97 = arith.cmpi sgt, %jit3A_87, %sign3A_96 : i32
      %sign3A_98 = arith.extui %sign3A_97 : i1 to i32
      %sign3A_99 = arith.constant 0 : i32
      %sign3A_100 = arith.cmpi slt, %jit3A_87, %sign3A_99 : i32
      %sign3A_101 = arith.extui %sign3A_100 : i1 to i32
      %sign3A_102 = arith.subi %sign3A_98, %sign3A_101 : i32
      %ne3A_103 = arith.cmpi ne, %sign3A_95, %sign3A_102 : i32
      %rem3A_104 = arith.remsi %add3A_86, %jit3A_87 : i32
      %ne3A_105 = arith.constant 0 : i32
      %ne3A_106 = arith.cmpi ne, %rem3A_104, %ne3A_105 : i32
      %and3A_107 = arith.andi %ne3A_103, %ne3A_106 : i1
      %sub3A_108 = arith.constant 1 : i32
      %sub3A_109 = arith.subi %div3A_88, %sub3A_108 : i32
      %select_n3A_110 = arith.select %and3A_107, %sub3A_109, %div3A_88 : i32
      %add3A_111 = vector.broadcast %scan3A_80#0 : i32 to vector<16xi32>
      %add3A_112 = arith.addi %broadcast_in_dim3A_23, %add3A_111 : vector<16xi32>
      %while3A = arith.constant 0 : i32
      %while3A_113 = arith.subi %select_n3A_110, %while3A : i32
      %while3A_114 = arith.addi %while3A, %while3A_113 : i32
      %while3A_115 = arith.constant 1 : i32
      %while3A_116 = arith.divsi %while3A_113, %while3A_115 : i32
      %while3A_117 = arith.muli %while3A_116, %while3A_115 : i32
      %while3A_118 = arith.addi %while3A, %while3A_117 : i32
      %while3A_119 = arith.constant 1 : i32
      %while3A_120:4 = scf.for %while3A_536 = %while3A to %while3A_118 step %while3A_119 iter_args(%while3A_537 = %broadcast_in_dim3A_27, %while3A_538 = %broadcast_in_dim3A_27, %while3A_539 = %broadcast_in_dim3A_23, %while3A_540 = %broadcast_in_dim3A_23) -> (vector<16xf32>, vector<16xf32>, vector<16xi32>, vector<16xi32>)  : i32 {
        %mul3A_541 = arith.constant 16 : i32
        %mul3A_542 = arith.muli %while3A_536, %mul3A_541 : i32
        %get3A_543 = arith.index_cast %mul3A_542 : i32 to index
        %get3A_544 = tpu.vector_load %arg10[%get3A_543] {strides = array<i32>} : memref<4128xi32, #tpu.memory_space<vmem>>, vector<16xi32>,
        %gather3A_545 = tpu.vector_load_idx %arg8[%get3A_544] : memref<4096xf32, #tpu.memory_space<vmem>>[vector<16xi32>], vector<16xf32>,
        %mul3A_546 = arith.constant 16 : i32
        %mul3A_547 = arith.muli %while3A_536, %mul3A_546 : i32
        %add3A_548 = vector.broadcast %mul3A_547 : i32 to vector<16xi32>
        %add3A_549 = arith.addi %add3A_548, %iota3A : vector<16xi32>
        %lt3A_550 = arith.cmpi slt, %add3A_549, %add3A_112 : vector<16xi32>
        %select_n3A_551 = arith.select %lt3A_550, %gather3A_545, %broadcast_in_dim3A_27 : vector<16xi1>, vector<16xf32>
        %masked_sort3A = arith.constant dense<true> : vector<16xi1>
        %masked_sort3A_552, %masked_sort3A_553, %masked_sort3A_554 = tpu.sort %select_n3A_551, %get3A_544 masked %masked_sort3A : (vector<16xf32>, vector<16xi32>, vector<16xi1>) -> (vector<16xi1>, vector<16xf32>, vector<16xi32>)
        %rev3A = arith.constant 15 : i32
        %rev3A_555 = vector.broadcast %rev3A : i32 to vector<16xi32>
        %rev3A_556 = tpu.iota {dimensions = array<i32: 0>} : vector<16xi32>
        %rev3A_557 = arith.subi %rev3A_555, %rev3A_556 : vector<16xi32>
        %rev3A_558 = tpu.dynamic_gather %masked_sort3A_553[%rev3A_557] in [0] : vector<16xf32>, vector<16xi32> -> vector<16xf32>
        %rev3A_559 = arith.constant 15 : i32
        %rev3A_560 = vector.broadcast %rev3A_559 : i32 to vector<16xi32>
        %rev3A_561 = tpu.iota {dimensions = array<i32: 0>} : vector<16xi32>
        %rev3A_562 = arith.subi %rev3A_560, %rev3A_561 : vector<16xi32>
        %rev3A_563 = tpu.dynamic_gather %masked_sort3A_554[%rev3A_562] in [0] : vector<16xi32>, vector<16xi32> -> vector<16xi32>
        %le3A = arith.cmpf ole, %while3A_538, %rev3A_558 : vector<16xf32>
        %select_n3A_564 = arith.select %le3A, %while3A_538, %rev3A_558 : vector<16xi1>, vector<16xf32>
        %select_n3A_565 = arith.select %le3A, %while3A_540, %rev3A_563 : vector<16xi1>, vector<16xi32>
        %masked_sort3A_566 = arith.constant dense<true> : vector<16xi1>
        %masked_sort3A_567, %masked_sort3A_568, %masked_sort3A_569 = tpu.sort %select_n3A_564, %select_n3A_565 masked %masked_sort3A_566 : (vector<16xf32>, vector<16xi32>, vector<16xi1>) -> (vector<16xi1>, vector<16xf32>, vector<16xi32>)
        %rev3A_570 = arith.constant 15 : i32
        %rev3A_571 = vector.broadcast %rev3A_570 : i32 to vector<16xi32>
        %rev3A_572 = tpu.iota {dimensions = array<i32: 0>} : vector<16xi32>
        %rev3A_573 = arith.subi %rev3A_571, %rev3A_572 : vector<16xi32>
        %rev3A_574 = tpu.dynamic_gather %masked_sort3A_568[%rev3A_573] in [0] : vector<16xf32>, vector<16xi32> -> vector<16xf32>
        %rev3A_575 = arith.constant 15 : i32
        %rev3A_576 = vector.broadcast %rev3A_575 : i32 to vector<16xi32>
        %rev3A_577 = tpu.iota {dimensions = array<i32: 0>} : vector<16xi32>
        %rev3A_578 = arith.subi %rev3A_576, %rev3A_577 : vector<16xi32>
        %rev3A_579 = tpu.dynamic_gather %masked_sort3A_569[%rev3A_578] in [0] : vector<16xi32>, vector<16xi32> -> vector<16xi32>
        %le3A_580 = arith.cmpf ole, %while3A_537, %rev3A_574 : vector<16xf32>
        %select_n3A_581 = arith.select %le3A_580, %while3A_537, %rev3A_574 : vector<16xi1>, vector<16xf32>
        %select_n3A_582 = arith.select %le3A_580, %while3A_539, %rev3A_579 : vector<16xi1>, vector<16xi32>
        %select_n3A_583 = arith.select %le3A_580, %rev3A_574, %while3A_537 : vector<16xi1>, vector<16xf32>
        %select_n3A_584 = arith.select %le3A_580, %rev3A_579, %while3A_539 : vector<16xi1>, vector<16xi32>
        %masked_sort3A_585 = arith.constant dense<true> : vector<16xi1>
        %masked_sort3A_586, %masked_sort3A_587, %masked_sort3A_588 = tpu.sort %select_n3A_581, %select_n3A_582 masked %masked_sort3A_585 : (vector<16xf32>, vector<16xi32>, vector<16xi1>) -> (vector<16xi1>, vector<16xf32>, vector<16xi32>)
        %masked_sort3A_589 = arith.constant dense<true> : vector<16xi1>
        %masked_sort3A_590, %masked_sort3A_591, %masked_sort3A_592 = tpu.sort %select_n3A_583, %select_n3A_584 masked %masked_sort3A_589 : (vector<16xf32>, vector<16xi32>, vector<16xi1>) -> (vector<16xi1>, vector<16xf32>, vector<16xi32>)
        scf.yield %masked_sort3A_587, %masked_sort3A_591, %masked_sort3A_588, %masked_sort3A_592 : vector<16xf32>, vector<16xf32>, vector<16xi32>, vector<16xi32>
      }
      %while3A_121 = arith.constant 1 : i32
      %while3A_122:4 = scf.for %while3A_536 = %while3A_118 to %while3A_114 step %while3A_121 iter_args(%while3A_537 = %while3A_120#0, %while3A_538 = %while3A_120#1, %while3A_539 = %while3A_120#2, %while3A_540 = %while3A_120#3) -> (vector<16xf32>, vector<16xf32>, vector<16xi32>, vector<16xi32>)  : i32 {
        %mul3A_541 = arith.constant 16 : i32
        %mul3A_542 = arith.muli %while3A_536, %mul3A_541 : i32
        %get3A_543 = arith.index_cast %mul3A_542 : i32 to index
        %get3A_544 = tpu.vector_load %arg10[%get3A_543] {strides = array<i32>} : memref<4128xi32, #tpu.memory_space<vmem>>, vector<16xi32>,
        %gather3A_545 = tpu.vector_load_idx %arg8[%get3A_544] : memref<4096xf32, #tpu.memory_space<vmem>>[vector<16xi32>], vector<16xf32>,
        %mul3A_546 = arith.constant 16 : i32
        %mul3A_547 = arith.muli %while3A_536, %mul3A_546 : i32
        %add3A_548 = vector.broadcast %mul3A_547 : i32 to vector<16xi32>
        %add3A_549 = arith.addi %add3A_548, %iota3A : vector<16xi32>
        %lt3A_550 = arith.cmpi slt, %add3A_549, %add3A_112 : vector<16xi32>
        %select_n3A_551 = arith.select %lt3A_550, %gather3A_545, %broadcast_in_dim3A_27 : vector<16xi1>, vector<16xf32>
        %masked_sort3A = arith.constant dense<true> : vector<16xi1>
        %masked_sort3A_552, %masked_sort3A_553, %masked_sort3A_554 = tpu.sort %select_n3A_551, %get3A_544 masked %masked_sort3A : (vector<16xf32>, vector<16xi32>, vector<16xi1>) -> (vector<16xi1>, vector<16xf32>, vector<16xi32>)
        %rev3A = arith.constant 15 : i32
        %rev3A_555 = vector.broadcast %rev3A : i32 to vector<16xi32>
        %rev3A_556 = tpu.iota {dimensions = array<i32: 0>} : vector<16xi32>
        %rev3A_557 = arith.subi %rev3A_555, %rev3A_556 : vector<16xi32>
        %rev3A_558 = tpu.dynamic_gather %masked_sort3A_553[%rev3A_557] in [0] : vector<16xf32>, vector<16xi32> -> vector<16xf32>
        %rev3A_559 = arith.constant 15 : i32
        %rev3A_560 = vector.broadcast %rev3A_559 : i32 to vector<16xi32>
        %rev3A_561 = tpu.iota {dimensions = array<i32: 0>} : vector<16xi32>
        %rev3A_562 = arith.subi %rev3A_560, %rev3A_561 : vector<16xi32>
        %rev3A_563 = tpu.dynamic_gather %masked_sort3A_554[%rev3A_562] in [0] : vector<16xi32>, vector<16xi32> -> vector<16xi32>
        %le3A = arith.cmpf ole, %while3A_538, %rev3A_558 : vector<16xf32>
        %select_n3A_564 = arith.select %le3A, %while3A_538, %rev3A_558 : vector<16xi1>, vector<16xf32>
        %select_n3A_565 = arith.select %le3A, %while3A_540, %rev3A_563 : vector<16xi1>, vector<16xi32>
        %masked_sort3A_566 = arith.constant dense<true> : vector<16xi1>
        %masked_sort3A_567, %masked_sort3A_568, %masked_sort3A_569 = tpu.sort %select_n3A_564, %select_n3A_565 masked %masked_sort3A_566 : (vector<16xf32>, vector<16xi32>, vector<16xi1>) -> (vector<16xi1>, vector<16xf32>, vector<16xi32>)
        %rev3A_570 = arith.constant 15 : i32
        %rev3A_571 = vector.broadcast %rev3A_570 : i32 to vector<16xi32>
        %rev3A_572 = tpu.iota {dimensions = array<i32: 0>} : vector<16xi32>
        %rev3A_573 = arith.subi %rev3A_571, %rev3A_572 : vector<16xi32>
        %rev3A_574 = tpu.dynamic_gather %masked_sort3A_568[%rev3A_573] in [0] : vector<16xf32>, vector<16xi32> -> vector<16xf32>
        %rev3A_575 = arith.constant 15 : i32
        %rev3A_576 = vector.broadcast %rev3A_575 : i32 to vector<16xi32>
        %rev3A_577 = tpu.iota {dimensions = array<i32: 0>} : vector<16xi32>
        %rev3A_578 = arith.subi %rev3A_576, %rev3A_577 : vector<16xi32>
        %rev3A_579 = tpu.dynamic_gather %masked_sort3A_569[%rev3A_578] in [0] : vector<16xi32>, vector<16xi32> -> vector<16xi32>
        %le3A_580 = arith.cmpf ole, %while3A_537, %rev3A_574 : vector<16xf32>
        %select_n3A_581 = arith.select %le3A_580, %while3A_537, %rev3A_574 : vector<16xi1>, vector<16xf32>
        %select_n3A_582 = arith.select %le3A_580, %while3A_539, %rev3A_579 : vector<16xi1>, vector<16xi32>
        %select_n3A_583 = arith.select %le3A_580, %rev3A_574, %while3A_537 : vector<16xi1>, vector<16xf32>
        %select_n3A_584 = arith.select %le3A_580, %rev3A_579, %while3A_539 : vector<16xi1>, vector<16xi32>
        %masked_sort3A_585 = arith.constant dense<true> : vector<16xi1>
        %masked_sort3A_586, %masked_sort3A_587, %masked_sort3A_588 = tpu.sort %select_n3A_581, %select_n3A_582 masked %masked_sort3A_585 : (vector<16xf32>, vector<16xi32>, vector<16xi1>) -> (vector<16xi1>, vector<16xf32>, vector<16xi32>)
        %masked_sort3A_589 = arith.constant dense<true> : vector<16xi1>
        %masked_sort3A_590, %masked_sort3A_591, %masked_sort3A_592 = tpu.sort %select_n3A_583, %select_n3A_584 masked %masked_sort3A_589 : (vector<16xf32>, vector<16xi32>, vector<16xi1>) -> (vector<16xi1>, vector<16xf32>, vector<16xi32>)
        scf.yield %masked_sort3A_587, %masked_sort3A_591, %masked_sort3A_588, %masked_sort3A_592 : vector<16xf32>, vector<16xf32>, vector<16xi32>, vector<16xi32>
      }
      %add3A_123 = arith.constant 15 : i32
      %add3A_124 = arith.addi %scan3A_80#1, %add3A_123 : i32
      %jit3A_125 = arith.constant 16 : i32
      %div3A_126 = arith.divsi %add3A_124, %jit3A_125 : i32
      %sign3A_127 = arith.constant 0 : i32
      %sign3A_128 = arith.cmpi sgt, %add3A_124, %sign3A_127 : i32
      %sign3A_129 = arith.extui %sign3A_128 : i1 to i32
      %sign3A_130 = arith.constant 0 : i32
      %sign3A_131 = arith.cmpi slt, %add3A_124, %sign3A_130 : i32
      %sign3A_132 = arith.extui %sign3A_131 : i1 to i32
      %sign3A_133 = arith.subi %sign3A_129, %sign3A_132 : i32
      %sign3A_134 = arith.constant 0 : i32
      %sign3A_135 = arith.cmpi sgt, %jit3A_125, %sign3A_134 : i32
      %sign3A_136 = arith.extui %sign3A_135 : i1 to i32
      %sign3A_137 = arith.constant 0 : i32
      %sign3A_138 = arith.cmpi slt, %jit3A_125, %sign3A_137 : i32
      %sign3A_139 = arith.extui %sign3A_138 : i1 to i32
      %sign3A_140 = arith.subi %sign3A_136, %sign3A_139 : i32
      %ne3A_141 = arith.cmpi ne, %sign3A_133, %sign3A_140 : i32
      %rem3A_142 = arith.remsi %add3A_124, %jit3A_125 : i32
      %ne3A_143 = arith.constant 0 : i32
      %ne3A_144 = arith.cmpi ne, %rem3A_142, %ne3A_143 : i32
      %and3A_145 = arith.andi %ne3A_141, %ne3A_144 : i1
      %sub3A_146 = arith.constant 1 : i32
      %sub3A_147 = arith.subi %div3A_126, %sub3A_146 : i32
      %select_n3A_148 = arith.select %and3A_145, %sub3A_147, %div3A_126 : i32
      %add3A_149 = vector.broadcast %scan3A_80#1 : i32 to vector<16xi32>
      %add3A_150 = arith.addi %broadcast_in_dim3A_23, %add3A_149 : vector<16xi32>
      %while3A_151 = arith.constant 0 : i32
      %while3A_152 = arith.subi %select_n3A_148, %while3A_151 : i32
      %while3A_153 = arith.addi %while3A_151, %while3A_152 : i32
      %while3A_154 = arith.constant 1 : i32
      %while3A_155 = arith.divsi %while3A_152, %while3A_154 : i32
      %while3A_156 = arith.muli %while3A_155, %while3A_154 : i32
      %while3A_157 = arith.addi %while3A_151, %while3A_156 : i32
      %while3A_158 = arith.constant 1 : i32
      %while3A_159:4 = scf.for %while3A_536 = %while3A_151 to %while3A_157 step %while3A_158 iter_args(%while3A_537 = %while3A_122#0, %while3A_538 = %while3A_122#1, %while3A_539 = %while3A_122#2, %while3A_540 = %while3A_122#3) -> (vector<16xf32>, vector<16xf32>, vector<16xi32>, vector<16xi32>)  : i32 {
        %mul3A_541 = arith.constant 16 : i32
        %mul3A_542 = arith.muli %while3A_536, %mul3A_541 : i32
        %get3A_543 = arith.index_cast %mul3A_542 : i32 to index
        %get3A_544 = tpu.vector_load %arg11[%get3A_543] {strides = array<i32>} : memref<4128xi32, #tpu.memory_space<vmem>>, vector<16xi32>,
        %gather3A_545 = tpu.vector_load_idx %arg8[%get3A_544] : memref<4096xf32, #tpu.memory_space<vmem>>[vector<16xi32>], vector<16xf32>,
        %mul3A_546 = arith.constant 16 : i32
        %mul3A_547 = arith.muli %while3A_536, %mul3A_546 : i32
        %add3A_548 = vector.broadcast %mul3A_547 : i32 to vector<16xi32>
        %add3A_549 = arith.addi %add3A_548, %iota3A : vector<16xi32>
        %lt3A_550 = arith.cmpi slt, %add3A_549, %add3A_150 : vector<16xi32>
        %select_n3A_551 = arith.select %lt3A_550, %gather3A_545, %broadcast_in_dim3A_27 : vector<16xi1>, vector<16xf32>
        %masked_sort3A = arith.constant dense<true> : vector<16xi1>
        %masked_sort3A_552, %masked_sort3A_553, %masked_sort3A_554 = tpu.sort %select_n3A_551, %get3A_544 masked %masked_sort3A : (vector<16xf32>, vector<16xi32>, vector<16xi1>) -> (vector<16xi1>, vector<16xf32>, vector<16xi32>)
        %rev3A = arith.constant 15 : i32
        %rev3A_555 = vector.broadcast %rev3A : i32 to vector<16xi32>
        %rev3A_556 = tpu.iota {dimensions = array<i32: 0>} : vector<16xi32>
        %rev3A_557 = arith.subi %rev3A_555, %rev3A_556 : vector<16xi32>
        %rev3A_558 = tpu.dynamic_gather %masked_sort3A_553[%rev3A_557] in [0] : vector<16xf32>, vector<16xi32> -> vector<16xf32>
        %rev3A_559 = arith.constant 15 : i32
        %rev3A_560 = vector.broadcast %rev3A_559 : i32 to vector<16xi32>
        %rev3A_561 = tpu.iota {dimensions = array<i32: 0>} : vector<16xi32>
        %rev3A_562 = arith.subi %rev3A_560, %rev3A_561 : vector<16xi32>
        %rev3A_563 = tpu.dynamic_gather %masked_sort3A_554[%rev3A_562] in [0] : vector<16xi32>, vector<16xi32> -> vector<16xi32>
        %le3A = arith.cmpf ole, %while3A_538, %rev3A_558 : vector<16xf32>
        %select_n3A_564 = arith.select %le3A, %while3A_538, %rev3A_558 : vector<16xi1>, vector<16xf32>
        %select_n3A_565 = arith.select %le3A, %while3A_540, %rev3A_563 : vector<16xi1>, vector<16xi32>
        %masked_sort3A_566 = arith.constant dense<true> : vector<16xi1>
        %masked_sort3A_567, %masked_sort3A_568, %masked_sort3A_569 = tpu.sort %select_n3A_564, %select_n3A_565 masked %masked_sort3A_566 : (vector<16xf32>, vector<16xi32>, vector<16xi1>) -> (vector<16xi1>, vector<16xf32>, vector<16xi32>)
        %rev3A_570 = arith.constant 15 : i32
        %rev3A_571 = vector.broadcast %rev3A_570 : i32 to vector<16xi32>
        %rev3A_572 = tpu.iota {dimensions = array<i32: 0>} : vector<16xi32>
        %rev3A_573 = arith.subi %rev3A_571, %rev3A_572 : vector<16xi32>
        %rev3A_574 = tpu.dynamic_gather %masked_sort3A_568[%rev3A_573] in [0] : vector<16xf32>, vector<16xi32> -> vector<16xf32>
        %rev3A_575 = arith.constant 15 : i32
        %rev3A_576 = vector.broadcast %rev3A_575 : i32 to vector<16xi32>
        %rev3A_577 = tpu.iota {dimensions = array<i32: 0>} : vector<16xi32>
        %rev3A_578 = arith.subi %rev3A_576, %rev3A_577 : vector<16xi32>
        %rev3A_579 = tpu.dynamic_gather %masked_sort3A_569[%rev3A_578] in [0] : vector<16xi32>, vector<16xi32> -> vector<16xi32>
        %le3A_580 = arith.cmpf ole, %while3A_537, %rev3A_574 : vector<16xf32>
        %select_n3A_581 = arith.select %le3A_580, %while3A_537, %rev3A_574 : vector<16xi1>, vector<16xf32>
        %select_n3A_582 = arith.select %le3A_580, %while3A_539, %rev3A_579 : vector<16xi1>, vector<16xi32>
        %select_n3A_583 = arith.select %le3A_580, %rev3A_574, %while3A_537 : vector<16xi1>, vector<16xf32>
        %select_n3A_584 = arith.select %le3A_580, %rev3A_579, %while3A_539 : vector<16xi1>, vector<16xi32>
        %masked_sort3A_585 = arith.constant dense<true> : vector<16xi1>
        %masked_sort3A_586, %masked_sort3A_587, %masked_sort3A_588 = tpu.sort %select_n3A_581, %select_n3A_582 masked %masked_sort3A_585 : (vector<16xf32>, vector<16xi32>, vector<16xi1>) -> (vector<16xi1>, vector<16xf32>, vector<16xi32>)
        %masked_sort3A_589 = arith.constant dense<true> : vector<16xi1>
        %masked_sort3A_590, %masked_sort3A_591, %masked_sort3A_592 = tpu.sort %select_n3A_583, %select_n3A_584 masked %masked_sort3A_589 : (vector<16xf32>, vector<16xi32>, vector<16xi1>) -> (vector<16xi1>, vector<16xf32>, vector<16xi32>)
        scf.yield %masked_sort3A_587, %masked_sort3A_591, %masked_sort3A_588, %masked_sort3A_592 : vector<16xf32>, vector<16xf32>, vector<16xi32>, vector<16xi32>
      }
      %while3A_160 = arith.constant 1 : i32
      %while3A_161:4 = scf.for %while3A_536 = %while3A_157 to %while3A_153 step %while3A_160 iter_args(%while3A_537 = %while3A_159#0, %while3A_538 = %while3A_159#1, %while3A_539 = %while3A_159#2, %while3A_540 = %while3A_159#3) -> (vector<16xf32>, vector<16xf32>, vector<16xi32>, vector<16xi32>)  : i32 {
        %mul3A_541 = arith.constant 16 : i32
        %mul3A_542 = arith.muli %while3A_536, %mul3A_541 : i32
        %get3A_543 = arith.index_cast %mul3A_542 : i32 to index
        %get3A_544 = tpu.vector_load %arg11[%get3A_543] {strides = array<i32>} : memref<4128xi32, #tpu.memory_space<vmem>>, vector<16xi32>,
        %gather3A_545 = tpu.vector_load_idx %arg8[%get3A_544] : memref<4096xf32, #tpu.memory_space<vmem>>[vector<16xi32>], vector<16xf32>,
        %mul3A_546 = arith.constant 16 : i32
        %mul3A_547 = arith.muli %while3A_536, %mul3A_546 : i32
        %add3A_548 = vector.broadcast %mul3A_547 : i32 to vector<16xi32>
        %add3A_549 = arith.addi %add3A_548, %iota3A : vector<16xi32>
        %lt3A_550 = arith.cmpi slt, %add3A_549, %add3A_150 : vector<16xi32>
        %select_n3A_551 = arith.select %lt3A_550, %gather3A_545, %broadcast_in_dim3A_27 : vector<16xi1>, vector<16xf32>
        %masked_sort3A = arith.constant dense<true> : vector<16xi1>
        %masked_sort3A_552, %masked_sort3A_553, %masked_sort3A_554 = tpu.sort %select_n3A_551, %get3A_544 masked %masked_sort3A : (vector<16xf32>, vector<16xi32>, vector<16xi1>) -> (vector<16xi1>, vector<16xf32>, vector<16xi32>)
        %rev3A = arith.constant 15 : i32
        %rev3A_555 = vector.broadcast %rev3A : i32 to vector<16xi32>
        %rev3A_556 = tpu.iota {dimensions = array<i32: 0>} : vector<16xi32>
        %rev3A_557 = arith.subi %rev3A_555, %rev3A_556 : vector<16xi32>
        %rev3A_558 = tpu.dynamic_gather %masked_sort3A_553[%rev3A_557] in [0] : vector<16xf32>, vector<16xi32> -> vector<16xf32>
        %rev3A_559 = arith.constant 15 : i32
        %rev3A_560 = vector.broadcast %rev3A_559 : i32 to vector<16xi32>
        %rev3A_561 = tpu.iota {dimensions = array<i32: 0>} : vector<16xi32>
        %rev3A_562 = arith.subi %rev3A_560, %rev3A_561 : vector<16xi32>
        %rev3A_563 = tpu.dynamic_gather %masked_sort3A_554[%rev3A_562] in [0] : vector<16xi32>, vector<16xi32> -> vector<16xi32>
        %le3A = arith.cmpf ole, %while3A_538, %rev3A_558 : vector<16xf32>
        %select_n3A_564 = arith.select %le3A, %while3A_538, %rev3A_558 : vector<16xi1>, vector<16xf32>
        %select_n3A_565 = arith.select %le3A, %while3A_540, %rev3A_563 : vector<16xi1>, vector<16xi32>
        %masked_sort3A_566 = arith.constant dense<true> : vector<16xi1>
        %masked_sort3A_567, %masked_sort3A_568, %masked_sort3A_569 = tpu.sort %select_n3A_564, %select_n3A_565 masked %masked_sort3A_566 : (vector<16xf32>, vector<16xi32>, vector<16xi1>) -> (vector<16xi1>, vector<16xf32>, vector<16xi32>)
        %rev3A_570 = arith.constant 15 : i32
        %rev3A_571 = vector.broadcast %rev3A_570 : i32 to vector<16xi32>
        %rev3A_572 = tpu.iota {dimensions = array<i32: 0>} : vector<16xi32>
        %rev3A_573 = arith.subi %rev3A_571, %rev3A_572 : vector<16xi32>
        %rev3A_574 = tpu.dynamic_gather %masked_sort3A_568[%rev3A_573] in [0] : vector<16xf32>, vector<16xi32> -> vector<16xf32>
        %rev3A_575 = arith.constant 15 : i32
        %rev3A_576 = vector.broadcast %rev3A_575 : i32 to vector<16xi32>
        %rev3A_577 = tpu.iota {dimensions = array<i32: 0>} : vector<16xi32>
        %rev3A_578 = arith.subi %rev3A_576, %rev3A_577 : vector<16xi32>
        %rev3A_579 = tpu.dynamic_gather %masked_sort3A_569[%rev3A_578] in [0] : vector<16xi32>, vector<16xi32> -> vector<16xi32>
        %le3A_580 = arith.cmpf ole, %while3A_537, %rev3A_574 : vector<16xf32>
        %select_n3A_581 = arith.select %le3A_580, %while3A_537, %rev3A_574 : vector<16xi1>, vector<16xf32>
        %select_n3A_582 = arith.select %le3A_580, %while3A_539, %rev3A_579 : vector<16xi1>, vector<16xi32>
        %select_n3A_583 = arith.select %le3A_580, %rev3A_574, %while3A_537 : vector<16xi1>, vector<16xf32>
        %select_n3A_584 = arith.select %le3A_580, %rev3A_579, %while3A_539 : vector<16xi1>, vector<16xi32>
        %masked_sort3A_585 = arith.constant dense<true> : vector<16xi1>
        %masked_sort3A_586, %masked_sort3A_587, %masked_sort3A_588 = tpu.sort %select_n3A_581, %select_n3A_582 masked %masked_sort3A_585 : (vector<16xf32>, vector<16xi32>, vector<16xi1>) -> (vector<16xi1>, vector<16xf32>, vector<16xi32>)
        %masked_sort3A_589 = arith.constant dense<true> : vector<16xi1>
        %masked_sort3A_590, %masked_sort3A_591, %masked_sort3A_592 = tpu.sort %select_n3A_583, %select_n3A_584 masked %masked_sort3A_589 : (vector<16xf32>, vector<16xi32>, vector<16xi1>) -> (vector<16xi1>, vector<16xf32>, vector<16xi32>)
        scf.yield %masked_sort3A_587, %masked_sort3A_591, %masked_sort3A_588, %masked_sort3A_592 : vector<16xf32>, vector<16xf32>, vector<16xi32>, vector<16xi32>
      }
      %mul3A_162 = arith.constant 4096 : i32
      %mul3A_163 = arith.muli %select_n3A, %mul3A_162 : i32
      %sub3A_164 = arith.subi %mul3A_18, %mul3A_163 : i32
      %add3A_165 = arith.addi %sub3A_164, %add3A_63 : i32
      %mul3A_166 = arith.constant 3 : i32
      %mul3A_167 = arith.muli %add3A_165, %mul3A_166 : i32
      %add3A_168 = arith.constant 0 : i32
      %add3A_169 = arith.addi %mul3A_167, %add3A_168 : i32
      %add3A_170 = vector.broadcast %add3A_169 : i32 to vector<16xi32>
      %add3A_171 = arith.addi %broadcast_in_dim3A_23, %add3A_170 : vector<16xi32>
      %gather3A = tpu.vector_load_idx %arg13[%add3A_171] : memref<12288xf32, #tpu.memory_space<vmem>>[vector<16xi32>], vector<16xf32>,
      %add3A_172 = arith.constant 1 : i32
      %add3A_173 = arith.addi %mul3A_167, %add3A_172 : i32
      %add3A_174 = vector.broadcast %add3A_173 : i32 to vector<16xi32>
      %add3A_175 = arith.addi %broadcast_in_dim3A_23, %add3A_174 : vector<16xi32>
      %gather3A_176 = tpu.vector_load_idx %arg13[%add3A_175] : memref<12288xf32, #tpu.memory_space<vmem>>[vector<16xi32>], vector<16xf32>,
      %add3A_177 = arith.constant 2 : i32
      %add3A_178 = arith.addi %mul3A_167, %add3A_177 : i32
      %add3A_179 = vector.broadcast %add3A_178 : i32 to vector<16xi32>
      %add3A_180 = arith.addi %broadcast_in_dim3A_23, %add3A_179 : vector<16xi32>
      %gather3A_181 = tpu.vector_load_idx %arg13[%add3A_180] : memref<12288xf32, #tpu.memory_space<vmem>>[vector<16xi32>], vector<16xf32>,
      %mul3A_182 = arith.constant 32 : i32
      %mul3A_183 = arith.muli %add3A_63, %mul3A_182 : i32
      %add3A_184 = arith.constant 0 : i32
      %add3A_185 = arith.addi %mul3A_183, %add3A_184 : i32
      %mul3A_186 = arith.constant 3 : i32
      %mul3A_187 = arith.muli %add3A_185, %mul3A_186 : i32
      %mul3A_188 = arith.constant 3 : i32
      %mul3A_189 = vector.broadcast %mul3A_188 : i32 to vector<16xi32>
      %mul3A_190 = arith.muli %iota3A, %mul3A_189 : vector<16xi32>
      %add3A_191 = vector.broadcast %mul3A_187 : i32 to vector<16xi32>
      %add3A_192 = arith.addi %add3A_191, %mul3A_190 : vector<16xi32>
      %mul3A_193 = arith.constant 3 : i32
      %mul3A_194 = vector.broadcast %mul3A_193 : i32 to vector<16xi32>
      %mul3A_195 = arith.muli %while3A_161#2, %mul3A_194 : vector<16xi32>
      %add3A_196 = arith.constant 0 : i32
      %add3A_197 = vector.broadcast %add3A_196 : i32 to vector<16xi32>
      %add3A_198 = arith.addi %mul3A_195, %add3A_197 : vector<16xi32>
      %gather3A_199 = tpu.vector_load_idx %arg13[%add3A_198] : memref<12288xf32, #tpu.memory_space<vmem>>[vector<16xi32>], vector<16xf32>,
      %add3A_200 = arith.constant 0 : i32
      %add3A_201 = vector.broadcast %add3A_200 : i32 to vector<16xi32>
      %add3A_202 = arith.addi %add3A_192, %add3A_201 : vector<16xi32>
      %sub3A_203 = arith.subf %gather3A_199, %gather3A : vector<16xf32>
      tpu.vector_store_idx %arg14[%add3A_202], %sub3A_203 : memref<49152xf32, #tpu.memory_space<vmem>>[vector<16xi32>], vector<16xf32>,
      %mul3A_204 = arith.constant 3 : i32
      %mul3A_205 = vector.broadcast %mul3A_204 : i32 to vector<16xi32>
      %mul3A_206 = arith.muli %while3A_161#2, %mul3A_205 : vector<16xi32>
      %add3A_207 = arith.constant 1 : i32
      %add3A_208 = vector.broadcast %add3A_207 : i32 to vector<16xi32>
      %add3A_209 = arith.addi %mul3A_206, %add3A_208 : vector<16xi32>
      %gather3A_210 = tpu.vector_load_idx %arg13[%add3A_209] : memref<12288xf32, #tpu.memory_space<vmem>>[vector<16xi32>], vector<16xf32>,
      %add3A_211 = arith.constant 1 : i32
      %add3A_212 = vector.broadcast %add3A_211 : i32 to vector<16xi32>
      %add3A_213 = arith.addi %add3A_192, %add3A_212 : vector<16xi32>
      %sub3A_214 = arith.subf %gather3A_210, %gather3A_176 : vector<16xf32>
      tpu.vector_store_idx %arg14[%add3A_213], %sub3A_214 : memref<49152xf32, #tpu.memory_space<vmem>>[vector<16xi32>], vector<16xf32>,
      %mul3A_215 = arith.constant 3 : i32
      %mul3A_216 = vector.broadcast %mul3A_215 : i32 to vector<16xi32>
      %mul3A_217 = arith.muli %while3A_161#2, %mul3A_216 : vector<16xi32>
      %add3A_218 = arith.constant 2 : i32
      %add3A_219 = vector.broadcast %add3A_218 : i32 to vector<16xi32>
      %add3A_220 = arith.addi %mul3A_217, %add3A_219 : vector<16xi32>
      %gather3A_221 = tpu.vector_load_idx %arg13[%add3A_220] : memref<12288xf32, #tpu.memory_space<vmem>>[vector<16xi32>], vector<16xf32>,
      %add3A_222 = arith.constant 2 : i32
      %add3A_223 = vector.broadcast %add3A_222 : i32 to vector<16xi32>
      %add3A_224 = arith.addi %add3A_192, %add3A_223 : vector<16xi32>
      %sub3A_225 = arith.subf %gather3A_221, %gather3A_181 : vector<16xf32>
      tpu.vector_store_idx %arg14[%add3A_224], %sub3A_225 : memref<49152xf32, #tpu.memory_space<vmem>>[vector<16xi32>], vector<16xf32>,
      %add3A_226 = vector.broadcast %mul3A_22 : i32 to vector<16xi32>
      %add3A_227 = arith.addi %while3A_161#2, %add3A_226 : vector<16xi32>
      %swap3A_228 = arith.constant 0 : index
      %swap3A_229 = tpu.vector_load %arg15[%swap3A_228] {strides = array<i32>} : memref<32xi32, #tpu.memory_space<vmem>>, vector<16xi32>,
      tpu.vector_store %arg15[%swap3A_228], %add3A_227 {strides = array<i32>} : memref<32xi32, #tpu.memory_space<vmem>>, vector<16xi32>,
      %mul3A_230 = arith.constant 32 : i32
      %mul3A_231 = arith.muli %add3A_63, %mul3A_230 : i32
      %add3A_232 = arith.constant 16 : i32
      %add3A_233 = arith.addi %mul3A_231, %add3A_232 : i32
      %mul3A_234 = arith.constant 3 : i32
      %mul3A_235 = arith.muli %add3A_233, %mul3A_234 : i32
      %mul3A_236 = arith.constant 3 : i32
      %mul3A_237 = vector.broadcast %mul3A_236 : i32 to vector<16xi32>
      %mul3A_238 = arith.muli %iota3A, %mul3A_237 : vector<16xi32>
      %add3A_239 = vector.broadcast %mul3A_235 : i32 to vector<16xi32>
      %add3A_240 = arith.addi %add3A_239, %mul3A_238 : vector<16xi32>
      %mul3A_241 = arith.constant 3 : i32
      %mul3A_242 = vector.broadcast %mul3A_241 : i32 to vector<16xi32>
      %mul3A_243 = arith.muli %while3A_161#3, %mul3A_242 : vector<16xi32>
      %add3A_244 = arith.constant 0 : i32
      %add3A_245 = vector.broadcast %add3A_244 : i32 to vector<16xi32>
      %add3A_246 = arith.addi %mul3A_243, %add3A_245 : vector<16xi32>
      %gather3A_247 = tpu.vector_load_idx %arg13[%add3A_246] : memref<12288xf32, #tpu.memory_space<vmem>>[vector<16xi32>], vector<16xf32>,
      %add3A_248 = arith.constant 0 : i32
      %add3A_249 = vector.broadcast %add3A_248 : i32 to vector<16xi32>
      %add3A_250 = arith.addi %add3A_240, %add3A_249 : vector<16xi32>
      %sub3A_251 = arith.subf %gather3A_247, %gather3A : vector<16xf32>
      tpu.vector_store_idx %arg14[%add3A_250], %sub3A_251 : memref<49152xf32, #tpu.memory_space<vmem>>[vector<16xi32>], vector<16xf32>,
      %mul3A_252 = arith.constant 3 : i32
      %mul3A_253 = vector.broadcast %mul3A_252 : i32 to vector<16xi32>
      %mul3A_254 = arith.muli %while3A_161#3, %mul3A_253 : vector<16xi32>
      %add3A_255 = arith.constant 1 : i32
      %add3A_256 = vector.broadcast %add3A_255 : i32 to vector<16xi32>
      %add3A_257 = arith.addi %mul3A_254, %add3A_256 : vector<16xi32>
      %gather3A_258 = tpu.vector_load_idx %arg13[%add3A_257] : memref<12288xf32, #tpu.memory_space<vmem>>[vector<16xi32>], vector<16xf32>,
      %add3A_259 = arith.constant 1 : i32
      %add3A_260 = vector.broadcast %add3A_259 : i32 to vector<16xi32>
      %add3A_261 = arith.addi %add3A_240, %add3A_260 : vector<16xi32>
      %sub3A_262 = arith.subf %gather3A_258, %gather3A_176 : vector<16xf32>
      tpu.vector_store_idx %arg14[%add3A_261], %sub3A_262 : memref<49152xf32, #tpu.memory_space<vmem>>[vector<16xi32>], vector<16xf32>,
      %mul3A_263 = arith.constant 3 : i32
      %mul3A_264 = vector.broadcast %mul3A_263 : i32 to vector<16xi32>
      %mul3A_265 = arith.muli %while3A_161#3, %mul3A_264 : vector<16xi32>
      %add3A_266 = arith.constant 2 : i32
      %add3A_267 = vector.broadcast %add3A_266 : i32 to vector<16xi32>
      %add3A_268 = arith.addi %mul3A_265, %add3A_267 : vector<16xi32>
      %gather3A_269 = tpu.vector_load_idx %arg13[%add3A_268] : memref<12288xf32, #tpu.memory_space<vmem>>[vector<16xi32>], vector<16xf32>,
      %add3A_270 = arith.constant 2 : i32
      %add3A_271 = vector.broadcast %add3A_270 : i32 to vector<16xi32>
      %add3A_272 = arith.addi %add3A_240, %add3A_271 : vector<16xi32>
      %sub3A_273 = arith.subf %gather3A_269, %gather3A_181 : vector<16xf32>
      tpu.vector_store_idx %arg14[%add3A_272], %sub3A_273 : memref<49152xf32, #tpu.memory_space<vmem>>[vector<16xi32>], vector<16xf32>,
      %add3A_274 = vector.broadcast %mul3A_22 : i32 to vector<16xi32>
      %add3A_275 = arith.addi %while3A_161#3, %add3A_274 : vector<16xi32>
      %swap3A_276 = arith.constant 16 : index
      %swap3A_277 = tpu.vector_load %arg15[%swap3A_276] {strides = array<i32>} : memref<32xi32, #tpu.memory_space<vmem>>, vector<16xi32>,
      tpu.vector_store %arg15[%swap3A_276], %add3A_275 {strides = array<i32>} : memref<32xi32, #tpu.memory_space<vmem>>, vector<16xi32>,
      %ge3A = arith.constant 2 : i32
      %ge3A_278 = arith.cmpi sge, %add3A_63, %ge3A : i32
      %convert_element_type3A = arith.extui %ge3A_278 : i1 to i32
      %cond3A = arith.constant 0 : i32
      %cond3A_279 = arith.cmpi ne, %convert_element_type3A, %cond3A : i32
      scf.if %cond3A_279 {
        %sub3A_536 = arith.constant 2 : i32
        %sub3A_537 = arith.subi %add3A_63, %sub3A_536 : i32
        %mul3A_538 = arith.constant 32 : i32
        %mul3A_539 = arith.muli %sub3A_537, %mul3A_538 : i32
        %add3A_540 = arith.addi %mul3A_20, %mul3A_539 : i32
        %dma_wait3A_541 = arith.constant 0 : i32
        %dma_wait3A_542 = tpu.memref_slice %arg6[%add3A_540, %dma_wait3A_541] : memref<524288x128xf32, #tpu.memory_space<hbm>> -> memref<32x128xf32, #tpu.memory_space<hbm>>
        %dma_wait3A_543 = arith.constant 0 : i32
        %dma_wait3A_544 = tpu.memref_slice %arg6[%add3A_540, %dma_wait3A_543] : memref<524288x128xf32, #tpu.memory_space<hbm>> -> memref<32x128xf32, #tpu.memory_space<hbm>>
        tpu.wait_dma2 semaphore(%arg23 : memref<!tpu.dma_semaphore, #tpu.memory_space<semaphore_mem>>) src(%arg17 : memref<32x128xf32, #tpu.memory_space<vmem>>) dst(%dma_wait3A_544 : memref<32x128xf32, #tpu.memory_space<hbm>>)
      } else {
      }
      %dma_start3A_280 = arith.constant 0 : i32
      %dma_start3A_281 = arith.constant 0 : i32
      %dma_start3A_282 = tpu.memref_slice %arg4[%dma_start3A_280, %dma_start3A_281] : memref<16384x128xf32, #tpu.memory_space<hbm>> -> memref<16384x128xf32, #tpu.memory_space<hbm>>
      tpu.enqueue_indirect_dma source(%dma_start3A_282 : memref<16384x128xf32, #tpu.memory_space<hbm>>) target(%arg17 : memref<32x128xf32, #tpu.memory_space<vmem>>) offsets(%arg15 : memref<32xi32, #tpu.memory_space<vmem>>) semaphore(%arg21 : memref<!tpu.dma_semaphore, #tpu.memory_space<semaphore_mem>>)
      %ge3A_283 = arith.constant 1 : i32
      %ge3A_284 = arith.cmpi sge, %add3A_63, %ge3A_283 : i32
      %convert_element_type3A_285 = arith.extui %ge3A_284 : i1 to i32
      %cond3A_286 = arith.constant 0 : i32
      %cond3A_287 = arith.cmpi ne, %convert_element_type3A_285, %cond3A_286 : i32
      scf.if %cond3A_287 {
        %dma_wait3A_536 = arith.constant 0 : i32
        %dma_wait3A_537 = arith.constant 0 : i32
        %dma_wait3A_538 = tpu.memref_slice %arg4[%dma_wait3A_536, %dma_wait3A_537] : memref<16384x128xf32, #tpu.memory_space<hbm>> -> memref<16384x128xf32, #tpu.memory_space<hbm>>
        tpu.wait_indirect_dma semaphore(%arg22 : memref<!tpu.dma_semaphore, #tpu.memory_space<semaphore_mem>>) src(%dma_wait3A_538 : memref<16384x128xf32, #tpu.memory_space<hbm>>) dst(%arg18 : memref<32x128xf32, #tpu.memory_space<vmem>>)
        %sub3A_539 = arith.constant 1 : i32
        %sub3A_540 = arith.subi %add3A_63, %sub3A_539 : i32
        %mul3A_541 = arith.constant 32 : i32
        %mul3A_542 = arith.muli %sub3A_540, %mul3A_541 : i32
        %add3A_543 = arith.addi %mul3A_20, %mul3A_542 : i32
        %dma_start3A_544 = arith.constant 0 : i32
        %dma_start3A_545 = tpu.memref_slice %arg6[%add3A_543, %dma_start3A_544] : memref<524288x128xf32, #tpu.memory_space<hbm>> -> memref<32x128xf32, #tpu.memory_space<hbm>>
        %dma_start3A_546 = arith.constant 0 : i32
        %dma_start3A_547 = tpu.memref_slice %arg6[%add3A_543, %dma_start3A_546] : memref<524288x128xf32, #tpu.memory_space<hbm>> -> memref<32x128xf32, #tpu.memory_space<hbm>>
        tpu.enqueue_dma source(%arg18 : memref<32x128xf32, #tpu.memory_space<vmem>>) target(%dma_start3A_547 : memref<32x128xf32, #tpu.memory_space<hbm>>) target_semaphore(%arg24 : memref<!tpu.dma_semaphore, #tpu.memory_space<semaphore_mem>>)
      } else {
      }
      %add3A_288 = arith.constant 2 : i32
      %add3A_289 = arith.addi %add3A_63, %add3A_288 : i32
      %lt3A = arith.constant 512 : i32
      %lt3A_290 = arith.cmpi slt, %add3A_289, %lt3A : i32
      %convert_element_type3A_291 = arith.extui %lt3A_290 : i1 to i32
      %cond3A_292 = arith.constant 0 : i32
      %cond3A_293 = arith.cmpi ne, %convert_element_type3A_291, %cond3A_292 : i32
      scf.if %cond3A_293 {
        %add3A_536 = arith.addi %mul3A_18, %add3A_63 : i32
        %add3A_537 = arith.constant 2 : i32
        %add3A_538 = arith.addi %add3A_536, %add3A_537 : i32
        %dma_start3A_539 = arith.constant 0 : i32
        %dma_start3A_540 = tpu.memref_slice %arg2[%add3A_538, %dma_start3A_539] : memref<16384x4096xf32, #tpu.memory_space<hbm>> -> memref<1x4096xf32, #tpu.memory_space<hbm>>
        %dma_start3A_541 = tpu.memref_squeeze %dma_start3A_540 : memref<1x4096xf32, #tpu.memory_space<hbm>> -> memref<4096xf32, #tpu.memory_space<hbm>>
        %dma_start3A_542 = arith.constant 0 : i32
        %dma_start3A_543 = tpu.memref_slice %arg2[%add3A_538, %dma_start3A_542] : memref<16384x4096xf32, #tpu.memory_space<hbm>> -> memref<1x4096xf32, #tpu.memory_space<hbm>>
        %dma_start3A_544 = tpu.memref_squeeze %dma_start3A_543 : memref<1x4096xf32, #tpu.memory_space<hbm>> -> memref<4096xf32, #tpu.memory_space<hbm>>
        tpu.enqueue_dma source(%dma_start3A_544 : memref<4096xf32, #tpu.memory_space<hbm>>) target(%arg8 : memref<4096xf32, #tpu.memory_space<vmem>>) target_semaphore(%arg19 : memref<!tpu.dma_semaphore, #tpu.memory_space<semaphore_mem>>)
      } else {
      }
      %add3A_294 = arith.constant 1 : i32
      %add3A_295 = arith.addi %add3A_61, %add3A_294 : i32
      %add3A_296 = arith.addi %mul3A_18, %add3A_295 : i32
      %dma_wait3A_297 = arith.constant 0 : i32
      %dma_wait3A_298 = tpu.memref_slice %arg2[%add3A_296, %dma_wait3A_297] : memref<16384x4096xf32, #tpu.memory_space<hbm>> -> memref<1x4096xf32, #tpu.memory_space<hbm>>
      %dma_wait3A_299 = tpu.memref_squeeze %dma_wait3A_298 : memref<1x4096xf32, #tpu.memory_space<hbm>> -> memref<4096xf32, #tpu.memory_space<hbm>>
      %dma_wait3A_300 = arith.constant 0 : i32
      %dma_wait3A_301 = tpu.memref_slice %arg2[%add3A_296, %dma_wait3A_300] : memref<16384x4096xf32, #tpu.memory_space<hbm>> -> memref<1x4096xf32, #tpu.memory_space<hbm>>
      %dma_wait3A_302 = tpu.memref_squeeze %dma_wait3A_301 : memref<1x4096xf32, #tpu.memory_space<hbm>> -> memref<4096xf32, #tpu.memory_space<hbm>>
      tpu.wait_dma2 semaphore(%arg20 : memref<!tpu.dma_semaphore, #tpu.memory_space<semaphore_mem>>) src(%dma_wait3A_302 : memref<4096xf32, #tpu.memory_space<hbm>>) dst(%arg9 : memref<4096xf32, #tpu.memory_space<vmem>>)
      %get3A_303 = arith.index_cast %add3A_295 : i32 to index
      %get3A_304 = tpu.vector_load %arg12[%get3A_303] {strides = array<i32>} : memref<528xf32, #tpu.memory_space<vmem>>, vector<16xf32>,
      %slice3A_305 = vector.extract_strided_slice %get3A_304 {offsets = [0], sizes = [1], strides = [1]} : vector<16xf32> to vector<1xf32>
      %squeeze3A_306 = vector.extract %slice3A_305[0] : f32 from vector<1xf32>
      %add3A_307 = vector.broadcast %squeeze3A_306 : f32 to vector<16xf32>
      %add3A_308 = arith.addf %broadcast_in_dim3A_25, %add3A_307 : vector<16xf32>
      %scan3A_309 = arith.constant 0 : i32
      %scan3A_310 = arith.constant 0 : i32
      %scan3A_311 = arith.constant 0 : i32
      %scan3A_312 = arith.constant 128 : i32
      %scan3A_313 = arith.addi %scan3A_311, %scan3A_312 : i32
      %scan3A_314 = arith.constant 8 : i32
      %scan3A_315:3 = scf.for %scan3A_536 = %scan3A_311 to %scan3A_313 step %scan3A_314 iter_args(%scan3A_537 = %scan3A_309, %scan3A_538 = %scan3A_310, %scan3A_539 = %iota3A) -> (i32, i32, vector<16xi32>)  : i32 {
        %mul3A_540 = arith.constant 16 : i32
        %mul3A_541 = arith.muli %scan3A_536, %mul3A_540 : i32
        %get3A_542 = arith.index_cast %mul3A_541 : i32 to index
        %get3A_543 = tpu.vector_load %arg9[%get3A_542] {strides = array<i32>} : memref<4096xf32, #tpu.memory_space<vmem>>, vector<16xf32>,
        %mul3A_544 = arith.constant 16 : i32
        %mul3A_545 = arith.muli %scan3A_536, %mul3A_544 : i32
        %add3A_546 = arith.constant 2048 : i32
        %add3A_547 = arith.addi %add3A_546, %mul3A_545 : i32
        %get3A_548 = arith.index_cast %add3A_547 : i32 to index
        %get3A_549 = tpu.vector_load %arg9[%get3A_548] {strides = array<i32>} : memref<4096xf32, #tpu.memory_space<vmem>>, vector<16xf32>,
        %le3A = arith.cmpf ole, %get3A_543, %add3A_308 : vector<16xf32>
        %le3A_550 = arith.cmpf ole, %get3A_549, %add3A_308 : vector<16xf32>
        %swap3A_551 = arith.index_cast %scan3A_537 : i32 to index
        %swap3A_552 = tpu.vector_load %arg10[%swap3A_551] masked %le3A {strides = array<i32>} : memref<4128xi32, #tpu.memory_space<vmem>>, vector<16xi32>, vector<16xi1>
        tpu.vector_store %arg10[%swap3A_551], %scan3A_539 masked %le3A {strides = array<i32>} : memref<4128xi32, #tpu.memory_space<vmem>>, vector<16xi32>, vector<16xi1>
        %add3A_553 = arith.constant 2048 : i32
        %add3A_554 = vector.broadcast %add3A_553 : i32 to vector<16xi32>
        %add3A_555 = arith.addi %scan3A_539, %add3A_554 : vector<16xi32>
        %swap3A_556 = arith.index_cast %scan3A_538 : i32 to index
        %swap3A_557 = tpu.vector_load %arg11[%swap3A_556] masked %le3A_550 {strides = array<i32>} : memref<4128xi32, #tpu.memory_space<vmem>>, vector<16xi32>, vector<16xi1>
        tpu.vector_store %arg11[%swap3A_556], %add3A_555 masked %le3A_550 {strides = array<i32>} : memref<4128xi32, #tpu.memory_space<vmem>>, vector<16xi32>, vector<16xi1>
        %all_reduce_population_count3A = tpu.all_reduce %le3A {dim = 0 : i64, kind = #tpu.reduction_kind<sum>} : vector<16xi1> -> vector<16xi32>
        %all_reduce_population_count3A_558 = tpu.all_reduce %le3A_550 {dim = 0 : i64, kind = #tpu.reduction_kind<sum>} : vector<16xi1> -> vector<16xi32>
        %slice3A_559 = vector.extract_strided_slice %all_reduce_population_count3A {offsets = [0], sizes = [1], strides = [1]} : vector<16xi32> to vector<1xi32>
        %squeeze3A_560 = vector.extract %slice3A_559[0] : i32 from vector<1xi32>
        %add3A_561 = arith.addi %scan3A_537, %squeeze3A_560 : i32
        %slice3A_562 = vector.extract_strided_slice %all_reduce_population_count3A_558 {offsets = [0], sizes = [1], strides = [1]} : vector<16xi32> to vector<1xi32>
        %squeeze3A_563 = vector.extract %slice3A_562[0] : i32 from vector<1xi32>
        %add3A_564 = arith.addi %scan3A_538, %squeeze3A_563 : i32
        %add3A_565 = arith.constant 16 : i32
        %add3A_566 = vector.broadcast %add3A_565 : i32 to vector<16xi32>
        %add3A_567 = arith.addi %scan3A_539, %add3A_566 : vector<16xi32>
        %scan3A_568 = arith.constant 1 : i32
        %scan3A_569 = arith.addi %scan3A_536, %scan3A_568 : i32
        %mul3A_570 = arith.constant 16 : i32
        %mul3A_571 = arith.muli %scan3A_569, %mul3A_570 : i32
        %get3A_572 = arith.index_cast %mul3A_571 : i32 to index
        %get3A_573 = tpu.vector_load %arg9[%get3A_572] {strides = array<i32>} : memref<4096xf32, #tpu.memory_space<vmem>>, vector<16xf32>,
        %mul3A_574 = arith.constant 16 : i32
        %mul3A_575 = arith.muli %scan3A_569, %mul3A_574 : i32
        %add3A_576 = arith.constant 2048 : i32
        %add3A_577 = arith.addi %add3A_576, %mul3A_575 : i32
        %get3A_578 = arith.index_cast %add3A_577 : i32 to index
        %get3A_579 = tpu.vector_load %arg9[%get3A_578] {strides = array<i32>} : memref<4096xf32, #tpu.memory_space<vmem>>, vector<16xf32>,
        %le3A_580 = arith.cmpf ole, %get3A_573, %add3A_308 : vector<16xf32>
        %le3A_581 = arith.cmpf ole, %get3A_579, %add3A_308 : vector<16xf32>
        %swap3A_582 = arith.index_cast %add3A_561 : i32 to index
        %swap3A_583 = tpu.vector_load %arg10[%swap3A_582] masked %le3A_580 {strides = array<i32>} : memref<4128xi32, #tpu.memory_space<vmem>>, vector<16xi32>, vector<16xi1>
        tpu.vector_store %arg10[%swap3A_582], %add3A_567 masked %le3A_580 {strides = array<i32>} : memref<4128xi32, #tpu.memory_space<vmem>>, vector<16xi32>, vector<16xi1>
        %add3A_584 = arith.constant 2048 : i32
        %add3A_585 = vector.broadcast %add3A_584 : i32 to vector<16xi32>
        %add3A_586 = arith.addi %add3A_567, %add3A_585 : vector<16xi32>
        %swap3A_587 = arith.index_cast %add3A_564 : i32 to index
        %swap3A_588 = tpu.vector_load %arg11[%swap3A_587] masked %le3A_581 {strides = array<i32>} : memref<4128xi32, #tpu.memory_space<vmem>>, vector<16xi32>, vector<16xi1>
        tpu.vector_store %arg11[%swap3A_587], %add3A_586 masked %le3A_581 {strides = array<i32>} : memref<4128xi32, #tpu.memory_space<vmem>>, vector<16xi32>, vector<16xi1>
        %all_reduce_population_count3A_589 = tpu.all_reduce %le3A_580 {dim = 0 : i64, kind = #tpu.reduction_kind<sum>} : vector<16xi1> -> vector<16xi32>
        %all_reduce_population_count3A_590 = tpu.all_reduce %le3A_581 {dim = 0 : i64, kind = #tpu.reduction_kind<sum>} : vector<16xi1> -> vector<16xi32>
        %slice3A_591 = vector.extract_strided_slice %all_reduce_population_count3A_589 {offsets = [0], sizes = [1], strides = [1]} : vector<16xi32> to vector<1xi32>
        %squeeze3A_592 = vector.extract %slice3A_591[0] : i32 from vector<1xi32>
        %add3A_593 = arith.addi %add3A_561, %squeeze3A_592 : i32
        %slice3A_594 = vector.extract_strided_slice %all_reduce_population_count3A_590 {offsets = [0], sizes = [1], strides = [1]} : vector<16xi32> to vector<1xi32>
        %squeeze3A_595 = vector.extract %slice3A_594[0] : i32 from vector<1xi32>
        %add3A_596 = arith.addi %add3A_564, %squeeze3A_595 : i32
        %add3A_597 = arith.constant 16 : i32
        %add3A_598 = vector.broadcast %add3A_597 : i32 to vector<16xi32>
        %add3A_599 = arith.addi %add3A_567, %add3A_598 : vector<16xi32>
        %scan3A_600 = arith.constant 2 : i32
        %scan3A_601 = arith.addi %scan3A_536, %scan3A_600 : i32
        %mul3A_602 = arith.constant 16 : i32
        %mul3A_603 = arith.muli %scan3A_601, %mul3A_602 : i32
        %get3A_604 = arith.index_cast %mul3A_603 : i32 to index
        %get3A_605 = tpu.vector_load %arg9[%get3A_604] {strides = array<i32>} : memref<4096xf32, #tpu.memory_space<vmem>>, vector<16xf32>,
        %mul3A_606 = arith.constant 16 : i32
        %mul3A_607 = arith.muli %scan3A_601, %mul3A_606 : i32
        %add3A_608 = arith.constant 2048 : i32
        %add3A_609 = arith.addi %add3A_608, %mul3A_607 : i32
        %get3A_610 = arith.index_cast %add3A_609 : i32 to index
        %get3A_611 = tpu.vector_load %arg9[%get3A_610] {strides = array<i32>} : memref<4096xf32, #tpu.memory_space<vmem>>, vector<16xf32>,
        %le3A_612 = arith.cmpf ole, %get3A_605, %add3A_308 : vector<16xf32>
        %le3A_613 = arith.cmpf ole, %get3A_611, %add3A_308 : vector<16xf32>
        %swap3A_614 = arith.index_cast %add3A_593 : i32 to index
        %swap3A_615 = tpu.vector_load %arg10[%swap3A_614] masked %le3A_612 {strides = array<i32>} : memref<4128xi32, #tpu.memory_space<vmem>>, vector<16xi32>, vector<16xi1>
        tpu.vector_store %arg10[%swap3A_614], %add3A_599 masked %le3A_612 {strides = array<i32>} : memref<4128xi32, #tpu.memory_space<vmem>>, vector<16xi32>, vector<16xi1>
        %add3A_616 = arith.constant 2048 : i32
        %add3A_617 = vector.broadcast %add3A_616 : i32 to vector<16xi32>
        %add3A_618 = arith.addi %add3A_599, %add3A_617 : vector<16xi32>
        %swap3A_619 = arith.index_cast %add3A_596 : i32 to index
        %swap3A_620 = tpu.vector_load %arg11[%swap3A_619] masked %le3A_613 {strides = array<i32>} : memref<4128xi32, #tpu.memory_space<vmem>>, vector<16xi32>, vector<16xi1>
        tpu.vector_store %arg11[%swap3A_619], %add3A_618 masked %le3A_613 {strides = array<i32>} : memref<4128xi32, #tpu.memory_space<vmem>>, vector<16xi32>, vector<16xi1>
        %all_reduce_population_count3A_621 = tpu.all_reduce %le3A_612 {dim = 0 : i64, kind = #tpu.reduction_kind<sum>} : vector<16xi1> -> vector<16xi32>
        %all_reduce_population_count3A_622 = tpu.all_reduce %le3A_613 {dim = 0 : i64, kind = #tpu.reduction_kind<sum>} : vector<16xi1> -> vector<16xi32>
        %slice3A_623 = vector.extract_strided_slice %all_reduce_population_count3A_621 {offsets = [0], sizes = [1], strides = [1]} : vector<16xi32> to vector<1xi32>
        %squeeze3A_624 = vector.extract %slice3A_623[0] : i32 from vector<1xi32>
        %add3A_625 = arith.addi %add3A_593, %squeeze3A_624 : i32
        %slice3A_626 = vector.extract_strided_slice %all_reduce_population_count3A_622 {offsets = [0], sizes = [1], strides = [1]} : vector<16xi32> to vector<1xi32>
        %squeeze3A_627 = vector.extract %slice3A_626[0] : i32 from vector<1xi32>
        %add3A_628 = arith.addi %add3A_596, %squeeze3A_627 : i32
        %add3A_629 = arith.constant 16 : i32
        %add3A_630 = vector.broadcast %add3A_629 : i32 to vector<16xi32>
        %add3A_631 = arith.addi %add3A_599, %add3A_630 : vector<16xi32>
        %scan3A_632 = arith.constant 3 : i32
        %scan3A_633 = arith.addi %scan3A_536, %scan3A_632 : i32
        %mul3A_634 = arith.constant 16 : i32
        %mul3A_635 = arith.muli %scan3A_633, %mul3A_634 : i32
        %get3A_636 = arith.index_cast %mul3A_635 : i32 to index
        %get3A_637 = tpu.vector_load %arg9[%get3A_636] {strides = array<i32>} : memref<4096xf32, #tpu.memory_space<vmem>>, vector<16xf32>,
        %mul3A_638 = arith.constant 16 : i32
        %mul3A_639 = arith.muli %scan3A_633, %mul3A_638 : i32
        %add3A_640 = arith.constant 2048 : i32
        %add3A_641 = arith.addi %add3A_640, %mul3A_639 : i32
        %get3A_642 = arith.index_cast %add3A_641 : i32 to index
        %get3A_643 = tpu.vector_load %arg9[%get3A_642] {strides = array<i32>} : memref<4096xf32, #tpu.memory_space<vmem>>, vector<16xf32>,
        %le3A_644 = arith.cmpf ole, %get3A_637, %add3A_308 : vector<16xf32>
        %le3A_645 = arith.cmpf ole, %get3A_643, %add3A_308 : vector<16xf32>
        %swap3A_646 = arith.index_cast %add3A_625 : i32 to index
        %swap3A_647 = tpu.vector_load %arg10[%swap3A_646] masked %le3A_644 {strides = array<i32>} : memref<4128xi32, #tpu.memory_space<vmem>>, vector<16xi32>, vector<16xi1>
        tpu.vector_store %arg10[%swap3A_646], %add3A_631 masked %le3A_644 {strides = array<i32>} : memref<4128xi32, #tpu.memory_space<vmem>>, vector<16xi32>, vector<16xi1>
        %add3A_648 = arith.constant 2048 : i32
        %add3A_649 = vector.broadcast %add3A_648 : i32 to vector<16xi32>
        %add3A_650 = arith.addi %add3A_631, %add3A_649 : vector<16xi32>
        %swap3A_651 = arith.index_cast %add3A_628 : i32 to index
        %swap3A_652 = tpu.vector_load %arg11[%swap3A_651] masked %le3A_645 {strides = array<i32>} : memref<4128xi32, #tpu.memory_space<vmem>>, vector<16xi32>, vector<16xi1>
        tpu.vector_store %arg11[%swap3A_651], %add3A_650 masked %le3A_645 {strides = array<i32>} : memref<4128xi32, #tpu.memory_space<vmem>>, vector<16xi32>, vector<16xi1>
        %all_reduce_population_count3A_653 = tpu.all_reduce %le3A_644 {dim = 0 : i64, kind = #tpu.reduction_kind<sum>} : vector<16xi1> -> vector<16xi32>
        %all_reduce_population_count3A_654 = tpu.all_reduce %le3A_645 {dim = 0 : i64, kind = #tpu.reduction_kind<sum>} : vector<16xi1> -> vector<16xi32>
        %slice3A_655 = vector.extract_strided_slice %all_reduce_population_count3A_653 {offsets = [0], sizes = [1], strides = [1]} : vector<16xi32> to vector<1xi32>
        %squeeze3A_656 = vector.extract %slice3A_655[0] : i32 from vector<1xi32>
        %add3A_657 = arith.addi %add3A_625, %squeeze3A_656 : i32
        %slice3A_658 = vector.extract_strided_slice %all_reduce_population_count3A_654 {offsets = [0], sizes = [1], strides = [1]} : vector<16xi32> to vector<1xi32>
        %squeeze3A_659 = vector.extract %slice3A_658[0] : i32 from vector<1xi32>
        %add3A_660 = arith.addi %add3A_628, %squeeze3A_659 : i32
        %add3A_661 = arith.constant 16 : i32
        %add3A_662 = vector.broadcast %add3A_661 : i32 to vector<16xi32>
        %add3A_663 = arith.addi %add3A_631, %add3A_662 : vector<16xi32>
        %scan3A_664 = arith.constant 4 : i32
        %scan3A_665 = arith.addi %scan3A_536, %scan3A_664 : i32
        %mul3A_666 = arith.constant 16 : i32
        %mul3A_667 = arith.muli %scan3A_665, %mul3A_666 : i32
        %get3A_668 = arith.index_cast %mul3A_667 : i32 to index
        %get3A_669 = tpu.vector_load %arg9[%get3A_668] {strides = array<i32>} : memref<4096xf32, #tpu.memory_space<vmem>>, vector<16xf32>,
        %mul3A_670 = arith.constant 16 : i32
        %mul3A_671 = arith.muli %scan3A_665, %mul3A_670 : i32
        %add3A_672 = arith.constant 2048 : i32
        %add3A_673 = arith.addi %add3A_672, %mul3A_671 : i32
        %get3A_674 = arith.index_cast %add3A_673 : i32 to index
        %get3A_675 = tpu.vector_load %arg9[%get3A_674] {strides = array<i32>} : memref<4096xf32, #tpu.memory_space<vmem>>, vector<16xf32>,
        %le3A_676 = arith.cmpf ole, %get3A_669, %add3A_308 : vector<16xf32>
        %le3A_677 = arith.cmpf ole, %get3A_675, %add3A_308 : vector<16xf32>
        %swap3A_678 = arith.index_cast %add3A_657 : i32 to index
        %swap3A_679 = tpu.vector_load %arg10[%swap3A_678] masked %le3A_676 {strides = array<i32>} : memref<4128xi32, #tpu.memory_space<vmem>>, vector<16xi32>, vector<16xi1>
        tpu.vector_store %arg10[%swap3A_678], %add3A_663 masked %le3A_676 {strides = array<i32>} : memref<4128xi32, #tpu.memory_space<vmem>>, vector<16xi32>, vector<16xi1>
        %add3A_680 = arith.constant 2048 : i32
        %add3A_681 = vector.broadcast %add3A_680 : i32 to vector<16xi32>
        %add3A_682 = arith.addi %add3A_663, %add3A_681 : vector<16xi32>
        %swap3A_683 = arith.index_cast %add3A_660 : i32 to index
        %swap3A_684 = tpu.vector_load %arg11[%swap3A_683] masked %le3A_677 {strides = array<i32>} : memref<4128xi32, #tpu.memory_space<vmem>>, vector<16xi32>, vector<16xi1>
        tpu.vector_store %arg11[%swap3A_683], %add3A_682 masked %le3A_677 {strides = array<i32>} : memref<4128xi32, #tpu.memory_space<vmem>>, vector<16xi32>, vector<16xi1>
        %all_reduce_population_count3A_685 = tpu.all_reduce %le3A_676 {dim = 0 : i64, kind = #tpu.reduction_kind<sum>} : vector<16xi1> -> vector<16xi32>
        %all_reduce_population_count3A_686 = tpu.all_reduce %le3A_677 {dim = 0 : i64, kind = #tpu.reduction_kind<sum>} : vector<16xi1> -> vector<16xi32>
        %slice3A_687 = vector.extract_strided_slice %all_reduce_population_count3A_685 {offsets = [0], sizes = [1], strides = [1]} : vector<16xi32> to vector<1xi32>
        %squeeze3A_688 = vector.extract %slice3A_687[0] : i32 from vector<1xi32>
        %add3A_689 = arith.addi %add3A_657, %squeeze3A_688 : i32
        %slice3A_690 = vector.extract_strided_slice %all_reduce_population_count3A_686 {offsets = [0], sizes = [1], strides = [1]} : vector<16xi32> to vector<1xi32>
        %squeeze3A_691 = vector.extract %slice3A_690[0] : i32 from vector<1xi32>
        %add3A_692 = arith.addi %add3A_660, %squeeze3A_691 : i32
        %add3A_693 = arith.constant 16 : i32
        %add3A_694 = vector.broadcast %add3A_693 : i32 to vector<16xi32>
        %add3A_695 = arith.addi %add3A_663, %add3A_694 : vector<16xi32>
        %scan3A_696 = arith.constant 5 : i32
        %scan3A_697 = arith.addi %scan3A_536, %scan3A_696 : i32
        %mul3A_698 = arith.constant 16 : i32
        %mul3A_699 = arith.muli %scan3A_697, %mul3A_698 : i32
        %get3A_700 = arith.index_cast %mul3A_699 : i32 to index
        %get3A_701 = tpu.vector_load %arg9[%get3A_700] {strides = array<i32>} : memref<4096xf32, #tpu.memory_space<vmem>>, vector<16xf32>,
        %mul3A_702 = arith.constant 16 : i32
        %mul3A_703 = arith.muli %scan3A_697, %mul3A_702 : i32
        %add3A_704 = arith.constant 2048 : i32
        %add3A_705 = arith.addi %add3A_704, %mul3A_703 : i32
        %get3A_706 = arith.index_cast %add3A_705 : i32 to index
        %get3A_707 = tpu.vector_load %arg9[%get3A_706] {strides = array<i32>} : memref<4096xf32, #tpu.memory_space<vmem>>, vector<16xf32>,
        %le3A_708 = arith.cmpf ole, %get3A_701, %add3A_308 : vector<16xf32>
        %le3A_709 = arith.cmpf ole, %get3A_707, %add3A_308 : vector<16xf32>
        %swap3A_710 = arith.index_cast %add3A_689 : i32 to index
        %swap3A_711 = tpu.vector_load %arg10[%swap3A_710] masked %le3A_708 {strides = array<i32>} : memref<4128xi32, #tpu.memory_space<vmem>>, vector<16xi32>, vector<16xi1>
        tpu.vector_store %arg10[%swap3A_710], %add3A_695 masked %le3A_708 {strides = array<i32>} : memref<4128xi32, #tpu.memory_space<vmem>>, vector<16xi32>, vector<16xi1>
        %add3A_712 = arith.constant 2048 : i32
        %add3A_713 = vector.broadcast %add3A_712 : i32 to vector<16xi32>
        %add3A_714 = arith.addi %add3A_695, %add3A_713 : vector<16xi32>
        %swap3A_715 = arith.index_cast %add3A_692 : i32 to index
        %swap3A_716 = tpu.vector_load %arg11[%swap3A_715] masked %le3A_709 {strides = array<i32>} : memref<4128xi32, #tpu.memory_space<vmem>>, vector<16xi32>, vector<16xi1>
        tpu.vector_store %arg11[%swap3A_715], %add3A_714 masked %le3A_709 {strides = array<i32>} : memref<4128xi32, #tpu.memory_space<vmem>>, vector<16xi32>, vector<16xi1>
        %all_reduce_population_count3A_717 = tpu.all_reduce %le3A_708 {dim = 0 : i64, kind = #tpu.reduction_kind<sum>} : vector<16xi1> -> vector<16xi32>
        %all_reduce_population_count3A_718 = tpu.all_reduce %le3A_709 {dim = 0 : i64, kind = #tpu.reduction_kind<sum>} : vector<16xi1> -> vector<16xi32>
        %slice3A_719 = vector.extract_strided_slice %all_reduce_population_count3A_717 {offsets = [0], sizes = [1], strides = [1]} : vector<16xi32> to vector<1xi32>
        %squeeze3A_720 = vector.extract %slice3A_719[0] : i32 from vector<1xi32>
        %add3A_721 = arith.addi %add3A_689, %squeeze3A_720 : i32
        %slice3A_722 = vector.extract_strided_slice %all_reduce_population_count3A_718 {offsets = [0], sizes = [1], strides = [1]} : vector<16xi32> to vector<1xi32>
        %squeeze3A_723 = vector.extract %slice3A_722[0] : i32 from vector<1xi32>
        %add3A_724 = arith.addi %add3A_692, %squeeze3A_723 : i32
        %add3A_725 = arith.constant 16 : i32
        %add3A_726 = vector.broadcast %add3A_725 : i32 to vector<16xi32>
        %add3A_727 = arith.addi %add3A_695, %add3A_726 : vector<16xi32>
        %scan3A_728 = arith.constant 6 : i32
        %scan3A_729 = arith.addi %scan3A_536, %scan3A_728 : i32
        %mul3A_730 = arith.constant 16 : i32
        %mul3A_731 = arith.muli %scan3A_729, %mul3A_730 : i32
        %get3A_732 = arith.index_cast %mul3A_731 : i32 to index
        %get3A_733 = tpu.vector_load %arg9[%get3A_732] {strides = array<i32>} : memref<4096xf32, #tpu.memory_space<vmem>>, vector<16xf32>,
        %mul3A_734 = arith.constant 16 : i32
        %mul3A_735 = arith.muli %scan3A_729, %mul3A_734 : i32
        %add3A_736 = arith.constant 2048 : i32
        %add3A_737 = arith.addi %add3A_736, %mul3A_735 : i32
        %get3A_738 = arith.index_cast %add3A_737 : i32 to index
        %get3A_739 = tpu.vector_load %arg9[%get3A_738] {strides = array<i32>} : memref<4096xf32, #tpu.memory_space<vmem>>, vector<16xf32>,
        %le3A_740 = arith.cmpf ole, %get3A_733, %add3A_308 : vector<16xf32>
        %le3A_741 = arith.cmpf ole, %get3A_739, %add3A_308 : vector<16xf32>
        %swap3A_742 = arith.index_cast %add3A_721 : i32 to index
        %swap3A_743 = tpu.vector_load %arg10[%swap3A_742] masked %le3A_740 {strides = array<i32>} : memref<4128xi32, #tpu.memory_space<vmem>>, vector<16xi32>, vector<16xi1>
        tpu.vector_store %arg10[%swap3A_742], %add3A_727 masked %le3A_740 {strides = array<i32>} : memref<4128xi32, #tpu.memory_space<vmem>>, vector<16xi32>, vector<16xi1>
        %add3A_744 = arith.constant 2048 : i32
        %add3A_745 = vector.broadcast %add3A_744 : i32 to vector<16xi32>
        %add3A_746 = arith.addi %add3A_727, %add3A_745 : vector<16xi32>
        %swap3A_747 = arith.index_cast %add3A_724 : i32 to index
        %swap3A_748 = tpu.vector_load %arg11[%swap3A_747] masked %le3A_741 {strides = array<i32>} : memref<4128xi32, #tpu.memory_space<vmem>>, vector<16xi32>, vector<16xi1>
        tpu.vector_store %arg11[%swap3A_747], %add3A_746 masked %le3A_741 {strides = array<i32>} : memref<4128xi32, #tpu.memory_space<vmem>>, vector<16xi32>, vector<16xi1>
        %all_reduce_population_count3A_749 = tpu.all_reduce %le3A_740 {dim = 0 : i64, kind = #tpu.reduction_kind<sum>} : vector<16xi1> -> vector<16xi32>
        %all_reduce_population_count3A_750 = tpu.all_reduce %le3A_741 {dim = 0 : i64, kind = #tpu.reduction_kind<sum>} : vector<16xi1> -> vector<16xi32>
        %slice3A_751 = vector.extract_strided_slice %all_reduce_population_count3A_749 {offsets = [0], sizes = [1], strides = [1]} : vector<16xi32> to vector<1xi32>
        %squeeze3A_752 = vector.extract %slice3A_751[0] : i32 from vector<1xi32>
        %add3A_753 = arith.addi %add3A_721, %squeeze3A_752 : i32
        %slice3A_754 = vector.extract_strided_slice %all_reduce_population_count3A_750 {offsets = [0], sizes = [1], strides = [1]} : vector<16xi32> to vector<1xi32>
        %squeeze3A_755 = vector.extract %slice3A_754[0] : i32 from vector<1xi32>
        %add3A_756 = arith.addi %add3A_724, %squeeze3A_755 : i32
        %add3A_757 = arith.constant 16 : i32
        %add3A_758 = vector.broadcast %add3A_757 : i32 to vector<16xi32>
        %add3A_759 = arith.addi %add3A_727, %add3A_758 : vector<16xi32>
        %scan3A_760 = arith.constant 7 : i32
        %scan3A_761 = arith.addi %scan3A_536, %scan3A_760 : i32
        %mul3A_762 = arith.constant 16 : i32
        %mul3A_763 = arith.muli %scan3A_761, %mul3A_762 : i32
        %get3A_764 = arith.index_cast %mul3A_763 : i32 to index
        %get3A_765 = tpu.vector_load %arg9[%get3A_764] {strides = array<i32>} : memref<4096xf32, #tpu.memory_space<vmem>>, vector<16xf32>,
        %mul3A_766 = arith.constant 16 : i32
        %mul3A_767 = arith.muli %scan3A_761, %mul3A_766 : i32
        %add3A_768 = arith.constant 2048 : i32
        %add3A_769 = arith.addi %add3A_768, %mul3A_767 : i32
        %get3A_770 = arith.index_cast %add3A_769 : i32 to index
        %get3A_771 = tpu.vector_load %arg9[%get3A_770] {strides = array<i32>} : memref<4096xf32, #tpu.memory_space<vmem>>, vector<16xf32>,
        %le3A_772 = arith.cmpf ole, %get3A_765, %add3A_308 : vector<16xf32>
        %le3A_773 = arith.cmpf ole, %get3A_771, %add3A_308 : vector<16xf32>
        %swap3A_774 = arith.index_cast %add3A_753 : i32 to index
        %swap3A_775 = tpu.vector_load %arg10[%swap3A_774] masked %le3A_772 {strides = array<i32>} : memref<4128xi32, #tpu.memory_space<vmem>>, vector<16xi32>, vector<16xi1>
        tpu.vector_store %arg10[%swap3A_774], %add3A_759 masked %le3A_772 {strides = array<i32>} : memref<4128xi32, #tpu.memory_space<vmem>>, vector<16xi32>, vector<16xi1>
        %add3A_776 = arith.constant 2048 : i32
        %add3A_777 = vector.broadcast %add3A_776 : i32 to vector<16xi32>
        %add3A_778 = arith.addi %add3A_759, %add3A_777 : vector<16xi32>
        %swap3A_779 = arith.index_cast %add3A_756 : i32 to index
        %swap3A_780 = tpu.vector_load %arg11[%swap3A_779] masked %le3A_773 {strides = array<i32>} : memref<4128xi32, #tpu.memory_space<vmem>>, vector<16xi32>, vector<16xi1>
        tpu.vector_store %arg11[%swap3A_779], %add3A_778 masked %le3A_773 {strides = array<i32>} : memref<4128xi32, #tpu.memory_space<vmem>>, vector<16xi32>, vector<16xi1>
        %all_reduce_population_count3A_781 = tpu.all_reduce %le3A_772 {dim = 0 : i64, kind = #tpu.reduction_kind<sum>} : vector<16xi1> -> vector<16xi32>
        %all_reduce_population_count3A_782 = tpu.all_reduce %le3A_773 {dim = 0 : i64, kind = #tpu.reduction_kind<sum>} : vector<16xi1> -> vector<16xi32>
        %slice3A_783 = vector.extract_strided_slice %all_reduce_population_count3A_781 {offsets = [0], sizes = [1], strides = [1]} : vector<16xi32> to vector<1xi32>
        %squeeze3A_784 = vector.extract %slice3A_783[0] : i32 from vector<1xi32>
        %add3A_785 = arith.addi %add3A_753, %squeeze3A_784 : i32
        %slice3A_786 = vector.extract_strided_slice %all_reduce_population_count3A_782 {offsets = [0], sizes = [1], strides = [1]} : vector<16xi32> to vector<1xi32>
        %squeeze3A_787 = vector.extract %slice3A_786[0] : i32 from vector<1xi32>
        %add3A_788 = arith.addi %add3A_756, %squeeze3A_787 : i32
        %add3A_789 = arith.constant 16 : i32
        %add3A_790 = vector.broadcast %add3A_789 : i32 to vector<16xi32>
        %add3A_791 = arith.addi %add3A_759, %add3A_790 : vector<16xi32>
        scf.yield %add3A_785, %add3A_788, %add3A_791 : i32, i32, vector<16xi32>
      }
      %scan3A_316 = arith.constant 128 : i32
      %swap3A_317 = arith.index_cast %scan3A_315#0 : i32 to index
      %swap3A_318 = tpu.vector_load %arg10[%swap3A_317] {strides = array<i32>} : memref<4128xi32, #tpu.memory_space<vmem>>, vector<16xi32>,
      tpu.vector_store %arg10[%swap3A_317], %broadcast_in_dim3A_23 {strides = array<i32>} : memref<4128xi32, #tpu.memory_space<vmem>>, vector<16xi32>,
      %swap3A_319 = arith.index_cast %scan3A_315#1 : i32 to index
      %swap3A_320 = tpu.vector_load %arg11[%swap3A_319] {strides = array<i32>} : memref<4128xi32, #tpu.memory_space<vmem>>, vector<16xi32>,
      tpu.vector_store %arg11[%swap3A_319], %broadcast_in_dim3A_23 {strides = array<i32>} : memref<4128xi32, #tpu.memory_space<vmem>>, vector<16xi32>,
      %add3A_321 = arith.constant 15 : i32
      %add3A_322 = arith.addi %scan3A_315#0, %add3A_321 : i32
      %jit3A_323 = arith.constant 16 : i32
      %div3A_324 = arith.divsi %add3A_322, %jit3A_323 : i32
      %sign3A_325 = arith.constant 0 : i32
      %sign3A_326 = arith.cmpi sgt, %add3A_322, %sign3A_325 : i32
      %sign3A_327 = arith.extui %sign3A_326 : i1 to i32
      %sign3A_328 = arith.constant 0 : i32
      %sign3A_329 = arith.cmpi slt, %add3A_322, %sign3A_328 : i32
      %sign3A_330 = arith.extui %sign3A_329 : i1 to i32
      %sign3A_331 = arith.subi %sign3A_327, %sign3A_330 : i32
      %sign3A_332 = arith.constant 0 : i32
      %sign3A_333 = arith.cmpi sgt, %jit3A_323, %sign3A_332 : i32
      %sign3A_334 = arith.extui %sign3A_333 : i1 to i32
      %sign3A_335 = arith.constant 0 : i32
      %sign3A_336 = arith.cmpi slt, %jit3A_323, %sign3A_335 : i32
      %sign3A_337 = arith.extui %sign3A_336 : i1 to i32
      %sign3A_338 = arith.subi %sign3A_334, %sign3A_337 : i32
      %ne3A_339 = arith.cmpi ne, %sign3A_331, %sign3A_338 : i32
      %rem3A_340 = arith.remsi %add3A_322, %jit3A_323 : i32
      %ne3A_341 = arith.constant 0 : i32
      %ne3A_342 = arith.cmpi ne, %rem3A_340, %ne3A_341 : i32
      %and3A_343 = arith.andi %ne3A_339, %ne3A_342 : i1
      %sub3A_344 = arith.constant 1 : i32
      %sub3A_345 = arith.subi %div3A_324, %sub3A_344 : i32
      %select_n3A_346 = arith.select %and3A_343, %sub3A_345, %div3A_324 : i32
      %add3A_347 = vector.broadcast %scan3A_315#0 : i32 to vector<16xi32>
      %add3A_348 = arith.addi %broadcast_in_dim3A_23, %add3A_347 : vector<16xi32>
      %while3A_349 = arith.constant 0 : i32
      %while3A_350 = arith.subi %select_n3A_346, %while3A_349 : i32
      %while3A_351 = arith.addi %while3A_349, %while3A_350 : i32
      %while3A_352 = arith.constant 1 : i32
      %while3A_353 = arith.divsi %while3A_350, %while3A_352 : i32
      %while3A_354 = arith.muli %while3A_353, %while3A_352 : i32
      %while3A_355 = arith.addi %while3A_349, %while3A_354 : i32
      %while3A_356 = arith.constant 1 : i32
      %while3A_357:4 = scf.for %while3A_536 = %while3A_349 to %while3A_355 step %while3A_356 iter_args(%while3A_537 = %broadcast_in_dim3A_27, %while3A_538 = %broadcast_in_dim3A_27, %while3A_539 = %broadcast_in_dim3A_23, %while3A_540 = %broadcast_in_dim3A_23) -> (vector<16xf32>, vector<16xf32>, vector<16xi32>, vector<16xi32>)  : i32 {
        %mul3A_541 = arith.constant 16 : i32
        %mul3A_542 = arith.muli %while3A_536, %mul3A_541 : i32
        %get3A_543 = arith.index_cast %mul3A_542 : i32 to index
        %get3A_544 = tpu.vector_load %arg10[%get3A_543] {strides = array<i32>} : memref<4128xi32, #tpu.memory_space<vmem>>, vector<16xi32>,
        %gather3A_545 = tpu.vector_load_idx %arg9[%get3A_544] : memref<4096xf32, #tpu.memory_space<vmem>>[vector<16xi32>], vector<16xf32>,
        %mul3A_546 = arith.constant 16 : i32
        %mul3A_547 = arith.muli %while3A_536, %mul3A_546 : i32
        %add3A_548 = vector.broadcast %mul3A_547 : i32 to vector<16xi32>
        %add3A_549 = arith.addi %add3A_548, %iota3A : vector<16xi32>
        %lt3A_550 = arith.cmpi slt, %add3A_549, %add3A_348 : vector<16xi32>
        %select_n3A_551 = arith.select %lt3A_550, %gather3A_545, %broadcast_in_dim3A_27 : vector<16xi1>, vector<16xf32>
        %masked_sort3A = arith.constant dense<true> : vector<16xi1>
        %masked_sort3A_552, %masked_sort3A_553, %masked_sort3A_554 = tpu.sort %select_n3A_551, %get3A_544 masked %masked_sort3A : (vector<16xf32>, vector<16xi32>, vector<16xi1>) -> (vector<16xi1>, vector<16xf32>, vector<16xi32>)
        %rev3A = arith.constant 15 : i32
        %rev3A_555 = vector.broadcast %rev3A : i32 to vector<16xi32>
        %rev3A_556 = tpu.iota {dimensions = array<i32: 0>} : vector<16xi32>
        %rev3A_557 = arith.subi %rev3A_555, %rev3A_556 : vector<16xi32>
        %rev3A_558 = tpu.dynamic_gather %masked_sort3A_553[%rev3A_557] in [0] : vector<16xf32>, vector<16xi32> -> vector<16xf32>
        %rev3A_559 = arith.constant 15 : i32
        %rev3A_560 = vector.broadcast %rev3A_559 : i32 to vector<16xi32>
        %rev3A_561 = tpu.iota {dimensions = array<i32: 0>} : vector<16xi32>
        %rev3A_562 = arith.subi %rev3A_560, %rev3A_561 : vector<16xi32>
        %rev3A_563 = tpu.dynamic_gather %masked_sort3A_554[%rev3A_562] in [0] : vector<16xi32>, vector<16xi32> -> vector<16xi32>
        %le3A = arith.cmpf ole, %while3A_538, %rev3A_558 : vector<16xf32>
        %select_n3A_564 = arith.select %le3A, %while3A_538, %rev3A_558 : vector<16xi1>, vector<16xf32>
        %select_n3A_565 = arith.select %le3A, %while3A_540, %rev3A_563 : vector<16xi1>, vector<16xi32>
        %masked_sort3A_566 = arith.constant dense<true> : vector<16xi1>
        %masked_sort3A_567, %masked_sort3A_568, %masked_sort3A_569 = tpu.sort %select_n3A_564, %select_n3A_565 masked %masked_sort3A_566 : (vector<16xf32>, vector<16xi32>, vector<16xi1>) -> (vector<16xi1>, vector<16xf32>, vector<16xi32>)
        %rev3A_570 = arith.constant 15 : i32
        %rev3A_571 = vector.broadcast %rev3A_570 : i32 to vector<16xi32>
        %rev3A_572 = tpu.iota {dimensions = array<i32: 0>} : vector<16xi32>
        %rev3A_573 = arith.subi %rev3A_571, %rev3A_572 : vector<16xi32>
        %rev3A_574 = tpu.dynamic_gather %masked_sort3A_568[%rev3A_573] in [0] : vector<16xf32>, vector<16xi32> -> vector<16xf32>
        %rev3A_575 = arith.constant 15 : i32
        %rev3A_576 = vector.broadcast %rev3A_575 : i32 to vector<16xi32>
        %rev3A_577 = tpu.iota {dimensions = array<i32: 0>} : vector<16xi32>
        %rev3A_578 = arith.subi %rev3A_576, %rev3A_577 : vector<16xi32>
        %rev3A_579 = tpu.dynamic_gather %masked_sort3A_569[%rev3A_578] in [0] : vector<16xi32>, vector<16xi32> -> vector<16xi32>
        %le3A_580 = arith.cmpf ole, %while3A_537, %rev3A_574 : vector<16xf32>
        %select_n3A_581 = arith.select %le3A_580, %while3A_537, %rev3A_574 : vector<16xi1>, vector<16xf32>
        %select_n3A_582 = arith.select %le3A_580, %while3A_539, %rev3A_579 : vector<16xi1>, vector<16xi32>
        %select_n3A_583 = arith.select %le3A_580, %rev3A_574, %while3A_537 : vector<16xi1>, vector<16xf32>
        %select_n3A_584 = arith.select %le3A_580, %rev3A_579, %while3A_539 : vector<16xi1>, vector<16xi32>
        %masked_sort3A_585 = arith.constant dense<true> : vector<16xi1>
        %masked_sort3A_586, %masked_sort3A_587, %masked_sort3A_588 = tpu.sort %select_n3A_581, %select_n3A_582 masked %masked_sort3A_585 : (vector<16xf32>, vector<16xi32>, vector<16xi1>) -> (vector<16xi1>, vector<16xf32>, vector<16xi32>)
        %masked_sort3A_589 = arith.constant dense<true> : vector<16xi1>
        %masked_sort3A_590, %masked_sort3A_591, %masked_sort3A_592 = tpu.sort %select_n3A_583, %select_n3A_584 masked %masked_sort3A_589 : (vector<16xf32>, vector<16xi32>, vector<16xi1>) -> (vector<16xi1>, vector<16xf32>, vector<16xi32>)
        scf.yield %masked_sort3A_587, %masked_sort3A_591, %masked_sort3A_588, %masked_sort3A_592 : vector<16xf32>, vector<16xf32>, vector<16xi32>, vector<16xi32>
      }
      %while3A_358 = arith.constant 1 : i32
      %while3A_359:4 = scf.for %while3A_536 = %while3A_355 to %while3A_351 step %while3A_358 iter_args(%while3A_537 = %while3A_357#0, %while3A_538 = %while3A_357#1, %while3A_539 = %while3A_357#2, %while3A_540 = %while3A_357#3) -> (vector<16xf32>, vector<16xf32>, vector<16xi32>, vector<16xi32>)  : i32 {
        %mul3A_541 = arith.constant 16 : i32
        %mul3A_542 = arith.muli %while3A_536, %mul3A_541 : i32
        %get3A_543 = arith.index_cast %mul3A_542 : i32 to index
        %get3A_544 = tpu.vector_load %arg10[%get3A_543] {strides = array<i32>} : memref<4128xi32, #tpu.memory_space<vmem>>, vector<16xi32>,
        %gather3A_545 = tpu.vector_load_idx %arg9[%get3A_544] : memref<4096xf32, #tpu.memory_space<vmem>>[vector<16xi32>], vector<16xf32>,
        %mul3A_546 = arith.constant 16 : i32
        %mul3A_547 = arith.muli %while3A_536, %mul3A_546 : i32
        %add3A_548 = vector.broadcast %mul3A_547 : i32 to vector<16xi32>
        %add3A_549 = arith.addi %add3A_548, %iota3A : vector<16xi32>
        %lt3A_550 = arith.cmpi slt, %add3A_549, %add3A_348 : vector<16xi32>
        %select_n3A_551 = arith.select %lt3A_550, %gather3A_545, %broadcast_in_dim3A_27 : vector<16xi1>, vector<16xf32>
        %masked_sort3A = arith.constant dense<true> : vector<16xi1>
        %masked_sort3A_552, %masked_sort3A_553, %masked_sort3A_554 = tpu.sort %select_n3A_551, %get3A_544 masked %masked_sort3A : (vector<16xf32>, vector<16xi32>, vector<16xi1>) -> (vector<16xi1>, vector<16xf32>, vector<16xi32>)
        %rev3A = arith.constant 15 : i32
        %rev3A_555 = vector.broadcast %rev3A : i32 to vector<16xi32>
        %rev3A_556 = tpu.iota {dimensions = array<i32: 0>} : vector<16xi32>
        %rev3A_557 = arith.subi %rev3A_555, %rev3A_556 : vector<16xi32>
        %rev3A_558 = tpu.dynamic_gather %masked_sort3A_553[%rev3A_557] in [0] : vector<16xf32>, vector<16xi32> -> vector<16xf32>
        %rev3A_559 = arith.constant 15 : i32
        %rev3A_560 = vector.broadcast %rev3A_559 : i32 to vector<16xi32>
        %rev3A_561 = tpu.iota {dimensions = array<i32: 0>} : vector<16xi32>
        %rev3A_562 = arith.subi %rev3A_560, %rev3A_561 : vector<16xi32>
        %rev3A_563 = tpu.dynamic_gather %masked_sort3A_554[%rev3A_562] in [0] : vector<16xi32>, vector<16xi32> -> vector<16xi32>
        %le3A = arith.cmpf ole, %while3A_538, %rev3A_558 : vector<16xf32>
        %select_n3A_564 = arith.select %le3A, %while3A_538, %rev3A_558 : vector<16xi1>, vector<16xf32>
        %select_n3A_565 = arith.select %le3A, %while3A_540, %rev3A_563 : vector<16xi1>, vector<16xi32>
        %masked_sort3A_566 = arith.constant dense<true> : vector<16xi1>
        %masked_sort3A_567, %masked_sort3A_568, %masked_sort3A_569 = tpu.sort %select_n3A_564, %select_n3A_565 masked %masked_sort3A_566 : (vector<16xf32>, vector<16xi32>, vector<16xi1>) -> (vector<16xi1>, vector<16xf32>, vector<16xi32>)
        %rev3A_570 = arith.constant 15 : i32
        %rev3A_571 = vector.broadcast %rev3A_570 : i32 to vector<16xi32>
        %rev3A_572 = tpu.iota {dimensions = array<i32: 0>} : vector<16xi32>
        %rev3A_573 = arith.subi %rev3A_571, %rev3A_572 : vector<16xi32>
        %rev3A_574 = tpu.dynamic_gather %masked_sort3A_568[%rev3A_573] in [0] : vector<16xf32>, vector<16xi32> -> vector<16xf32>
        %rev3A_575 = arith.constant 15 : i32
        %rev3A_576 = vector.broadcast %rev3A_575 : i32 to vector<16xi32>
        %rev3A_577 = tpu.iota {dimensions = array<i32: 0>} : vector<16xi32>
        %rev3A_578 = arith.subi %rev3A_576, %rev3A_577 : vector<16xi32>
        %rev3A_579 = tpu.dynamic_gather %masked_sort3A_569[%rev3A_578] in [0] : vector<16xi32>, vector<16xi32> -> vector<16xi32>
        %le3A_580 = arith.cmpf ole, %while3A_537, %rev3A_574 : vector<16xf32>
        %select_n3A_581 = arith.select %le3A_580, %while3A_537, %rev3A_574 : vector<16xi1>, vector<16xf32>
        %select_n3A_582 = arith.select %le3A_580, %while3A_539, %rev3A_579 : vector<16xi1>, vector<16xi32>
        %select_n3A_583 = arith.select %le3A_580, %rev3A_574, %while3A_537 : vector<16xi1>, vector<16xf32>
        %select_n3A_584 = arith.select %le3A_580, %rev3A_579, %while3A_539 : vector<16xi1>, vector<16xi32>
        %masked_sort3A_585 = arith.constant dense<true> : vector<16xi1>
        %masked_sort3A_586, %masked_sort3A_587, %masked_sort3A_588 = tpu.sort %select_n3A_581, %select_n3A_582 masked %masked_sort3A_585 : (vector<16xf32>, vector<16xi32>, vector<16xi1>) -> (vector<16xi1>, vector<16xf32>, vector<16xi32>)
        %masked_sort3A_589 = arith.constant dense<true> : vector<16xi1>
        %masked_sort3A_590, %masked_sort3A_591, %masked_sort3A_592 = tpu.sort %select_n3A_583, %select_n3A_584 masked %masked_sort3A_589 : (vector<16xf32>, vector<16xi32>, vector<16xi1>) -> (vector<16xi1>, vector<16xf32>, vector<16xi32>)
        scf.yield %masked_sort3A_587, %masked_sort3A_591, %masked_sort3A_588, %masked_sort3A_592 : vector<16xf32>, vector<16xf32>, vector<16xi32>, vector<16xi32>
      }
      %add3A_360 = arith.constant 15 : i32
      %add3A_361 = arith.addi %scan3A_315#1, %add3A_360 : i32
      %jit3A_362 = arith.constant 16 : i32
      %div3A_363 = arith.divsi %add3A_361, %jit3A_362 : i32
      %sign3A_364 = arith.constant 0 : i32
      %sign3A_365 = arith.cmpi sgt, %add3A_361, %sign3A_364 : i32
      %sign3A_366 = arith.extui %sign3A_365 : i1 to i32
      %sign3A_367 = arith.constant 0 : i32
      %sign3A_368 = arith.cmpi slt, %add3A_361, %sign3A_367 : i32
      %sign3A_369 = arith.extui %sign3A_368 : i1 to i32
      %sign3A_370 = arith.subi %sign3A_366, %sign3A_369 : i32
      %sign3A_371 = arith.constant 0 : i32
      %sign3A_372 = arith.cmpi sgt, %jit3A_362, %sign3A_371 : i32
      %sign3A_373 = arith.extui %sign3A_372 : i1 to i32
      %sign3A_374 = arith.constant 0 : i32
      %sign3A_375 = arith.cmpi slt, %jit3A_362, %sign3A_374 : i32
      %sign3A_376 = arith.extui %sign3A_375 : i1 to i32
      %sign3A_377 = arith.subi %sign3A_373, %sign3A_376 : i32
      %ne3A_378 = arith.cmpi ne, %sign3A_370, %sign3A_377 : i32
      %rem3A_379 = arith.remsi %add3A_361, %jit3A_362 : i32
      %ne3A_380 = arith.constant 0 : i32
      %ne3A_381 = arith.cmpi ne, %rem3A_379, %ne3A_380 : i32
      %and3A_382 = arith.andi %ne3A_378, %ne3A_381 : i1
      %sub3A_383 = arith.constant 1 : i32
      %sub3A_384 = arith.subi %div3A_363, %sub3A_383 : i32
      %select_n3A_385 = arith.select %and3A_382, %sub3A_384, %div3A_363 : i32
      %add3A_386 = vector.broadcast %scan3A_315#1 : i32 to vector<16xi32>
      %add3A_387 = arith.addi %broadcast_in_dim3A_23, %add3A_386 : vector<16xi32>
      %while3A_388 = arith.constant 0 : i32
      %while3A_389 = arith.subi %select_n3A_385, %while3A_388 : i32
      %while3A_390 = arith.addi %while3A_388, %while3A_389 : i32
      %while3A_391 = arith.constant 1 : i32
      %while3A_392 = arith.divsi %while3A_389, %while3A_391 : i32
      %while3A_393 = arith.muli %while3A_392, %while3A_391 : i32
      %while3A_394 = arith.addi %while3A_388, %while3A_393 : i32
      %while3A_395 = arith.constant 1 : i32
      %while3A_396:4 = scf.for %while3A_536 = %while3A_388 to %while3A_394 step %while3A_395 iter_args(%while3A_537 = %while3A_359#0, %while3A_538 = %while3A_359#1, %while3A_539 = %while3A_359#2, %while3A_540 = %while3A_359#3) -> (vector<16xf32>, vector<16xf32>, vector<16xi32>, vector<16xi32>)  : i32 {
        %mul3A_541 = arith.constant 16 : i32
        %mul3A_542 = arith.muli %while3A_536, %mul3A_541 : i32
        %get3A_543 = arith.index_cast %mul3A_542 : i32 to index
        %get3A_544 = tpu.vector_load %arg11[%get3A_543] {strides = array<i32>} : memref<4128xi32, #tpu.memory_space<vmem>>, vector<16xi32>,
        %gather3A_545 = tpu.vector_load_idx %arg9[%get3A_544] : memref<4096xf32, #tpu.memory_space<vmem>>[vector<16xi32>], vector<16xf32>,
        %mul3A_546 = arith.constant 16 : i32
        %mul3A_547 = arith.muli %while3A_536, %mul3A_546 : i32
        %add3A_548 = vector.broadcast %mul3A_547 : i32 to vector<16xi32>
        %add3A_549 = arith.addi %add3A_548, %iota3A : vector<16xi32>
        %lt3A_550 = arith.cmpi slt, %add3A_549, %add3A_387 : vector<16xi32>
        %select_n3A_551 = arith.select %lt3A_550, %gather3A_545, %broadcast_in_dim3A_27 : vector<16xi1>, vector<16xf32>
        %masked_sort3A = arith.constant dense<true> : vector<16xi1>
        %masked_sort3A_552, %masked_sort3A_553, %masked_sort3A_554 = tpu.sort %select_n3A_551, %get3A_544 masked %masked_sort3A : (vector<16xf32>, vector<16xi32>, vector<16xi1>) -> (vector<16xi1>, vector<16xf32>, vector<16xi32>)
        %rev3A = arith.constant 15 : i32
        %rev3A_555 = vector.broadcast %rev3A : i32 to vector<16xi32>
        %rev3A_556 = tpu.iota {dimensions = array<i32: 0>} : vector<16xi32>
        %rev3A_557 = arith.subi %rev3A_555, %rev3A_556 : vector<16xi32>
        %rev3A_558 = tpu.dynamic_gather %masked_sort3A_553[%rev3A_557] in [0] : vector<16xf32>, vector<16xi32> -> vector<16xf32>
        %rev3A_559 = arith.constant 15 : i32
        %rev3A_560 = vector.broadcast %rev3A_559 : i32 to vector<16xi32>
        %rev3A_561 = tpu.iota {dimensions = array<i32: 0>} : vector<16xi32>
        %rev3A_562 = arith.subi %rev3A_560, %rev3A_561 : vector<16xi32>
        %rev3A_563 = tpu.dynamic_gather %masked_sort3A_554[%rev3A_562] in [0] : vector<16xi32>, vector<16xi32> -> vector<16xi32>
        %le3A = arith.cmpf ole, %while3A_538, %rev3A_558 : vector<16xf32>
        %select_n3A_564 = arith.select %le3A, %while3A_538, %rev3A_558 : vector<16xi1>, vector<16xf32>
        %select_n3A_565 = arith.select %le3A, %while3A_540, %rev3A_563 : vector<16xi1>, vector<16xi32>
        %masked_sort3A_566 = arith.constant dense<true> : vector<16xi1>
        %masked_sort3A_567, %masked_sort3A_568, %masked_sort3A_569 = tpu.sort %select_n3A_564, %select_n3A_565 masked %masked_sort3A_566 : (vector<16xf32>, vector<16xi32>, vector<16xi1>) -> (vector<16xi1>, vector<16xf32>, vector<16xi32>)
        %rev3A_570 = arith.constant 15 : i32
        %rev3A_571 = vector.broadcast %rev3A_570 : i32 to vector<16xi32>
        %rev3A_572 = tpu.iota {dimensions = array<i32: 0>} : vector<16xi32>
        %rev3A_573 = arith.subi %rev3A_571, %rev3A_572 : vector<16xi32>
        %rev3A_574 = tpu.dynamic_gather %masked_sort3A_568[%rev3A_573] in [0] : vector<16xf32>, vector<16xi32> -> vector<16xf32>
        %rev3A_575 = arith.constant 15 : i32
        %rev3A_576 = vector.broadcast %rev3A_575 : i32 to vector<16xi32>
        %rev3A_577 = tpu.iota {dimensions = array<i32: 0>} : vector<16xi32>
        %rev3A_578 = arith.subi %rev3A_576, %rev3A_577 : vector<16xi32>
        %rev3A_579 = tpu.dynamic_gather %masked_sort3A_569[%rev3A_578] in [0] : vector<16xi32>, vector<16xi32> -> vector<16xi32>
        %le3A_580 = arith.cmpf ole, %while3A_537, %rev3A_574 : vector<16xf32>
        %select_n3A_581 = arith.select %le3A_580, %while3A_537, %rev3A_574 : vector<16xi1>, vector<16xf32>
        %select_n3A_582 = arith.select %le3A_580, %while3A_539, %rev3A_579 : vector<16xi1>, vector<16xi32>
        %select_n3A_583 = arith.select %le3A_580, %rev3A_574, %while3A_537 : vector<16xi1>, vector<16xf32>
        %select_n3A_584 = arith.select %le3A_580, %rev3A_579, %while3A_539 : vector<16xi1>, vector<16xi32>
        %masked_sort3A_585 = arith.constant dense<true> : vector<16xi1>
        %masked_sort3A_586, %masked_sort3A_587, %masked_sort3A_588 = tpu.sort %select_n3A_581, %select_n3A_582 masked %masked_sort3A_585 : (vector<16xf32>, vector<16xi32>, vector<16xi1>) -> (vector<16xi1>, vector<16xf32>, vector<16xi32>)
        %masked_sort3A_589 = arith.constant dense<true> : vector<16xi1>
        %masked_sort3A_590, %masked_sort3A_591, %masked_sort3A_592 = tpu.sort %select_n3A_583, %select_n3A_584 masked %masked_sort3A_589 : (vector<16xf32>, vector<16xi32>, vector<16xi1>) -> (vector<16xi1>, vector<16xf32>, vector<16xi32>)
        scf.yield %masked_sort3A_587, %masked_sort3A_591, %masked_sort3A_588, %masked_sort3A_592 : vector<16xf32>, vector<16xf32>, vector<16xi32>, vector<16xi32>
      }
      %while3A_397 = arith.constant 1 : i32
      %while3A_398:4 = scf.for %while3A_536 = %while3A_394 to %while3A_390 step %while3A_397 iter_args(%while3A_537 = %while3A_396#0, %while3A_538 = %while3A_396#1, %while3A_539 = %while3A_396#2, %while3A_540 = %while3A_396#3) -> (vector<16xf32>, vector<16xf32>, vector<16xi32>, vector<16xi32>)  : i32 {
        %mul3A_541 = arith.constant 16 : i32
        %mul3A_542 = arith.muli %while3A_536, %mul3A_541 : i32
        %get3A_543 = arith.index_cast %mul3A_542 : i32 to index
        %get3A_544 = tpu.vector_load %arg11[%get3A_543] {strides = array<i32>} : memref<4128xi32, #tpu.memory_space<vmem>>, vector<16xi32>,
        %gather3A_545 = tpu.vector_load_idx %arg9[%get3A_544] : memref<4096xf32, #tpu.memory_space<vmem>>[vector<16xi32>], vector<16xf32>,
        %mul3A_546 = arith.constant 16 : i32
        %mul3A_547 = arith.muli %while3A_536, %mul3A_546 : i32
        %add3A_548 = vector.broadcast %mul3A_547 : i32 to vector<16xi32>
        %add3A_549 = arith.addi %add3A_548, %iota3A : vector<16xi32>
        %lt3A_550 = arith.cmpi slt, %add3A_549, %add3A_387 : vector<16xi32>
        %select_n3A_551 = arith.select %lt3A_550, %gather3A_545, %broadcast_in_dim3A_27 : vector<16xi1>, vector<16xf32>
        %masked_sort3A = arith.constant dense<true> : vector<16xi1>
        %masked_sort3A_552, %masked_sort3A_553, %masked_sort3A_554 = tpu.sort %select_n3A_551, %get3A_544 masked %masked_sort3A : (vector<16xf32>, vector<16xi32>, vector<16xi1>) -> (vector<16xi1>, vector<16xf32>, vector<16xi32>)
        %rev3A = arith.constant 15 : i32
        %rev3A_555 = vector.broadcast %rev3A : i32 to vector<16xi32>
        %rev3A_556 = tpu.iota {dimensions = array<i32: 0>} : vector<16xi32>
        %rev3A_557 = arith.subi %rev3A_555, %rev3A_556 : vector<16xi32>
        %rev3A_558 = tpu.dynamic_gather %masked_sort3A_553[%rev3A_557] in [0] : vector<16xf32>, vector<16xi32> -> vector<16xf32>
        %rev3A_559 = arith.constant 15 : i32
        %rev3A_560 = vector.broadcast %rev3A_559 : i32 to vector<16xi32>
        %rev3A_561 = tpu.iota {dimensions = array<i32: 0>} : vector<16xi32>
        %rev3A_562 = arith.subi %rev3A_560, %rev3A_561 : vector<16xi32>
        %rev3A_563 = tpu.dynamic_gather %masked_sort3A_554[%rev3A_562] in [0] : vector<16xi32>, vector<16xi32> -> vector<16xi32>
        %le3A = arith.cmpf ole, %while3A_538, %rev3A_558 : vector<16xf32>
        %select_n3A_564 = arith.select %le3A, %while3A_538, %rev3A_558 : vector<16xi1>, vector<16xf32>
        %select_n3A_565 = arith.select %le3A, %while3A_540, %rev3A_563 : vector<16xi1>, vector<16xi32>
        %masked_sort3A_566 = arith.constant dense<true> : vector<16xi1>
        %masked_sort3A_567, %masked_sort3A_568, %masked_sort3A_569 = tpu.sort %select_n3A_564, %select_n3A_565 masked %masked_sort3A_566 : (vector<16xf32>, vector<16xi32>, vector<16xi1>) -> (vector<16xi1>, vector<16xf32>, vector<16xi32>)
        %rev3A_570 = arith.constant 15 : i32
        %rev3A_571 = vector.broadcast %rev3A_570 : i32 to vector<16xi32>
        %rev3A_572 = tpu.iota {dimensions = array<i32: 0>} : vector<16xi32>
        %rev3A_573 = arith.subi %rev3A_571, %rev3A_572 : vector<16xi32>
        %rev3A_574 = tpu.dynamic_gather %masked_sort3A_568[%rev3A_573] in [0] : vector<16xf32>, vector<16xi32> -> vector<16xf32>
        %rev3A_575 = arith.constant 15 : i32
        %rev3A_576 = vector.broadcast %rev3A_575 : i32 to vector<16xi32>
        %rev3A_577 = tpu.iota {dimensions = array<i32: 0>} : vector<16xi32>
        %rev3A_578 = arith.subi %rev3A_576, %rev3A_577 : vector<16xi32>
        %rev3A_579 = tpu.dynamic_gather %masked_sort3A_569[%rev3A_578] in [0] : vector<16xi32>, vector<16xi32> -> vector<16xi32>
        %le3A_580 = arith.cmpf ole, %while3A_537, %rev3A_574 : vector<16xf32>
        %select_n3A_581 = arith.select %le3A_580, %while3A_537, %rev3A_574 : vector<16xi1>, vector<16xf32>
        %select_n3A_582 = arith.select %le3A_580, %while3A_539, %rev3A_579 : vector<16xi1>, vector<16xi32>
        %select_n3A_583 = arith.select %le3A_580, %rev3A_574, %while3A_537 : vector<16xi1>, vector<16xf32>
        %select_n3A_584 = arith.select %le3A_580, %rev3A_579, %while3A_539 : vector<16xi1>, vector<16xi32>
        %masked_sort3A_585 = arith.constant dense<true> : vector<16xi1>
        %masked_sort3A_586, %masked_sort3A_587, %masked_sort3A_588 = tpu.sort %select_n3A_581, %select_n3A_582 masked %masked_sort3A_585 : (vector<16xf32>, vector<16xi32>, vector<16xi1>) -> (vector<16xi1>, vector<16xf32>, vector<16xi32>)
        %masked_sort3A_589 = arith.constant dense<true> : vector<16xi1>
        %masked_sort3A_590, %masked_sort3A_591, %masked_sort3A_592 = tpu.sort %select_n3A_583, %select_n3A_584 masked %masked_sort3A_589 : (vector<16xf32>, vector<16xi32>, vector<16xi1>) -> (vector<16xi1>, vector<16xf32>, vector<16xi32>)
        scf.yield %masked_sort3A_587, %masked_sort3A_591, %masked_sort3A_588, %masked_sort3A_592 : vector<16xf32>, vector<16xf32>, vector<16xi32>, vector<16xi32>
      }
      %mul3A_399 = arith.constant 4096 : i32
      %mul3A_400 = arith.muli %select_n3A, %mul3A_399 : i32
      %sub3A_401 = arith.subi %mul3A_18, %mul3A_400 : i32
      %add3A_402 = arith.addi %sub3A_401, %add3A_295 : i32
      %mul3A_403 = arith.constant 3 : i32
      %mul3A_404 = arith.muli %add3A_402, %mul3A_403 : i32
      %add3A_405 = arith.constant 0 : i32
      %add3A_406 = arith.addi %mul3A_404, %add3A_405 : i32
      %add3A_407 = vector.broadcast %add3A_406 : i32 to vector<16xi32>
      %add3A_408 = arith.addi %broadcast_in_dim3A_23, %add3A_407 : vector<16xi32>
      %gather3A_409 = tpu.vector_load_idx %arg13[%add3A_408] : memref<12288xf32, #tpu.memory_space<vmem>>[vector<16xi32>], vector<16xf32>,
      %add3A_410 = arith.constant 1 : i32
      %add3A_411 = arith.addi %mul3A_404, %add3A_410 : i32
      %add3A_412 = vector.broadcast %add3A_411 : i32 to vector<16xi32>
      %add3A_413 = arith.addi %broadcast_in_dim3A_23, %add3A_412 : vector<16xi32>
      %gather3A_414 = tpu.vector_load_idx %arg13[%add3A_413] : memref<12288xf32, #tpu.memory_space<vmem>>[vector<16xi32>], vector<16xf32>,
      %add3A_415 = arith.constant 2 : i32
      %add3A_416 = arith.addi %mul3A_404, %add3A_415 : i32
      %add3A_417 = vector.broadcast %add3A_416 : i32 to vector<16xi32>
      %add3A_418 = arith.addi %broadcast_in_dim3A_23, %add3A_417 : vector<16xi32>
      %gather3A_419 = tpu.vector_load_idx %arg13[%add3A_418] : memref<12288xf32, #tpu.memory_space<vmem>>[vector<16xi32>], vector<16xf32>,
      %mul3A_420 = arith.constant 32 : i32
      %mul3A_421 = arith.muli %add3A_295, %mul3A_420 : i32
      %add3A_422 = arith.constant 0 : i32
      %add3A_423 = arith.addi %mul3A_421, %add3A_422 : i32
      %mul3A_424 = arith.constant 3 : i32
      %mul3A_425 = arith.muli %add3A_423, %mul3A_424 : i32
      %mul3A_426 = arith.constant 3 : i32
      %mul3A_427 = vector.broadcast %mul3A_426 : i32 to vector<16xi32>
      %mul3A_428 = arith.muli %iota3A, %mul3A_427 : vector<16xi32>
      %add3A_429 = vector.broadcast %mul3A_425 : i32 to vector<16xi32>
      %add3A_430 = arith.addi %add3A_429, %mul3A_428 : vector<16xi32>
      %mul3A_431 = arith.constant 3 : i32
      %mul3A_432 = vector.broadcast %mul3A_431 : i32 to vector<16xi32>
      %mul3A_433 = arith.muli %while3A_398#2, %mul3A_432 : vector<16xi32>
      %add3A_434 = arith.constant 0 : i32
      %add3A_435 = vector.broadcast %add3A_434 : i32 to vector<16xi32>
      %add3A_436 = arith.addi %mul3A_433, %add3A_435 : vector<16xi32>
      %gather3A_437 = tpu.vector_load_idx %arg13[%add3A_436] : memref<12288xf32, #tpu.memory_space<vmem>>[vector<16xi32>], vector<16xf32>,
      %add3A_438 = arith.constant 0 : i32
      %add3A_439 = vector.broadcast %add3A_438 : i32 to vector<16xi32>
      %add3A_440 = arith.addi %add3A_430, %add3A_439 : vector<16xi32>
      %sub3A_441 = arith.subf %gather3A_437, %gather3A_409 : vector<16xf32>
      tpu.vector_store_idx %arg14[%add3A_440], %sub3A_441 : memref<49152xf32, #tpu.memory_space<vmem>>[vector<16xi32>], vector<16xf32>,
      %mul3A_442 = arith.constant 3 : i32
      %mul3A_443 = vector.broadcast %mul3A_442 : i32 to vector<16xi32>
      %mul3A_444 = arith.muli %while3A_398#2, %mul3A_443 : vector<16xi32>
      %add3A_445 = arith.constant 1 : i32
      %add3A_446 = vector.broadcast %add3A_445 : i32 to vector<16xi32>
      %add3A_447 = arith.addi %mul3A_444, %add3A_446 : vector<16xi32>
      %gather3A_448 = tpu.vector_load_idx %arg13[%add3A_447] : memref<12288xf32, #tpu.memory_space<vmem>>[vector<16xi32>], vector<16xf32>,
      %add3A_449 = arith.constant 1 : i32
      %add3A_450 = vector.broadcast %add3A_449 : i32 to vector<16xi32>
      %add3A_451 = arith.addi %add3A_430, %add3A_450 : vector<16xi32>
      %sub3A_452 = arith.subf %gather3A_448, %gather3A_414 : vector<16xf32>
      tpu.vector_store_idx %arg14[%add3A_451], %sub3A_452 : memref<49152xf32, #tpu.memory_space<vmem>>[vector<16xi32>], vector<16xf32>,
      %mul3A_453 = arith.constant 3 : i32
      %mul3A_454 = vector.broadcast %mul3A_453 : i32 to vector<16xi32>
      %mul3A_455 = arith.muli %while3A_398#2, %mul3A_454 : vector<16xi32>
      %add3A_456 = arith.constant 2 : i32
      %add3A_457 = vector.broadcast %add3A_456 : i32 to vector<16xi32>
      %add3A_458 = arith.addi %mul3A_455, %add3A_457 : vector<16xi32>
      %gather3A_459 = tpu.vector_load_idx %arg13[%add3A_458] : memref<12288xf32, #tpu.memory_space<vmem>>[vector<16xi32>], vector<16xf32>,
      %add3A_460 = arith.constant 2 : i32
      %add3A_461 = vector.broadcast %add3A_460 : i32 to vector<16xi32>
      %add3A_462 = arith.addi %add3A_430, %add3A_461 : vector<16xi32>
      %sub3A_463 = arith.subf %gather3A_459, %gather3A_419 : vector<16xf32>
      tpu.vector_store_idx %arg14[%add3A_462], %sub3A_463 : memref<49152xf32, #tpu.memory_space<vmem>>[vector<16xi32>], vector<16xf32>,
      %add3A_464 = vector.broadcast %mul3A_22 : i32 to vector<16xi32>
      %add3A_465 = arith.addi %while3A_398#2, %add3A_464 : vector<16xi32>
      %swap3A_466 = arith.constant 0 : index
      %swap3A_467 = tpu.vector_load %arg16[%swap3A_466] {strides = array<i32>} : memref<32xi32, #tpu.memory_space<vmem>>, vector<16xi32>,
      tpu.vector_store %arg16[%swap3A_466], %add3A_465 {strides = array<i32>} : memref<32xi32, #tpu.memory_space<vmem>>, vector<16xi32>,
      %mul3A_468 = arith.constant 32 : i32
      %mul3A_469 = arith.muli %add3A_295, %mul3A_468 : i32
      %add3A_470 = arith.constant 16 : i32
      %add3A_471 = arith.addi %mul3A_469, %add3A_470 : i32
      %mul3A_472 = arith.constant 3 : i32
      %mul3A_473 = arith.muli %add3A_471, %mul3A_472 : i32
      %mul3A_474 = arith.constant 3 : i32
      %mul3A_475 = vector.broadcast %mul3A_474 : i32 to vector<16xi32>
      %mul3A_476 = arith.muli %iota3A, %mul3A_475 : vector<16xi32>
      %add3A_477 = vector.broadcast %mul3A_473 : i32 to vector<16xi32>
      %add3A_478 = arith.addi %add3A_477, %mul3A_476 : vector<16xi32>
      %mul3A_479 = arith.constant 3 : i32
      %mul3A_480 = vector.broadcast %mul3A_479 : i32 to vector<16xi32>
      %mul3A_481 = arith.muli %while3A_398#3, %mul3A_480 : vector<16xi32>
      %add3A_482 = arith.constant 0 : i32
      %add3A_483 = vector.broadcast %add3A_482 : i32 to vector<16xi32>
      %add3A_484 = arith.addi %mul3A_481, %add3A_483 : vector<16xi32>
      %gather3A_485 = tpu.vector_load_idx %arg13[%add3A_484] : memref<12288xf32, #tpu.memory_space<vmem>>[vector<16xi32>], vector<16xf32>,
      %add3A_486 = arith.constant 0 : i32
      %add3A_487 = vector.broadcast %add3A_486 : i32 to vector<16xi32>
      %add3A_488 = arith.addi %add3A_478, %add3A_487 : vector<16xi32>
      %sub3A_489 = arith.subf %gather3A_485, %gather3A_409 : vector<16xf32>
      tpu.vector_store_idx %arg14[%add3A_488], %sub3A_489 : memref<49152xf32, #tpu.memory_space<vmem>>[vector<16xi32>], vector<16xf32>,
      %mul3A_490 = arith.constant 3 : i32
      %mul3A_491 = vector.broadcast %mul3A_490 : i32 to vector<16xi32>
      %mul3A_492 = arith.muli %while3A_398#3, %mul3A_491 : vector<16xi32>
      %add3A_493 = arith.constant 1 : i32
      %add3A_494 = vector.broadcast %add3A_493 : i32 to vector<16xi32>
      %add3A_495 = arith.addi %mul3A_492, %add3A_494 : vector<16xi32>
      %gather3A_496 = tpu.vector_load_idx %arg13[%add3A_495] : memref<12288xf32, #tpu.memory_space<vmem>>[vector<16xi32>], vector<16xf32>,
      %add3A_497 = arith.constant 1 : i32
      %add3A_498 = vector.broadcast %add3A_497 : i32 to vector<16xi32>
      %add3A_499 = arith.addi %add3A_478, %add3A_498 : vector<16xi32>
      %sub3A_500 = arith.subf %gather3A_496, %gather3A_414 : vector<16xf32>
      tpu.vector_store_idx %arg14[%add3A_499], %sub3A_500 : memref<49152xf32, #tpu.memory_space<vmem>>[vector<16xi32>], vector<16xf32>,
      %mul3A_501 = arith.constant 3 : i32
      %mul3A_502 = vector.broadcast %mul3A_501 : i32 to vector<16xi32>
      %mul3A_503 = arith.muli %while3A_398#3, %mul3A_502 : vector<16xi32>
      %add3A_504 = arith.constant 2 : i32
      %add3A_505 = vector.broadcast %add3A_504 : i32 to vector<16xi32>
      %add3A_506 = arith.addi %mul3A_503, %add3A_505 : vector<16xi32>
      %gather3A_507 = tpu.vector_load_idx %arg13[%add3A_506] : memref<12288xf32, #tpu.memory_space<vmem>>[vector<16xi32>], vector<16xf32>,
      %add3A_508 = arith.constant 2 : i32
      %add3A_509 = vector.broadcast %add3A_508 : i32 to vector<16xi32>
      %add3A_510 = arith.addi %add3A_478, %add3A_509 : vector<16xi32>
      %sub3A_511 = arith.subf %gather3A_507, %gather3A_419 : vector<16xf32>
      tpu.vector_store_idx %arg14[%add3A_510], %sub3A_511 : memref<49152xf32, #tpu.memory_space<vmem>>[vector<16xi32>], vector<16xf32>,
      %add3A_512 = vector.broadcast %mul3A_22 : i32 to vector<16xi32>
      %add3A_513 = arith.addi %while3A_398#3, %add3A_512 : vector<16xi32>
      %swap3A_514 = arith.constant 16 : index
      %swap3A_515 = tpu.vector_load %arg16[%swap3A_514] {strides = array<i32>} : memref<32xi32, #tpu.memory_space<vmem>>, vector<16xi32>,
      tpu.vector_store %arg16[%swap3A_514], %add3A_513 {strides = array<i32>} : memref<32xi32, #tpu.memory_space<vmem>>, vector<16xi32>,
      %ge3A_516 = arith.constant 2 : i32
      %ge3A_517 = arith.cmpi sge, %add3A_295, %ge3A_516 : i32
      %convert_element_type3A_518 = arith.extui %ge3A_517 : i1 to i32
      %cond3A_519 = arith.constant 0 : i32
      %cond3A_520 = arith.cmpi ne, %convert_element_type3A_518, %cond3A_519 : i32
      scf.if %cond3A_520 {
        %sub3A_536 = arith.constant 2 : i32
        %sub3A_537 = arith.subi %add3A_295, %sub3A_536 : i32
        %mul3A_538 = arith.constant 32 : i32
        %mul3A_539 = arith.muli %sub3A_537, %mul3A_538 : i32
        %add3A_540 = arith.addi %mul3A_20, %mul3A_539 : i32
        %dma_wait3A_541 = arith.constant 0 : i32
        %dma_wait3A_542 = tpu.memref_slice %arg6[%add3A_540, %dma_wait3A_541] : memref<524288x128xf32, #tpu.memory_space<hbm>> -> memref<32x128xf32, #tpu.memory_space<hbm>>
        %dma_wait3A_543 = arith.constant 0 : i32
        %dma_wait3A_544 = tpu.memref_slice %arg6[%add3A_540, %dma_wait3A_543] : memref<524288x128xf32, #tpu.memory_space<hbm>> -> memref<32x128xf32, #tpu.memory_space<hbm>>
        tpu.wait_dma2 semaphore(%arg24 : memref<!tpu.dma_semaphore, #tpu.memory_space<semaphore_mem>>) src(%arg18 : memref<32x128xf32, #tpu.memory_space<vmem>>) dst(%dma_wait3A_544 : memref<32x128xf32, #tpu.memory_space<hbm>>)
      } else {
      }
      %dma_start3A_521 = arith.constant 0 : i32
      %dma_start3A_522 = arith.constant 0 : i32
      %dma_start3A_523 = tpu.memref_slice %arg4[%dma_start3A_521, %dma_start3A_522] : memref<16384x128xf32, #tpu.memory_space<hbm>> -> memref<16384x128xf32, #tpu.memory_space<hbm>>
      tpu.enqueue_indirect_dma source(%dma_start3A_523 : memref<16384x128xf32, #tpu.memory_space<hbm>>) target(%arg18 : memref<32x128xf32, #tpu.memory_space<vmem>>) offsets(%arg16 : memref<32xi32, #tpu.memory_space<vmem>>) semaphore(%arg22 : memref<!tpu.dma_semaphore, #tpu.memory_space<semaphore_mem>>)
      %ge3A_524 = arith.constant 1 : i32
      %ge3A_525 = arith.cmpi sge, %add3A_295, %ge3A_524 : i32
      %convert_element_type3A_526 = arith.extui %ge3A_525 : i1 to i32
      %cond3A_527 = arith.constant 0 : i32
      %cond3A_528 = arith.cmpi ne, %convert_element_type3A_526, %cond3A_527 : i32
      scf.if %cond3A_528 {
        %dma_wait3A_536 = arith.constant 0 : i32
        %dma_wait3A_537 = arith.constant 0 : i32
        %dma_wait3A_538 = tpu.memref_slice %arg4[%dma_wait3A_536, %dma_wait3A_537] : memref<16384x128xf32, #tpu.memory_space<hbm>> -> memref<16384x128xf32, #tpu.memory_space<hbm>>
        tpu.wait_indirect_dma semaphore(%arg21 : memref<!tpu.dma_semaphore, #tpu.memory_space<semaphore_mem>>) src(%dma_wait3A_538 : memref<16384x128xf32, #tpu.memory_space<hbm>>) dst(%arg17 : memref<32x128xf32, #tpu.memory_space<vmem>>)
        %sub3A_539 = arith.constant 1 : i32
        %sub3A_540 = arith.subi %add3A_295, %sub3A_539 : i32
        %mul3A_541 = arith.constant 32 : i32
        %mul3A_542 = arith.muli %sub3A_540, %mul3A_541 : i32
        %add3A_543 = arith.addi %mul3A_20, %mul3A_542 : i32
        %dma_start3A_544 = arith.constant 0 : i32
        %dma_start3A_545 = tpu.memref_slice %arg6[%add3A_543, %dma_start3A_544] : memref<524288x128xf32, #tpu.memory_space<hbm>> -> memref<32x128xf32, #tpu.memory_space<hbm>>
        %dma_start3A_546 = arith.constant 0 : i32
        %dma_start3A_547 = tpu.memref_slice %arg6[%add3A_543, %dma_start3A_546] : memref<524288x128xf32, #tpu.memory_space<hbm>> -> memref<32x128xf32, #tpu.memory_space<hbm>>
        tpu.enqueue_dma source(%arg17 : memref<32x128xf32, #tpu.memory_space<vmem>>) target(%dma_start3A_547 : memref<32x128xf32, #tpu.memory_space<hbm>>) target_semaphore(%arg23 : memref<!tpu.dma_semaphore, #tpu.memory_space<semaphore_mem>>)
      } else {
      }
      %add3A_529 = arith.constant 2 : i32
      %add3A_530 = arith.addi %add3A_295, %add3A_529 : i32
      %lt3A_531 = arith.constant 512 : i32
      %lt3A_532 = arith.cmpi slt, %add3A_530, %lt3A_531 : i32
      %convert_element_type3A_533 = arith.extui %lt3A_532 : i1 to i32
      %cond3A_534 = arith.constant 0 : i32
      %cond3A_535 = arith.cmpi ne, %convert_element_type3A_533, %cond3A_534 : i32
      scf.if %cond3A_535 {
        %add3A_536 = arith.addi %mul3A_18, %add3A_295 : i32
        %add3A_537 = arith.constant 2 : i32
        %add3A_538 = arith.addi %add3A_536, %add3A_537 : i32
        %dma_start3A_539 = arith.constant 0 : i32
        %dma_start3A_540 = tpu.memref_slice %arg2[%add3A_538, %dma_start3A_539] : memref<16384x4096xf32, #tpu.memory_space<hbm>> -> memref<1x4096xf32, #tpu.memory_space<hbm>>
        %dma_start3A_541 = tpu.memref_squeeze %dma_start3A_540 : memref<1x4096xf32, #tpu.memory_space<hbm>> -> memref<4096xf32, #tpu.memory_space<hbm>>
        %dma_start3A_542 = arith.constant 0 : i32
        %dma_start3A_543 = tpu.memref_slice %arg2[%add3A_538, %dma_start3A_542] : memref<16384x4096xf32, #tpu.memory_space<hbm>> -> memref<1x4096xf32, #tpu.memory_space<hbm>>
        %dma_start3A_544 = tpu.memref_squeeze %dma_start3A_543 : memref<1x4096xf32, #tpu.memory_space<hbm>> -> memref<4096xf32, #tpu.memory_space<hbm>>
        tpu.enqueue_dma source(%dma_start3A_544 : memref<4096xf32, #tpu.memory_space<hbm>>) target(%arg9 : memref<4096xf32, #tpu.memory_space<vmem>>) target_semaphore(%arg20 : memref<!tpu.dma_semaphore, #tpu.memory_space<semaphore_mem>>)
      } else {
      }
    }
    %scan3A_44 = arith.constant 256 : i32
    %add3A_45 = arith.constant 16320 : i32
    %add3A_46 = arith.addi %mul3A_20, %add3A_45 : i32
    %dma_wait3A = arith.constant 0 : i32
    %dma_wait3A_47 = tpu.memref_slice %arg6[%add3A_46, %dma_wait3A] : memref<524288x128xf32, #tpu.memory_space<hbm>> -> memref<32x128xf32, #tpu.memory_space<hbm>>
    %dma_wait3A_48 = arith.constant 0 : i32
    %dma_wait3A_49 = tpu.memref_slice %arg6[%add3A_46, %dma_wait3A_48] : memref<524288x128xf32, #tpu.memory_space<hbm>> -> memref<32x128xf32, #tpu.memory_space<hbm>>
    tpu.wait_dma2 semaphore(%arg23 : memref<!tpu.dma_semaphore, #tpu.memory_space<semaphore_mem>>) src(%arg17 : memref<32x128xf32, #tpu.memory_space<vmem>>) dst(%dma_wait3A_49 : memref<32x128xf32, #tpu.memory_space<hbm>>)
    %dma_wait3A_50 = arith.constant 0 : i32
    %dma_wait3A_51 = arith.constant 0 : i32
    %dma_wait3A_52 = tpu.memref_slice %arg4[%dma_wait3A_50, %dma_wait3A_51] : memref<16384x128xf32, #tpu.memory_space<hbm>> -> memref<16384x128xf32, #tpu.memory_space<hbm>>
    tpu.wait_indirect_dma semaphore(%arg22 : memref<!tpu.dma_semaphore, #tpu.memory_space<semaphore_mem>>) src(%dma_wait3A_52 : memref<16384x128xf32, #tpu.memory_space<hbm>>) dst(%arg18 : memref<32x128xf32, #tpu.memory_space<vmem>>)
    %add3A_53 = arith.constant 16352 : i32
    %add3A_54 = arith.addi %mul3A_20, %add3A_53 : i32
    "tpu.region"() ({
      %run_scoped3A = tpu.sem_alloc : memref<!tpu.dma_semaphore, #tpu.memory_space<semaphore_mem>>
      %dma_start3A_57 = arith.constant 0 : i32
      %dma_start3A_58 = tpu.memref_slice %arg6[%add3A_54, %dma_start3A_57] : memref<524288x128xf32, #tpu.memory_space<hbm>> -> memref<32x128xf32, #tpu.memory_space<hbm>>
      %dma_start3A_59 = arith.constant 0 : i32
      %dma_start3A_60 = tpu.memref_slice %arg6[%add3A_54, %dma_start3A_59] : memref<524288x128xf32, #tpu.memory_space<hbm>> -> memref<32x128xf32, #tpu.memory_space<hbm>>
      tpu.enqueue_dma source(%arg18 : memref<32x128xf32, #tpu.memory_space<vmem>>) target(%dma_start3A_60 : memref<32x128xf32, #tpu.memory_space<hbm>>) target_semaphore(%run_scoped3A : memref<!tpu.dma_semaphore, #tpu.memory_space<semaphore_mem>>)
      %dma_wait3A_61 = arith.constant 0 : i32
      %dma_wait3A_62 = tpu.memref_slice %arg6[%add3A_54, %dma_wait3A_61] : memref<524288x128xf32, #tpu.memory_space<hbm>> -> memref<32x128xf32, #tpu.memory_space<hbm>>
      %dma_wait3A_63 = arith.constant 0 : i32
      %dma_wait3A_64 = tpu.memref_slice %arg6[%add3A_54, %dma_wait3A_63] : memref<524288x128xf32, #tpu.memory_space<hbm>> -> memref<32x128xf32, #tpu.memory_space<hbm>>
      tpu.wait_dma2 semaphore(%run_scoped3A : memref<!tpu.dma_semaphore, #tpu.memory_space<semaphore_mem>>) src(%arg18 : memref<32x128xf32, #tpu.memory_space<vmem>>) dst(%dma_wait3A_64 : memref<32x128xf32, #tpu.memory_space<hbm>>)
      tpu.yield
    }) : () -> ()
    %mul3A_55 = arith.constant 3 : i32
    %mul3A_56 = arith.muli %mul3A_20, %mul3A_55 : i32
    "tpu.region"() ({
      %run_scoped3A = tpu.sem_alloc : memref<!tpu.dma_semaphore, #tpu.memory_space<semaphore_mem>>
      %dma_start3A_57 = tpu.memref_slice %arg7[%mul3A_56] : memref<1572864xf32, #tpu.memory_space<hbm>> -> memref<49152xf32, #tpu.memory_space<hbm>>
      %dma_start3A_58 = tpu.memref_slice %arg7[%mul3A_56] : memref<1572864xf32, #tpu.memory_space<hbm>> -> memref<49152xf32, #tpu.memory_space<hbm>>
      tpu.enqueue_dma source(%arg14 : memref<49152xf32, #tpu.memory_space<vmem>>) target(%dma_start3A_58 : memref<49152xf32, #tpu.memory_space<hbm>>) target_semaphore(%run_scoped3A : memref<!tpu.dma_semaphore, #tpu.memory_space<semaphore_mem>>)
      %dma_wait3A_59 = tpu.memref_slice %arg7[%mul3A_56] : memref<1572864xf32, #tpu.memory_space<hbm>> -> memref<49152xf32, #tpu.memory_space<hbm>>
      %dma_wait3A_60 = tpu.memref_slice %arg7[%mul3A_56] : memref<1572864xf32, #tpu.memory_space<hbm>> -> memref<49152xf32, #tpu.memory_space<hbm>>
      tpu.wait_dma2 semaphore(%run_scoped3A : memref<!tpu.dma_semaphore, #tpu.memory_space<semaphore_mem>>) src(%arg14 : memref<49152xf32, #tpu.memory_space<vmem>>) dst(%dma_wait3A_60 : memref<49152xf32, #tpu.memory_space<hbm>>)
      tpu.yield
    }) : () -> ()
    return
  }
}

module attributes {stable_mosaic.version = 14 : i64} {
  func.func @_dist_kernel(%arg0: i32, %arg1: i32, %arg2: memref<1x256x3xf32, #tpu.memory_space<vmem>>, %arg3: memref<1x4096x3xf32, #tpu.memory_space<vmem>>, %arg4: memref<256x4096xf32, #tpu.memory_space<vmem>>, %arg5: memref<1x1x256xf32, #tpu.memory_space<vmem>>) attributes {dimension_semantics = [#tpu.dimension_semantics<arbitrary>, #tpu.dimension_semantics<arbitrary>], iteration_bounds = array<i64: 4, 16>, scalar_prefetch = 0 : i64, scratch_operands = 0 : i64, tpu.core_type = #tpu.core_type<tc>, window_params = [{transform_indices = @transform_0, window_bounds = array<i64: 1, 256, 3>}, {transform_indices = @transform_1, window_bounds = array<i64: 1, 4096, 3>}, {transform_indices = @transform_2, window_bounds = array<i64: 256, 4096>}, {transform_indices = @transform_3, window_bounds = array<i64: 1, 1, 256>}]} {
    %get3A = arith.constant 0 : index
    %get3A_0 = arith.constant 0 : index
    %get3A_1 = arith.constant 0 : index
    %get3A_2 = vector.load %arg2[%get3A, %get3A_0, %get3A_1] : memref<1x256x3xf32, #tpu.memory_space<vmem>>, vector<1x256x3xf32>
    %get3A_3 = vector.shape_cast %get3A_2 : vector<1x256x3xf32> to vector<256x3xf32>
    %get3A_4 = arith.constant 0 : index
    %get3A_5 = arith.constant 0 : index
    %get3A_6 = arith.constant 0 : index
    %get3A_7 = vector.load %arg3[%get3A_4, %get3A_5, %get3A_6] : memref<1x4096x3xf32, #tpu.memory_space<vmem>>, vector<1x4096x3xf32>
    %get3A_8 = vector.shape_cast %get3A_7 : vector<1x4096x3xf32> to vector<4096x3xf32>
    %mul3A = arith.mulf %get3A_3, %get3A_3 : vector<256x3xf32>
    %reduce_sum3A = arith.constant dense<0.000000e+00> : vector<256xf32>
    %reduce_sum3A_9 = vector.multi_reduction <add>, %mul3A, %reduce_sum3A [1] : vector<256x3xf32> to vector<256xf32>
    %mul3A_10 = arith.mulf %get3A_8, %get3A_8 : vector<4096x3xf32>
    %reduce_sum3A_11 = arith.constant dense<0.000000e+00> : vector<4096xf32>
    %reduce_sum3A_12 = vector.multi_reduction <add>, %mul3A_10, %reduce_sum3A_11 [1] : vector<4096x3xf32> to vector<4096xf32>
    %dot_general3A = arith.constant dense<0.000000e+00> : vector<256x4096xf32>
    %dot_general3A_13 = tpu.matmul %get3A_3, %get3A_8, %dot_general3A {dimension_numbers = #tpu.dot_dimension_numbers<[1], [1], [0], [0], [0, 0, 1, 0], [], []>, transpose_lhs_hint = false} : vector<256x3xf32>, vector<4096x3xf32>, vector<256x4096xf32> -> vector<256x4096xf32>
    %broadcast_in_dim3A = vector.shape_cast %reduce_sum3A_9 : vector<256xf32> to vector<256x1xf32>
    %broadcast_in_dim3A_14 = vector.shape_cast %reduce_sum3A_12 : vector<4096xf32> to vector<1x4096xf32>
    %add3A = vector.broadcast %broadcast_in_dim3A : vector<256x1xf32> to vector<256x4096xf32>
    %add3A_15 = vector.broadcast %broadcast_in_dim3A_14 : vector<1x4096xf32> to vector<256x4096xf32>
    %add3A_16 = arith.addf %add3A, %add3A_15 : vector<256x4096xf32>
    %mul3A_17 = arith.constant 2.000000e+00 : f32
    %mul3A_18 = vector.broadcast %mul3A_17 : f32 to vector<256x4096xf32>
    %mul3A_19 = arith.mulf %mul3A_18, %dot_general3A_13 : vector<256x4096xf32>
    %sub3A = arith.subf %add3A_16, %mul3A_19 : vector<256x4096xf32>
    %swap3A = arith.constant 0 : index
    %swap3A_20 = arith.constant 0 : index
    %swap3A_21 = vector.load %arg4[%swap3A, %swap3A_20] : memref<256x4096xf32, #tpu.memory_space<vmem>>, vector<256x4096xf32>
    tpu.vector_store %arg4[%swap3A, %swap3A_20], %sub3A {strides = array<i32>} : memref<256x4096xf32, #tpu.memory_space<vmem>>, vector<256x4096xf32>,
    %slice3A = vector.extract_strided_slice %sub3A {offsets = [0, 0], sizes = [256, 128], strides = [1, 1]} : vector<256x4096xf32> to vector<256x128xf32>
    %reduce_min3A = arith.constant dense<0x7F800000> : vector<256xf32>
    %reduce_min3A_22 = vector.multi_reduction <minimumf>, %slice3A, %reduce_min3A [1] : vector<256x128xf32> to vector<256xf32>
    %slice3A_23 = vector.extract_strided_slice %sub3A {offsets = [0, 128], sizes = [256, 128], strides = [1, 1]} : vector<256x4096xf32> to vector<256x128xf32>
    %reduce_min3A_24 = arith.constant dense<0x7F800000> : vector<256xf32>
    %reduce_min3A_25 = vector.multi_reduction <minimumf>, %slice3A_23, %reduce_min3A_24 [1] : vector<256x128xf32> to vector<256xf32>
    %max3A = arith.maximumf %reduce_min3A_22, %reduce_min3A_25 : vector<256xf32>
    %slice3A_26 = vector.extract_strided_slice %sub3A {offsets = [0, 256], sizes = [256, 128], strides = [1, 1]} : vector<256x4096xf32> to vector<256x128xf32>
    %reduce_min3A_27 = arith.constant dense<0x7F800000> : vector<256xf32>
    %reduce_min3A_28 = vector.multi_reduction <minimumf>, %slice3A_26, %reduce_min3A_27 [1] : vector<256x128xf32> to vector<256xf32>
    %max3A_29 = arith.maximumf %max3A, %reduce_min3A_28 : vector<256xf32>
    %slice3A_30 = vector.extract_strided_slice %sub3A {offsets = [0, 384], sizes = [256, 128], strides = [1, 1]} : vector<256x4096xf32> to vector<256x128xf32>
    %reduce_min3A_31 = arith.constant dense<0x7F800000> : vector<256xf32>
    %reduce_min3A_32 = vector.multi_reduction <minimumf>, %slice3A_30, %reduce_min3A_31 [1] : vector<256x128xf32> to vector<256xf32>
    %max3A_33 = arith.maximumf %max3A_29, %reduce_min3A_32 : vector<256xf32>
    %slice3A_34 = vector.extract_strided_slice %sub3A {offsets = [0, 512], sizes = [256, 128], strides = [1, 1]} : vector<256x4096xf32> to vector<256x128xf32>
    %reduce_min3A_35 = arith.constant dense<0x7F800000> : vector<256xf32>
    %reduce_min3A_36 = vector.multi_reduction <minimumf>, %slice3A_34, %reduce_min3A_35 [1] : vector<256x128xf32> to vector<256xf32>
    %max3A_37 = arith.maximumf %max3A_33, %reduce_min3A_36 : vector<256xf32>
    %slice3A_38 = vector.extract_strided_slice %sub3A {offsets = [0, 640], sizes = [256, 128], strides = [1, 1]} : vector<256x4096xf32> to vector<256x128xf32>
    %reduce_min3A_39 = arith.constant dense<0x7F800000> : vector<256xf32>
    %reduce_min3A_40 = vector.multi_reduction <minimumf>, %slice3A_38, %reduce_min3A_39 [1] : vector<256x128xf32> to vector<256xf32>
    %max3A_41 = arith.maximumf %max3A_37, %reduce_min3A_40 : vector<256xf32>
    %slice3A_42 = vector.extract_strided_slice %sub3A {offsets = [0, 768], sizes = [256, 128], strides = [1, 1]} : vector<256x4096xf32> to vector<256x128xf32>
    %reduce_min3A_43 = arith.constant dense<0x7F800000> : vector<256xf32>
    %reduce_min3A_44 = vector.multi_reduction <minimumf>, %slice3A_42, %reduce_min3A_43 [1] : vector<256x128xf32> to vector<256xf32>
    %max3A_45 = arith.maximumf %max3A_41, %reduce_min3A_44 : vector<256xf32>
    %slice3A_46 = vector.extract_strided_slice %sub3A {offsets = [0, 896], sizes = [256, 128], strides = [1, 1]} : vector<256x4096xf32> to vector<256x128xf32>
    %reduce_min3A_47 = arith.constant dense<0x7F800000> : vector<256xf32>
    %reduce_min3A_48 = vector.multi_reduction <minimumf>, %slice3A_46, %reduce_min3A_47 [1] : vector<256x128xf32> to vector<256xf32>
    %max3A_49 = arith.maximumf %max3A_45, %reduce_min3A_48 : vector<256xf32>
    %slice3A_50 = vector.extract_strided_slice %sub3A {offsets = [0, 1024], sizes = [256, 128], strides = [1, 1]} : vector<256x4096xf32> to vector<256x128xf32>
    %reduce_min3A_51 = arith.constant dense<0x7F800000> : vector<256xf32>
    %reduce_min3A_52 = vector.multi_reduction <minimumf>, %slice3A_50, %reduce_min3A_51 [1] : vector<256x128xf32> to vector<256xf32>
    %max3A_53 = arith.maximumf %max3A_49, %reduce_min3A_52 : vector<256xf32>
    %slice3A_54 = vector.extract_strided_slice %sub3A {offsets = [0, 1152], sizes = [256, 128], strides = [1, 1]} : vector<256x4096xf32> to vector<256x128xf32>
    %reduce_min3A_55 = arith.constant dense<0x7F800000> : vector<256xf32>
    %reduce_min3A_56 = vector.multi_reduction <minimumf>, %slice3A_54, %reduce_min3A_55 [1] : vector<256x128xf32> to vector<256xf32>
    %max3A_57 = arith.maximumf %max3A_53, %reduce_min3A_56 : vector<256xf32>
    %slice3A_58 = vector.extract_strided_slice %sub3A {offsets = [0, 1280], sizes = [256, 128], strides = [1, 1]} : vector<256x4096xf32> to vector<256x128xf32>
    %reduce_min3A_59 = arith.constant dense<0x7F800000> : vector<256xf32>
    %reduce_min3A_60 = vector.multi_reduction <minimumf>, %slice3A_58, %reduce_min3A_59 [1] : vector<256x128xf32> to vector<256xf32>
    %max3A_61 = arith.maximumf %max3A_57, %reduce_min3A_60 : vector<256xf32>
    %slice3A_62 = vector.extract_strided_slice %sub3A {offsets = [0, 1408], sizes = [256, 128], strides = [1, 1]} : vector<256x4096xf32> to vector<256x128xf32>
    %reduce_min3A_63 = arith.constant dense<0x7F800000> : vector<256xf32>
    %reduce_min3A_64 = vector.multi_reduction <minimumf>, %slice3A_62, %reduce_min3A_63 [1] : vector<256x128xf32> to vector<256xf32>
    %max3A_65 = arith.maximumf %max3A_61, %reduce_min3A_64 : vector<256xf32>
    %slice3A_66 = vector.extract_strided_slice %sub3A {offsets = [0, 1536], sizes = [256, 128], strides = [1, 1]} : vector<256x4096xf32> to vector<256x128xf32>
    %reduce_min3A_67 = arith.constant dense<0x7F800000> : vector<256xf32>
    %reduce_min3A_68 = vector.multi_reduction <minimumf>, %slice3A_66, %reduce_min3A_67 [1] : vector<256x128xf32> to vector<256xf32>
    %max3A_69 = arith.maximumf %max3A_65, %reduce_min3A_68 : vector<256xf32>
    %slice3A_70 = vector.extract_strided_slice %sub3A {offsets = [0, 1664], sizes = [256, 128], strides = [1, 1]} : vector<256x4096xf32> to vector<256x128xf32>
    %reduce_min3A_71 = arith.constant dense<0x7F800000> : vector<256xf32>
    %reduce_min3A_72 = vector.multi_reduction <minimumf>, %slice3A_70, %reduce_min3A_71 [1] : vector<256x128xf32> to vector<256xf32>
    %max3A_73 = arith.maximumf %max3A_69, %reduce_min3A_72 : vector<256xf32>
    %slice3A_74 = vector.extract_strided_slice %sub3A {offsets = [0, 1792], sizes = [256, 128], strides = [1, 1]} : vector<256x4096xf32> to vector<256x128xf32>
    %reduce_min3A_75 = arith.constant dense<0x7F800000> : vector<256xf32>
    %reduce_min3A_76 = vector.multi_reduction <minimumf>, %slice3A_74, %reduce_min3A_75 [1] : vector<256x128xf32> to vector<256xf32>
    %max3A_77 = arith.maximumf %max3A_73, %reduce_min3A_76 : vector<256xf32>
    %slice3A_78 = vector.extract_strided_slice %sub3A {offsets = [0, 1920], sizes = [256, 128], strides = [1, 1]} : vector<256x4096xf32> to vector<256x128xf32>
    %reduce_min3A_79 = arith.constant dense<0x7F800000> : vector<256xf32>
    %reduce_min3A_80 = vector.multi_reduction <minimumf>, %slice3A_78, %reduce_min3A_79 [1] : vector<256x128xf32> to vector<256xf32>
    %max3A_81 = arith.maximumf %max3A_77, %reduce_min3A_80 : vector<256xf32>
    %slice3A_82 = vector.extract_strided_slice %sub3A {offsets = [0, 2048], sizes = [256, 128], strides = [1, 1]} : vector<256x4096xf32> to vector<256x128xf32>
    %reduce_min3A_83 = arith.constant dense<0x7F800000> : vector<256xf32>
    %reduce_min3A_84 = vector.multi_reduction <minimumf>, %slice3A_82, %reduce_min3A_83 [1] : vector<256x128xf32> to vector<256xf32>
    %max3A_85 = arith.maximumf %max3A_81, %reduce_min3A_84 : vector<256xf32>
    %slice3A_86 = vector.extract_strided_slice %sub3A {offsets = [0, 2176], sizes = [256, 128], strides = [1, 1]} : vector<256x4096xf32> to vector<256x128xf32>
    %reduce_min3A_87 = arith.constant dense<0x7F800000> : vector<256xf32>
    %reduce_min3A_88 = vector.multi_reduction <minimumf>, %slice3A_86, %reduce_min3A_87 [1] : vector<256x128xf32> to vector<256xf32>
    %max3A_89 = arith.maximumf %max3A_85, %reduce_min3A_88 : vector<256xf32>
    %slice3A_90 = vector.extract_strided_slice %sub3A {offsets = [0, 2304], sizes = [256, 128], strides = [1, 1]} : vector<256x4096xf32> to vector<256x128xf32>
    %reduce_min3A_91 = arith.constant dense<0x7F800000> : vector<256xf32>
    %reduce_min3A_92 = vector.multi_reduction <minimumf>, %slice3A_90, %reduce_min3A_91 [1] : vector<256x128xf32> to vector<256xf32>
    %max3A_93 = arith.maximumf %max3A_89, %reduce_min3A_92 : vector<256xf32>
    %slice3A_94 = vector.extract_strided_slice %sub3A {offsets = [0, 2432], sizes = [256, 128], strides = [1, 1]} : vector<256x4096xf32> to vector<256x128xf32>
    %reduce_min3A_95 = arith.constant dense<0x7F800000> : vector<256xf32>
    %reduce_min3A_96 = vector.multi_reduction <minimumf>, %slice3A_94, %reduce_min3A_95 [1] : vector<256x128xf32> to vector<256xf32>
    %max3A_97 = arith.maximumf %max3A_93, %reduce_min3A_96 : vector<256xf32>
    %slice3A_98 = vector.extract_strided_slice %sub3A {offsets = [0, 2560], sizes = [256, 128], strides = [1, 1]} : vector<256x4096xf32> to vector<256x128xf32>
    %reduce_min3A_99 = arith.constant dense<0x7F800000> : vector<256xf32>
    %reduce_min3A_100 = vector.multi_reduction <minimumf>, %slice3A_98, %reduce_min3A_99 [1] : vector<256x128xf32> to vector<256xf32>
    %max3A_101 = arith.maximumf %max3A_97, %reduce_min3A_100 : vector<256xf32>
    %slice3A_102 = vector.extract_strided_slice %sub3A {offsets = [0, 2688], sizes = [256, 128], strides = [1, 1]} : vector<256x4096xf32> to vector<256x128xf32>
    %reduce_min3A_103 = arith.constant dense<0x7F800000> : vector<256xf32>
    %reduce_min3A_104 = vector.multi_reduction <minimumf>, %slice3A_102, %reduce_min3A_103 [1] : vector<256x128xf32> to vector<256xf32>
    %max3A_105 = arith.maximumf %max3A_101, %reduce_min3A_104 : vector<256xf32>
    %slice3A_106 = vector.extract_strided_slice %sub3A {offsets = [0, 2816], sizes = [256, 128], strides = [1, 1]} : vector<256x4096xf32> to vector<256x128xf32>
    %reduce_min3A_107 = arith.constant dense<0x7F800000> : vector<256xf32>
    %reduce_min3A_108 = vector.multi_reduction <minimumf>, %slice3A_106, %reduce_min3A_107 [1] : vector<256x128xf32> to vector<256xf32>
    %max3A_109 = arith.maximumf %max3A_105, %reduce_min3A_108 : vector<256xf32>
    %slice3A_110 = vector.extract_strided_slice %sub3A {offsets = [0, 2944], sizes = [256, 128], strides = [1, 1]} : vector<256x4096xf32> to vector<256x128xf32>
    %reduce_min3A_111 = arith.constant dense<0x7F800000> : vector<256xf32>
    %reduce_min3A_112 = vector.multi_reduction <minimumf>, %slice3A_110, %reduce_min3A_111 [1] : vector<256x128xf32> to vector<256xf32>
    %max3A_113 = arith.maximumf %max3A_109, %reduce_min3A_112 : vector<256xf32>
    %slice3A_114 = vector.extract_strided_slice %sub3A {offsets = [0, 3072], sizes = [256, 128], strides = [1, 1]} : vector<256x4096xf32> to vector<256x128xf32>
    %reduce_min3A_115 = arith.constant dense<0x7F800000> : vector<256xf32>
    %reduce_min3A_116 = vector.multi_reduction <minimumf>, %slice3A_114, %reduce_min3A_115 [1] : vector<256x128xf32> to vector<256xf32>
    %max3A_117 = arith.maximumf %max3A_113, %reduce_min3A_116 : vector<256xf32>
    %slice3A_118 = vector.extract_strided_slice %sub3A {offsets = [0, 3200], sizes = [256, 128], strides = [1, 1]} : vector<256x4096xf32> to vector<256x128xf32>
    %reduce_min3A_119 = arith.constant dense<0x7F800000> : vector<256xf32>
    %reduce_min3A_120 = vector.multi_reduction <minimumf>, %slice3A_118, %reduce_min3A_119 [1] : vector<256x128xf32> to vector<256xf32>
    %max3A_121 = arith.maximumf %max3A_117, %reduce_min3A_120 : vector<256xf32>
    %slice3A_122 = vector.extract_strided_slice %sub3A {offsets = [0, 3328], sizes = [256, 128], strides = [1, 1]} : vector<256x4096xf32> to vector<256x128xf32>
    %reduce_min3A_123 = arith.constant dense<0x7F800000> : vector<256xf32>
    %reduce_min3A_124 = vector.multi_reduction <minimumf>, %slice3A_122, %reduce_min3A_123 [1] : vector<256x128xf32> to vector<256xf32>
    %max3A_125 = arith.maximumf %max3A_121, %reduce_min3A_124 : vector<256xf32>
    %slice3A_126 = vector.extract_strided_slice %sub3A {offsets = [0, 3456], sizes = [256, 128], strides = [1, 1]} : vector<256x4096xf32> to vector<256x128xf32>
    %reduce_min3A_127 = arith.constant dense<0x7F800000> : vector<256xf32>
    %reduce_min3A_128 = vector.multi_reduction <minimumf>, %slice3A_126, %reduce_min3A_127 [1] : vector<256x128xf32> to vector<256xf32>
    %max3A_129 = arith.maximumf %max3A_125, %reduce_min3A_128 : vector<256xf32>
    %slice3A_130 = vector.extract_strided_slice %sub3A {offsets = [0, 3584], sizes = [256, 128], strides = [1, 1]} : vector<256x4096xf32> to vector<256x128xf32>
    %reduce_min3A_131 = arith.constant dense<0x7F800000> : vector<256xf32>
    %reduce_min3A_132 = vector.multi_reduction <minimumf>, %slice3A_130, %reduce_min3A_131 [1] : vector<256x128xf32> to vector<256xf32>
    %max3A_133 = arith.maximumf %max3A_129, %reduce_min3A_132 : vector<256xf32>
    %slice3A_134 = vector.extract_strided_slice %sub3A {offsets = [0, 3712], sizes = [256, 128], strides = [1, 1]} : vector<256x4096xf32> to vector<256x128xf32>
    %reduce_min3A_135 = arith.constant dense<0x7F800000> : vector<256xf32>
    %reduce_min3A_136 = vector.multi_reduction <minimumf>, %slice3A_134, %reduce_min3A_135 [1] : vector<256x128xf32> to vector<256xf32>
    %max3A_137 = arith.maximumf %max3A_133, %reduce_min3A_136 : vector<256xf32>
    %slice3A_138 = vector.extract_strided_slice %sub3A {offsets = [0, 3840], sizes = [256, 128], strides = [1, 1]} : vector<256x4096xf32> to vector<256x128xf32>
    %reduce_min3A_139 = arith.constant dense<0x7F800000> : vector<256xf32>
    %reduce_min3A_140 = vector.multi_reduction <minimumf>, %slice3A_138, %reduce_min3A_139 [1] : vector<256x128xf32> to vector<256xf32>
    %max3A_141 = arith.maximumf %max3A_137, %reduce_min3A_140 : vector<256xf32>
    %slice3A_142 = vector.extract_strided_slice %sub3A {offsets = [0, 3968], sizes = [256, 128], strides = [1, 1]} : vector<256x4096xf32> to vector<256x128xf32>
    %reduce_min3A_143 = arith.constant dense<0x7F800000> : vector<256xf32>
    %reduce_min3A_144 = vector.multi_reduction <minimumf>, %slice3A_142, %reduce_min3A_143 [1] : vector<256x128xf32> to vector<256xf32>
    %max3A_145 = arith.maximumf %max3A_141, %reduce_min3A_144 : vector<256xf32>
    %swap3A_146 = arith.constant 0 : index
    %swap3A_147 = arith.constant 0 : index
    %swap3A_148 = arith.constant 0 : index
    %swap3A_149 = vector.load %arg5[%swap3A_146, %swap3A_147, %swap3A_148] : memref<1x1x256xf32, #tpu.memory_space<vmem>>, vector<1x1x256xf32>
    %swap3A_150 = vector.shape_cast %swap3A_149 : vector<1x1x256xf32> to vector<256xf32>
    %swap3A_151 = vector.shape_cast %max3A_145 : vector<256xf32> to vector<1x1x256xf32>
    tpu.vector_store %arg5[%swap3A_146, %swap3A_147, %swap3A_148], %swap3A_151 {strides = array<i32>} : memref<1x1x256xf32, #tpu.memory_space<vmem>>, vector<1x1x256xf32>,
    return
  }
  func.func @transform_0(%arg0: i32, %arg1: i32) -> (i32, i32, i32) {
    %c0_i32 = arith.constant 0 : i32
    %c0_i32_0 = arith.constant 0 : i32
    return %arg0, %arg1, %c0_i32 : i32, i32, i32
  }
  func.func @transform_1(%arg0: i32, %arg1: i32) -> (i32, i32, i32) {
    %c0_i32 = arith.constant 0 : i32
    %c0_i32_0 = arith.constant 0 : i32
    %c0_i32_1 = arith.constant 0 : i32
    return %arg0, %c0_i32, %c0_i32_0 : i32, i32, i32
  }
  func.func @transform_2(%arg0: i32, %arg1: i32) -> (i32, i32) {
    %mul3A = arith.constant 16 : i32
    %mul3A_0 = arith.muli %arg0, %mul3A : i32
    %add3A = arith.addi %mul3A_0, %arg1 : i32
    %c0_i32 = arith.constant 0 : i32
    %c0_i32_1 = arith.constant 0 : i32
    return %add3A, %c0_i32 : i32, i32
  }
  func.func @transform_3(%arg0: i32, %arg1: i32) -> (i32, i32, i32) {
    %mul3A = arith.constant 16 : i32
    %mul3A_0 = arith.muli %arg0, %mul3A : i32
    %add3A = arith.addi %mul3A_0, %arg1 : i32
    %c0_i32 = arith.constant 0 : i32
    %c0_i32_1 = arith.constant 0 : i32
    %c0_i32_2 = arith.constant 0 : i32
    return %add3A, %c0_i32, %c0_i32_1 : i32, i32, i32
  }
}

</mosaic_0001>

<sc_bundles>
// kernel: kernel.4.cloned.1.call-start
scs
__scs_entry_jumppad:
0x0: {  	(pc) =	sbr.rel $0x88, $3  }
0x1: {  	(tag) =	ssettag $0x0;
	lr =	simm.s32 $0x1  }
0x2: {  	[smem:$0x3F9F] =	sst lr;
	_ =	strace $0xD0000000  }
0x3: {  	_ = 	snop  }
0x4: {  	_ = 	snop  }
0x5: {  	_ = 	snop  }
0x6: {  	_ = 	snop  }
0x7: {  	_ = 	snop  }
__scs_overlays_trampoline_lowered:
0x8: {  	[smem:$0x3FAE] =	sst s0  }
0x9: {  	[smem:$0x3FAF] =	sst s1  }
0xa: {  	[smem:$0x3FB0] =	sst s2  }
0xb: {  	[smem:$0x3FB1] =	sst s3  }
0xc: {  	[smem:$0x3FB2] =	sst s4  }
0xd: {  	[smem:$0x3FB3] =	sst s5  }
0xe: {  	[smem:$0x3FB4] =	sst s6  }
0xf: {  	[smem:$0x3FB5] =	sst s7  }
0x10: {  	[smem:$0x3FB6] =	sst s8  }
0x11: {  	[smem:$0x3FB7] =	sst s9;
	s0 =	simm.s32 @!p0 $0x0  }
0x12: {  	s1 =	sld [smem:$0x3F9D];
	s0 =	simm.s32 @p0 $0x1  }
0x13: {  	[smem:$0x3FB8] =	sst s0;
	s0 =	simm.s32 @!p1 $0x0  }
0x14: {  	s2 =	sld [smem:$0x3F9C];
	s0 =	simm.s32 @p1 $0x1  }
0x15: {  	[smem:$0x3FB9] =	sst s0;
	s0 =	simm.s32 @!p2 $0x0  }
0x16: {  	s3 =	sld [smem:$0x3FDB];
	s0 =	simm.s32 @p2 $0x1  }
0x17: {  	s4 =	simm.s32 $0x1BF5;
	[smem:$0x3FBB] =	sst s0  }
0x18: {  	s0 =	sld [smem:$0x3F9E];
	_ =	swait.ge [sflag:s4], $0x0  }
0x19: {  	s7 =	sld [smem:$0x3F9F]  }
0x1a: {  	s8 =	sadd.s32 $0xFFFFE003, lr  }
0x1b: {  	s9 =	sadd.s32 $0xFFFFFEF7, lr;
	s5 =	simm.s32 $0xFFFFFFFF;
	p2 =	slt.u32 s8, $0xFFFFF086  }
0x1c: {  	p1 =	slt.u32 s9, $0xF7A;
	s5 =	simm.s32 @!p2 $0x0  }
0x1d: {  	s5 =	simm.s32 @p1 $0x1;
	p0 =	seq.s32 s7, s2  }
0x1e: {  	s7 =	smul.u32 @!p0 $0xF7A, s2;
	p2 =	seq.s32 @!p0 s5, $0x0  }
0x1f: {  	s9 =	smul.u32 $0xF7A, s1;
	s8 =	simm.s32 @!p0 $0x1BF5;
	p2 =	por !p2, p0  }
0x20: {  	[sflag:s8] =	ssyncset.s32 @!p0 $0xFFFFF086;
	s6 =	sadd.s32 @!p0 s3, s7;
	s7 =	simm.s32 @!p0 $0x108  }
0x21: {  	s3 =	sadd.s32 s3, s9;
	s6 =	sadd.s32 @!p0 $0x88, s6;
	s7 =	simm.s32 @p2 $0x1082  }
0x22: {  	[simem:s7], [sflag:s8] =	dma.local @!p0 [hbm:s6], $0xF7A  }
0x23: {  	s9 =	sor.u32 $0xD0000000, s2;
	s6 =	simm.s32 $0x108;
	_ =	swait.ge @!p0 [sflag:s8], $0x0  }
0x24: {  	s3 =	sadd.s32 $0x88, s3;
	s6 =	simm.s32 @!p1 $0x1082;
	[sflag:s4] =	ssyncset.s32 $0xFFFFF086  }
0x25: {  	[simem:s6], [sflag:s4] =	dma.local [hbm:s3], $0xF7A  }
0x26: {  	[smem:$0x3F9F] =	sst s1;
	(tag) =	ssettag s2;
	_ =	strace s9  }
0x27: {  	s1 =	sld [smem:$0x3FAF]  }
0x28: {  	s2 =	sld [smem:$0x3FB0]  }
0x29: {  	s4 =	sld [smem:$0x3FB2]  }
0x2a: {  	p0 =	seq.s32 s5, $0x0;
	s5 =	sld [smem:$0x3FB3]  }
0x2b: {  	s6 =	sld [smem:$0x3FB4]  }
0x2c: {  	s7 =	sld [smem:$0x3FB5]  }
0x2d: {  	s3 =	simm.s32 $0x108;
	s8 =	sld [smem:$0x3FB6]  }
0x2e: {  	s3 =	simm.s32 @!p0 $0x1082;
	s9 =	sld [smem:$0x3FB7]  }
0x2f: {  	lr =	sadd.s32 s0, s3;
	s0 =	sld [smem:$0x3FAE]  }
0x30: {  	s3 =	sld [smem:$0x3FB1]  }
0x31: {  	[smem:$0x3FBA] =	sst s10  }
0x32: {  	s10 =	sld [smem:$0x3FB8];
	_ =	sdelay $0x3  }
0x33: {  	p0 =	seq.s32 s10, $0x1;
	s10 =	sld [smem:$0x3FBA];
	_ =	sdelay $0x3  }
0x34: {  	[smem:$0x3FBA] =	sst s10  }
0x35: {  	s10 =	sld [smem:$0x3FB9];
	_ =	sdelay $0x3  }
0x36: {  	p1 =	seq.s32 s10, $0x1;
	s10 =	sld [smem:$0x3FBA];
	_ =	sdelay $0x3  }
0x37: {  	[smem:$0x3FBA] =	sst s10  }
0x38: {  	s10 =	sld [smem:$0x3FBB]  }
0x39: {  	_ = 	snop;
	(pc) =	sbr.ind lr, $3  }
0x3a: {  	_ = 	snop  }
0x3b: {  	_ = 	snop  }
0x3c: {  	p2 =	seq.s32 s10, $0x1;
	s10 =	sld [smem:$0x3FBA]  }
0x3d: {  	_ =	shalt  }
0x3e: {  	_ =	shalt  }
0x3f: {  	_ =	shalt  }
0x40: {  	_ =	shalt  }
0x41: {  	_ =	shalt  }
0x42: {  	_ =	shalt  }
0x43: {  	_ =	shalt  }
0x44: {  	_ =	shalt  }
0x45: {  	_ =	shalt  }
0x46: {  	_ =	shalt  }
0x47: {  	_ =	shalt  }
0x48: {  	_ =	shalt  }
0x49: {  	_ =	shalt  }
0x4a: {  	_ =	shalt  }
0x4b: {  	_ =	shalt  }
0x4c: {  	_ =	shalt  }
0x4d: {  	_ =	shalt  }
0x4e: {  	_ =	shalt  }
0x4f: {  	_ =	shalt  }
0x50: {  	_ =	shalt  }
0x51: {  	_ =	shalt  }
0x52: {  	_ =	shalt  }
0x53: {  	_ =	shalt  }
0x54: {  	_ =	shalt  }
0x55: {  	_ =	shalt  }
0x56: {  	_ =	shalt  }
0x57: {  	_ =	shalt  }
0x58: {  	_ =	shalt  }
0x59: {  	_ =	shalt  }
0x5a: {  	_ =	shalt  }
0x5b: {  	_ =	shalt  }
0x5c: {  	_ =	shalt  }
0x5d: {  	_ =	shalt  }
0x5e: {  	_ =	shalt  }
0x5f: {  	_ =	shalt  }
0x60: {  	_ =	shalt  }
0x61: {  	_ =	shalt  }
0x62: {  	_ =	shalt  }
0x63: {  	_ =	shalt  }
0x64: {  	_ =	shalt  }
0x65: {  	_ =	shalt  }
0x66: {  	_ =	shalt  }
0x67: {  	_ =	shalt  }
0x68: {  	_ =	shalt  }
0x69: {  	_ =	shalt  }
0x6a: {  	_ =	shalt  }
0x6b: {  	_ =	shalt  }
0x6c: {  	_ =	shalt  }
0x6d: {  	_ =	shalt  }
0x6e: {  	_ =	shalt  }
0x6f: {  	_ =	shalt  }
0x70: {  	_ =	shalt  }
0x71: {  	_ =	shalt  }
0x72: {  	_ =	shalt  }
0x73: {  	_ =	shalt  }
0x74: {  	_ =	shalt  }
0x75: {  	_ =	shalt  }
0x76: {  	_ =	shalt  }
0x77: {  	_ =	shalt  }
0x78: {  	_ =	shalt  }
0x79: {  	_ =	shalt  }
0x7a: {  	_ =	shalt  }
0x7b: {  	_ =	shalt  }
0x7c: {  	_ =	shalt  }
0x7d: {  	_ =	shalt  }
0x7e: {  	_ =	shalt  }
0x7f: {  	_ =	shalt  }
0x80: {  	_ =	shalt  }
0x81: {  	_ =	shalt  }
0x82: {  	_ =	shalt  }
0x83: {  	_ =	shalt  }
0x84: {  	_ =	shalt  }
0x85: {  	_ =	shalt  }
0x86: {  	_ =	shalt  }
0x87: {  	_ =	shalt  }
.Lfunc_end0:
.L_simem_size_0:
called_computation_lowered:
.L_overlay_start_0:
0x88: {  	s2 =	sld [smem:$0x3FD9]  }
0x89: {  	s3 =	sld [smem:$0x3FFE];
	_ =	sdelay $0x1  }
0x8a: {  	s1 =	srdreg.scid  }
0x8b: {  	s0 =	sand.u32 $0x1, s1  }
0x8c: {  	s14 =	sshll.u32 s0, $0xA;
	s2 =	sadd.s32 s3, s2  }
0x8d: {  	s2 =	sadd.s32 s2, s14  }
0x8e: {  	[smem:$0x3FC6] =	sst s2  }
0x8f: {  	_ = 	snop  }
0x90: {  	s2 =	sld [smem:$0x3FD0];
	_ =	sdelay $0x2  }
0x91: {  	s4 =	simm.s32 $0xA;
	s5 =	simm.s32 $0x10;
	s15 =	sld [smem:$0x3FC8]  }
0x92: {  	[smem:s5], [sflag:s4] =	dma.local [hbm:s2], $0x1  }
0x93: {  	_ =	swait.eq [sflag:s4], $0x1  }
0x94: {  	[sflag:s4] =	ssyncset.done $0x0  }
0x95: {  	s16 =	sld [smem:$0x10];
	[sflag:s4] =	ssyncadd.s32 $0xFFFFFFFF  }
0x96: {  	s17 =	sld [smem:$0x11];
	(tm) =	ssettm $0x1  }
0x97: {  	s18 =	sld [smem:$0x3FFB];
	_ =	sdelay $0x3  }
0x98: {  	_ =	strace s18  }
0x99: {  	s5 =	sld [smem:$0x3FFC];
	_ =	sdelay $0x3  }
0x9a: {  	_ =	strace s5  }
0x9b: {  	s5 =	sld [smem:$0x3FFD];
	_ =	sdelay $0x3  }
0x9c: {  	_ =	strace s5  }
0x9d: {  	_ =	strace $0x8FFFFFFF  }
0x9e: {  	s19 =	sld [smem:$0x3FDB];
	_ =	sdelay $0x1  }
0x9f: {  	s6 =	simm.s32 $_scs_section_size  }
0xa0: {  	s7 =	simm.s32 $_size__tile_overlayer_lowered;
	s8 =	simm.s32 $_tile_overlayer_lowered  }
0xa1: {  	s22 =	simm.s32 $0x1BFF;
	s21 =	sshll.u32 s8, $0x1;
	s5 =	sadd.s32 s6, s19  }
0xa2: {  	s9 =	simm.s32 $0x0;
	s20 =	sshll.u32 s7, $0x1;
	s7 =	sadd.s32 s21, s5  }
0xa3: {  	[timem:s9], [sflag:s22] =	dma.local [hbm:s7], s20  }
0xa4: {  	_ =	swait.ge [sflag:s22], s20  }
0xa5: {  	s6 =	ssub.s32 $0x0, s20;
	[sflag:s22] =	ssyncset.done $0x0  }
0xa6: {  	[sflag:s22] =	ssyncadd.s32 s6;
	_ =	sdelay $0x1  }
0xa7: {  	s23 =	simm.s32 $0x1B8B  }
0xa8: {  	_ =	swait.ge [sflag:s23], $0x1  }
0xa9: {  	[sflag:s23] =	ssyncset.done $0x0  }
0xaa: {  	s25 =	simm.s32 $0x1B8E;
	s24 =	sld [smem:$0x3FFE];
	[sflag:s23] =	ssyncadd.s32 $0xFFFFFFFF  }
0xab: {  	s26 =	simm.s32 $execute0_lowered;
	[smem:$0x3FD2] =	sst s25  }
0xac: {  	s7 =	sshll.u32 s26, $0x1;
	_ =	strace $0x80000046;
	[dreg:$0x1] =	wrdreg $0xFFFFFFFF  }
0xad: {  	s28 =	simm.s32 $_size_execute0_lowered;
	s5 =	sadd.s32 s5, s7;
	[dreg:$0x0] =	wrdreg $0x0  }
0xae: {  	s7 =	sshll.u32 s28, $0x1;
	[dreg:$0x2] =	wrdreg s5  }
0xaf: {  	[dreg:$0x3] =	wrdreg s7  }
0xb0: {  	[dreg:$0x4] =	wrdreg $0xC0  }
0xb1: {  	_ =	task [dreg:s9], $0x5FFFF  }
0xb2: {  	[dreg:$0x1] =	wrdreg $0xFFFFFFFF  }
0xb3: {  	[dreg:$0x0] =	wrdreg $0x60  }
0xb4: {  	[dreg:$0x2] =	wrdreg s24  }
0xb5: {  	[dreg:$0x3] =	wrdreg s15  }
0xb6: {  	[dreg:$0x4] =	wrdreg s17  }
0xb7: {  	[dreg:$0x5] =	wrdreg s16  }
0xb8: {  	[dreg:$0x6] =	wrdreg $0x9  }
0xb9: {  	_ =	task.clear_ibuf [dreg:s9], $0x7FFFF;
	_ =	strace $0x90000046  }
0xba: {  	s29 =	simm.s32 $0x9;
	_ =	strace $0x80000048  }
0xbb: {  	_ =	swait.ge [sflag:s29], $0x1  }
0xbc: {  	[sflag:s29] =	ssyncadd.s32 $0xFFFFFFFF  }
0xbd: {  	_ =	strace $0x90000048  }
0xbe: {  	_ =	sfence  }
0xbf: {  	s30 =	sld [smem:$0x0];
	_ =	sdelay $0x2  }
0xc0: {  	s31 =	sshll.u32 s1, $0xD;
	s1 =	sshrl.u32 s1, $0x2  }
0xc1: {  	s3 =	sand.u32 $0x4000, s31;
	s1 =	sadd.s32 s1, s30  }
0xc2: {  	s0 =	sor.u32 s3, s0;
	s1 =	sshll.u32 s1, $0x11  }
0xc3: {  	s0 =	sor.u32 s1, s0  }
0xc4: {  	s0 =	sadd.s32 $0x8F2B, s0  }
0xc5: {  	[sflag:s0] =	ssyncadd.remote.s32 $0x1  }
0xc6: {  	_ =	sfence.sel $0xFFFF  }
0xc7: {  	[dreg:$0x0] =	wrdreg $0xFFFFFFFF;
	(pc) =	sbr.abs _section_cstart, $3  }
0xc8: {  	[dreg:$0x1] =	wrdreg $0xFFFFFFFF  }
0xc9: {  	_ =	task.clear_ibuf [dreg:s9], $0x2FFFF;
	_ =	strace $0x9FFFFFFF  }
0xca: {  	(tm) =	ssettm $0x7FFFFFFF  }
0xcb: {  	_ =	shalt  }
tec
execute0_lowered:
.L_overlay_start_1:
0x0: {  	(tag) =	ssettag $0x1  }
0x1: {  	s0 =	rddreg [dreg:$0x0]  }
0x2: {  	s1 =	rddreg [dreg:$0x1]  }
0x3: {  	s2 =	rddreg [dreg:$0x2]  }
0x4: {  	s6 =	rddreg [dreg:$0x3];
	s3 =	simm.s32 $0x0;
	s5 =	srdreg.scid  }
0x5: {  	s8 =	stileid.u32;
	s18 =	simm.s32 $0x80;
	s20 =	simm.s32 $0x4380  }
0x6: {  	s21 =	simm.s32 $0x400;
	s22 =	simm.s32 $0x1000;
	s28 =	simm.s32 $0x13480  }
0x7: {  	s29 =	simm.s32 $0x2;
	s30 =	simm.s32 $0x13400;
	s31 =	simm.s32 $0x14480  }
0x8: {  	s16 =	simm.s32 $0x4;
	s19 =	simm.s32 $0x0;
	[smem:$0x7FF] =	sst s3  }
0x9: {  	s4 =	sadd.s32 $0x2400, s0;
	s5 =	sand.u32 $0x1, s5;
	s7 =	sshll.u32 s8, $0x1  }
0xa: {  	s8 =	sshrl.u32 s8, $0x2;
	_ =	strace $0x80000047;
	s7 =	sor.u32 s5, s7  }
0xb: {  	s5 =	ssub.s32 $0x2, s5;
	s10 =	sshll.u32 s8, $0x4;
	s8 =	sshll.u32 s8, $0xC  }
0xc: {  	s9 =	sshll.u32 s7, $0x6;
	s11 =	sshrl.u32 s5, $0x1;
	s23 =	sshll.u32 s7, $0x12  }
0xd: {  	s25 =	smul.u32 $0x1800, s7;
	s9 =	sadd.s32 s9, s0;
	s0 =	sadd.s32 s10, s0  }
0xe: {  	s13 =	ssub.s32 s5, s11;
	s5 =	sshll.u32 s7, $0x9;
	s24 =	sadd.s32 s4, s23  }
0xf: {  	s10 =	sadd.s32 s2, s23;
	s9 =	sadd.s32 $0x802400, s9;
	[dreg:$0x7] =	wrdreg s24  }
0x10: {  	s23 =	simm.s32 $0x1;
	s0 =	sadd.s32 $0xC00, s0;
	[dreg:$0x5] =	wrdreg s9  }
0x11: {  	s11 =	ssub.s32 s5, s8;
	s2 =	sadd.s32 $0x3FE00, s10;
	[dreg:$0x6] =	wrdreg s0  }
.Ltmp0:
0x12: {  	s26 =	smax.u32 s13, $0x1;
	[dreg:$0x9] =	wrdreg s2;
	(pc) =	sbr.rel .LBB2_1-.Ltmp0, $4  }
0x13: {  	v0 =	vlaneseq.u32;
	s12 =	sadd.s32 $0xFFFFFE00, s10;
	s0 =	sadd.s32 $0x10, s24;
	[dreg:$0xb] =	wrdreg s26  }
0x14: {  	v3 =	vmul.u32 $0xFFFFFFFF, v0;
	v1 =	vmul.u32 $0x3, v0;
	s9 =	simm.s32 $0x7;
	s24 =	simm.s32 $0x7380;
	s26 =	simm.s32 $0x13380  }
0x15: {  	v2 =	vmov s8;
	s2 =	simm.s32 $0x5;
	[dreg:$0x8] =	wrdreg s0;
	s0 =	sadd.s32 s6, s25  }
0x16: {  	v3 =	vadd.s32 $0xF, v3;
	v4 =	vadd.s32 $0x1, v1;
	v5 =	vadd.s32 $0x2, v1;
	s25 =	simm.s32 $0x20;
	[dreg:$0xa] =	wrdreg s0;
	s0 =	simm.s32 $0x3  }
.LBB2_42:
0x17: {  	_ =	swait.ge [sflag:s2], $0x1000  }
0x18: {  	[sflag:s2] =	ssyncset.done $0x0  }
0x19: {  	[sflag:s2] =	ssyncadd.s32 $0xFFFFF000  }
0x1a: {  	_ =	swait.ge [sflag:s16], $0x1000  }
0x1b: {  	[sflag:s16] =	ssyncset.done $0x0  }
0x1c: {  	s9 =	simm.s32 $0x7;
	s6 =	rddreg [dreg:$0x9];
	[sflag:s16] =	ssyncadd.s32 $0xFFFFF000  }
0x1d: {  	[hbm4b:s6+s3] =	stream.linear.scatter [tilespmem:s31], [sflag:$0x7], $0x1000, $0x38;
	[tilespmem:$0x15480] =	vst v63  }
0x1e: {  	_ =	swait.ge [sflag:s9], $0x1000  }
0x1f: {  	[sflag:s9] =	ssyncset.done $0x0  }
0x20: {  	s15 =	rddreg [dreg:$0xa];
	[sflag:s9] =	ssyncadd.s32 $0xFFFFF000  }
0x21: {  	[hbm4b:s15+s3] =	stream.linear.scatter [tilespmem:s24], [sflag:$0x7], $0xC000, $0x38;
	[tilespmem:$0x15480] =	vst v63  }
0x22: {  	_ =	swait.ge [sflag:s9], $0xC000  }
0x23: {  	s19 =	sadd.s32 $0x1, s19;
	s17 =	rddreg [dreg:$0xb]  }
0x24: {  	p0 =	sne.s32 s19, s17  }
.Ltmp1:
0x25: {  	_ = 	snop;
	(pc) =	sbr.rel @!p0 .LBB2_43-.Ltmp1, $3  }
0x26: {  	_ =	sdelay $0x1  }
0x27: {  	[sflag:s9] =	ssyncset.done $0x0  }
0x28: {  	[sflag:s9] =	ssyncadd.s32 $0xFFFF4000  }
.LBB2_1:
0x29: {  	s6 =	rddreg [dreg:$0x5];
	s7 =	simm.s32 $0x4100  }
0x2a: {  	[tilespmem:s7], [sflag:$0x7] =	stream.linear.gather [hbm4b:s6+s3], $0x200, $0x38;
	[tilespmem:$0x15480] =	vst v63  }
0x2b: {  	_ =	swait.ge [sflag:s9], $0x200  }
0x2c: {  	[sflag:s9] =	ssyncset.done $0x0  }
0x2d: {  	s14 =	simm.s32 $0x200;
	s13 =	rddreg [dreg:$0x6];
	[sflag:s9] =	ssyncadd.s32 $0xFFFFFE00  }
0x2e: {  	[tilespmem:s20], [sflag:$0x7] =	stream.strided.gather [hbm4b:s13+s18], $0x3000, s14, s18, $0x38;
	[tilespmem:$0x15480] =	vst v63  }
0x2f: {  	_ =	swait.ge [sflag:s9], $0x3000  }
0x30: {  	[sflag:s9] =	ssyncset.done $0x0  }
0x31: {  	s15 =	rddreg [dreg:$0x7];
	[sflag:s9] =	ssyncadd.s32 $0xFFFFD000  }
0x32: {  	[tilespmem:s3], [sflag:$0x1] =	stream.strided.gather [hbm4b:s15+s18], $0x1000, s21, s18, $0x38;
	[tilespmem:$0x15480] =	vst v63  }
0x33: {  	s6 =	simm.s32 $0x0;
	s17 =	rddreg [dreg:$0x8]  }
0x34: {  	[tilespmem:s22], [sflag:$0x2] =	stream.strided.gather [hbm4b:s17+s18], $0x1000, s21, s18, $0x38;
	[tilespmem:$0x15480] =	vst v63  }
.LBB2_2:
0x35: {  	_ =	swait.ge [sflag:s23], $0x1000  }
0x36: {  	[sflag:s23] =	ssyncset.done $0x0  }
0x37: {  	s7 =	sshll.u32 s6, $0x1;
	[sflag:s23] =	ssyncadd.s32 $0xFFFFF000  }
0x38: {  	v6 =	vld [tilespmem:s7+$0x4100];
	_ =	sdelay $0x2  }
0x39: {  	s9 =	simm.s32 $0x800  }
0x3a: {  	v8 =	vld [tilespmem:s9+$0xFFFFF800]  }
0x3b: {  	v9 =	vld [tilespmem:s9+$0x0];
	v6 =	vadd.f32 $0.0e+00, v6;
	_ =	sdelay $0x1  }
0x3c: {  	v6 =	vbroadcast v6, $0x0;
	_ =	sdelay $0x1  }
0x3d: {  	s8 =	simm.s32 $0x0;
	v7 =	vlaneseq.u32;
	vm0 =	vle.f32 v8, v6  }
0x3e: {  	vm1 =	vle.f32 v9, v6;
	v8 =	vadd.s32 $0x800, v7;
	[tilespmem:s8+$0x2000] =	vst.msk vm0, v7;
	v9 =	vmpcnt.ones.xlane vm0  }
0x3f: {  	[tilespmem:s8+$0x3080] =	vst.msk vm1, v8;
	v8 =	vmpcnt.ones.xlane vm1  }
0x40: {  	v10 =	vld [tilespmem:s9+$0xFFFFF810];
	(v2sf) =	vpush v9, $0x0  }
0x41: {  	v9 =	vld [tilespmem:s9+$0x10];
	(v2sf) =	vpush v8, $0x0;
	_ =	sdelay $0x3  }
0x42: {  	vm14 =	vle.f32 v10, v6  }
0x43: {  	vm15 =	vle.f32 v9, v6;
	v8 =	vmpcnt.ones.xlane vm14  }
0x44: {  	v9 =	vmpcnt.ones.xlane vm15  }
0x45: {  	(v2sf) =	vpush v8, $0x0  }
0x46: {  	(v2sf) =	vpush v9, $0x0;
	_ =	sdelay $0x5  }
0x47: {  	s15 =	spop (v2sf)  }
0x48: {  	v8 =	vadd.s32 $0x10, v7;
	s8 =	sadd.s32 $0x0, s15;
	s13 =	spop (v2sf)  }
0x49: {  	s13 =	sadd.s32 $0x0, s13;
	[tilespmem:s8+$0x2000] =	vst.msk vm14, v8;
	v8 =	vadd.s32 $0x810, v7  }
0x4a: {  	[tilespmem:s13+$0x3080] =	vst.msk vm15, v8  }
0x4b: {  	v8 =	vld [tilespmem:s9+$0xFFFFF820]  }
0x4c: {  	v9 =	vld [tilespmem:s9+$0x20];
	_ =	sdelay $0x2  }
0x4d: {  	s14 =	spop (v2sf)  }
0x4e: {  	v10 =	vadd.s32 $0x20, v7;
	s8 =	sadd.s32 s8, s14;
	vm4 =	vle.f32 v8, v6;
	s17 =	spop (v2sf)  }
0x4f: {  	vm5 =	vle.f32 v9, v6;
	v8 =	vadd.s32 $0x820, v7;
	s13 =	sadd.s32 s13, s17;
	[tilespmem:s8+$0x2000] =	vst.msk vm4, v10;
	v9 =	vmpcnt.ones.xlane vm4  }
0x50: {  	[tilespmem:s13+$0x3080] =	vst.msk vm5, v8;
	v8 =	vmpcnt.ones.xlane vm5  }
0x51: {  	v10 =	vld [tilespmem:s9+$0xFFFFF830];
	(v2sf) =	vpush v9, $0x0  }
0x52: {  	v9 =	vld [tilespmem:s9+$0x30];
	(v2sf) =	vpush v8, $0x0;
	_ =	sdelay $0x3  }
0x53: {  	vm6 =	vle.f32 v10, v6  }
0x54: {  	vm7 =	vle.f32 v9, v6;
	v8 =	vmpcnt.ones.xlane vm6  }
0x55: {  	v9 =	vmpcnt.ones.xlane vm7  }
0x56: {  	(v2sf) =	vpush v8, $0x0  }
0x57: {  	(v2sf) =	vpush v9, $0x0;
	_ =	sdelay $0x5  }
0x58: {  	s15 =	spop (v2sf)  }
0x59: {  	v8 =	vadd.s32 $0x30, v7;
	s8 =	sadd.s32 s8, s15;
	s17 =	spop (v2sf)  }
0x5a: {  	s13 =	sadd.s32 s13, s17;
	[tilespmem:s8+$0x2000] =	vst.msk vm6, v8;
	v8 =	vadd.s32 $0x830, v7  }
0x5b: {  	[tilespmem:s13+$0x3080] =	vst.msk vm7, v8  }
0x5c: {  	v8 =	vld [tilespmem:s9+$0xFFFFF840]  }
0x5d: {  	v9 =	vld [tilespmem:s9+$0x40];
	_ =	sdelay $0x2  }
0x5e: {  	s15 =	spop (v2sf)  }
0x5f: {  	v10 =	vadd.s32 $0x40, v7;
	s8 =	sadd.s32 s8, s15;
	vm8 =	vle.f32 v8, v6;
	s17 =	spop (v2sf)  }
0x60: {  	vm9 =	vle.f32 v9, v6;
	v8 =	vadd.s32 $0x840, v7;
	s13 =	sadd.s32 s13, s17;
	[tilespmem:s8+$0x2000] =	vst.msk vm8, v10;
	v9 =	vmpcnt.ones.xlane vm8  }
0x61: {  	[tilespmem:s13+$0x3080] =	vst.msk vm9, v8;
	v8 =	vmpcnt.ones.xlane vm9  }
0x62: {  	v10 =	vld [tilespmem:s9+$0xFFFFF850];
	(v2sf) =	vpush v9, $0x0  }
0x63: {  	v9 =	vld [tilespmem:s9+$0x50];
	(v2sf) =	vpush v8, $0x0;
	_ =	sdelay $0x3  }
0x64: {  	vm10 =	vle.f32 v10, v6  }
0x65: {  	vm11 =	vle.f32 v9, v6;
	v8 =	vmpcnt.ones.xlane vm10  }
0x66: {  	v9 =	vmpcnt.ones.xlane vm11  }
0x67: {  	(v2sf) =	vpush v8, $0x0  }
0x68: {  	(v2sf) =	vpush v9, $0x0;
	_ =	sdelay $0x5  }
0x69: {  	s15 =	spop (v2sf)  }
0x6a: {  	v8 =	vadd.s32 $0x50, v7;
	s8 =	sadd.s32 s8, s15;
	s17 =	spop (v2sf)  }
0x6b: {  	s13 =	sadd.s32 s13, s17;
	[tilespmem:s8+$0x2000] =	vst.msk vm10, v8;
	v8 =	vadd.s32 $0x850, v7  }
0x6c: {  	[tilespmem:s13+$0x3080] =	vst.msk vm11, v8  }
0x6d: {  	v8 =	vld [tilespmem:s9+$0xFFFFF860]  }
0x6e: {  	v9 =	vld [tilespmem:s9+$0x60];
	_ =	sdelay $0x2  }
0x6f: {  	s15 =	spop (v2sf)  }
0x70: {  	v10 =	vadd.s32 $0x60, v7;
	s8 =	sadd.s32 s8, s15;
	vm12 =	vle.f32 v8, v6;
	s17 =	spop (v2sf)  }
0x71: {  	vm13 =	vle.f32 v9, v6;
	v8 =	vadd.s32 $0x860, v7;
	s13 =	sadd.s32 s13, s17;
	[tilespmem:s8+$0x2000] =	vst.msk vm12, v10  }
0x72: {  	v9 =	vmpcnt.ones.xlane vm12;
	[tilespmem:s13+$0x3080] =	vst.msk vm13, v8  }
0x73: {  	v8 =	vld [tilespmem:s9+$0xFFFFF870]  }
0x74: {  	(v2sf) =	vpush v9, $0x0;
	_ =	sdelay $0x3  }
0x75: {  	v10 =	vmpcnt.ones.xlane vm13;
	vm14 =	vle.f32 v8, v6  }
0x76: {  	v8 =	vmpcnt.ones.xlane vm14  }
0x77: {  	(v2sf) =	vpush v10, $0x0  }
0x78: {  	(v2sf) =	vpush v8, $0x0;
	v8 =	vld [tilespmem:s9+$0x70];
	_ =	sdelay $0x4  }
0x79: {  	vm15 =	vle.f32 v8, v6  }
0x7a: {  	v10 =	vmpcnt.ones.xlane vm15;
	_ =	sdelay $0x1  }
0x7b: {  	s15 =	spop (v2sf);
	(v2sf) =	vpush v10, $0x0;
	_ =	sdelay $0x6  }
0x7c: {  	v9 =	vadd.s32 $0x70, v7;
	s15 =	sadd.s32 s8, s15;
	s17 =	spop (v2sf)  }
0x7d: {  	v8 =	vadd.s32 $0x870, v7;
	s14 =	sadd.s32 s13, s17;
	[tilespmem:s15+$0x2000] =	vst.msk vm14, v9  }
0x7e: {  	s9 =	simm.s32 $0x880;
	[tilespmem:s14+$0x3080] =	vst.msk vm15, v8  }
0x7f: {  	v9 =	vld [tilespmem:s9+$0xFFFFF800]  }
0x80: {  	v8 =	vld [tilespmem:s9+$0x0];
	_ =	sdelay $0x2  }
0x81: {  	s13 =	simm.s32 $0x8;
	s8 =	spop (v2sf)  }
.LBB2_3:
0x82: {  	s13 =	sadd.s32 $0x8, s13;
	vm0 =	vle.f32 v9, v6;
	s8 =	sadd.s32 s15, s8;
	v7 =	vadd.s32 $0x80, v7;
	s15 =	spop (v2sf)  }
0x83: {  	p0 =	slt.u32 s13, $0x78;
	vm1 =	vle.f32 v8, v6;
	[tilespmem:s8+$0x2000] =	vst.msk vm0, v7;
	v8 =	vadd.s32 $0x800, v7;
	v9 =	vmpcnt.ones.xlane vm0;
	s14 =	sadd.s32 s14, s15  }
0x84: {  	[tilespmem:s14+$0x3080] =	vst.msk vm1, v8;
	v8 =	vmpcnt.ones.xlane vm1  }
0x85: {  	v10 =	vld [tilespmem:s9+$0xFFFFF810];
	(v2sf) =	vpush v9, $0x0  }
0x86: {  	v9 =	vld [tilespmem:s9+$0x10];
	(v2sf) =	vpush v8, $0x0;
	_ =	sdelay $0x3  }
0x87: {  	vm0 =	vle.f32 v10, v6  }
0x88: {  	vm1 =	vle.f32 v9, v6;
	v8 =	vmpcnt.ones.xlane vm0  }
0x89: {  	v9 =	vmpcnt.ones.xlane vm1  }
0x8a: {  	(v2sf) =	vpush v8, $0x0  }
0x8b: {  	(v2sf) =	vpush v9, $0x0;
	_ =	sdelay $0x5  }
0x8c: {  	s15 =	spop (v2sf)  }
0x8d: {  	v8 =	vadd.s32 $0x10, v7;
	s8 =	sadd.s32 s8, s15;
	s15 =	spop (v2sf)  }
0x8e: {  	s14 =	sadd.s32 s14, s15;
	[tilespmem:s8+$0x2000] =	vst.msk vm0, v8;
	v8 =	vadd.s32 $0x810, v7  }
0x8f: {  	[tilespmem:s14+$0x3080] =	vst.msk vm1, v8  }
0x90: {  	v8 =	vld [tilespmem:s9+$0xFFFFF820]  }
0x91: {  	v9 =	vld [tilespmem:s9+$0x20];
	_ =	sdelay $0x2  }
0x92: {  	s15 =	spop (v2sf)  }
0x93: {  	v10 =	vadd.s32 $0x20, v7;
	s8 =	sadd.s32 s8, s15;
	vm0 =	vle.f32 v8, v6;
	s15 =	spop (v2sf)  }
0x94: {  	v8 =	vadd.s32 $0x820, v7;
	s14 =	sadd.s32 s14, s15;
	vm1 =	vle.f32 v9, v6;
	[tilespmem:s8+$0x2000] =	vst.msk vm0, v10;
	v9 =	vmpcnt.ones.xlane vm0  }
0x95: {  	[tilespmem:s14+$0x3080] =	vst.msk vm1, v8;
	v8 =	vmpcnt.ones.xlane vm1  }
0x96: {  	v10 =	vld [tilespmem:s9+$0xFFFFF830];
	(v2sf) =	vpush v9, $0x0  }
0x97: {  	v9 =	vld [tilespmem:s9+$0x30];
	(v2sf) =	vpush v8, $0x0;
	_ =	sdelay $0x3  }
0x98: {  	vm0 =	vle.f32 v10, v6  }
0x99: {  	vm1 =	vle.f32 v9, v6;
	v8 =	vmpcnt.ones.xlane vm0  }
0x9a: {  	v9 =	vmpcnt.ones.xlane vm1  }
0x9b: {  	(v2sf) =	vpush v8, $0x0  }
0x9c: {  	(v2sf) =	vpush v9, $0x0;
	_ =	sdelay $0x5  }
0x9d: {  	s15 =	spop (v2sf)  }
0x9e: {  	v8 =	vadd.s32 $0x30, v7;
	s8 =	sadd.s32 s8, s15;
	s15 =	spop (v2sf)  }
0x9f: {  	s14 =	sadd.s32 s14, s15;
	[tilespmem:s8+$0x2000] =	vst.msk vm0, v8;
	v8 =	vadd.s32 $0x830, v7  }
0xa0: {  	[tilespmem:s14+$0x3080] =	vst.msk vm1, v8  }
0xa1: {  	v8 =	vld [tilespmem:s9+$0xFFFFF840]  }
0xa2: {  	v9 =	vld [tilespmem:s9+$0x40];
	_ =	sdelay $0x2  }
0xa3: {  	s15 =	spop (v2sf)  }
0xa4: {  	v10 =	vadd.s32 $0x40, v7;
	s8 =	sadd.s32 s8, s15;
	vm0 =	vle.f32 v8, v6;
	s15 =	spop (v2sf)  }
0xa5: {  	v8 =	vadd.s32 $0x840, v7;
	s14 =	sadd.s32 s14, s15;
	vm1 =	vle.f32 v9, v6;
	[tilespmem:s8+$0x2000] =	vst.msk vm0, v10;
	v9 =	vmpcnt.ones.xlane vm0  }
0xa6: {  	[tilespmem:s14+$0x3080] =	vst.msk vm1, v8;
	v8 =	vmpcnt.ones.xlane vm1  }
0xa7: {  	v10 =	vld [tilespmem:s9+$0xFFFFF850];
	(v2sf) =	vpush v9, $0x0  }
0xa8: {  	v9 =	vld [tilespmem:s9+$0x50];
	(v2sf) =	vpush v8, $0x0;
	_ =	sdelay $0x3  }
0xa9: {  	vm0 =	vle.f32 v10, v6  }
0xaa: {  	vm1 =	vle.f32 v9, v6;
	v8 =	vmpcnt.ones.xlane vm0  }
0xab: {  	v9 =	vmpcnt.ones.xlane vm1  }
0xac: {  	(v2sf) =	vpush v8, $0x0  }
0xad: {  	(v2sf) =	vpush v9, $0x0;
	_ =	sdelay $0x5  }
0xae: {  	s15 =	spop (v2sf)  }
0xaf: {  	v8 =	vadd.s32 $0x50, v7;
	s8 =	sadd.s32 s8, s15;
	s15 =	spop (v2sf)  }
0xb0: {  	s14 =	sadd.s32 s14, s15;
	[tilespmem:s8+$0x2000] =	vst.msk vm0, v8;
	v8 =	vadd.s32 $0x850, v7  }
0xb1: {  	[tilespmem:s14+$0x3080] =	vst.msk vm1, v8  }
0xb2: {  	v8 =	vld [tilespmem:s9+$0xFFFFF860]  }
0xb3: {  	v9 =	vld [tilespmem:s9+$0x60];
	_ =	sdelay $0x2  }
0xb4: {  	s15 =	spop (v2sf)  }
0xb5: {  	v10 =	vadd.s32 $0x60, v7;
	s8 =	sadd.s32 s8, s15;
	vm0 =	vle.f32 v8, v6;
	s15 =	spop (v2sf)  }
0xb6: {  	v8 =	vadd.s32 $0x860, v7;
	s14 =	sadd.s32 s14, s15;
	vm1 =	vle.f32 v9, v6;
	[tilespmem:s8+$0x2000] =	vst.msk vm0, v10;
	v9 =	vmpcnt.ones.xlane vm0  }
0xb7: {  	[tilespmem:s14+$0x3080] =	vst.msk vm1, v8;
	v8 =	vmpcnt.ones.xlane vm1  }
0xb8: {  	v10 =	vld [tilespmem:s9+$0xFFFFF870];
	(v2sf) =	vpush v9, $0x0  }
0xb9: {  	v9 =	vld [tilespmem:s9+$0x70];
	(v2sf) =	vpush v8, $0x0;
	_ =	sdelay $0x3  }
0xba: {  	vm0 =	vle.f32 v10, v6  }
0xbb: {  	vm1 =	vle.f32 v9, v6;
	v8 =	vmpcnt.ones.xlane vm0  }
0xbc: {  	v9 =	vmpcnt.ones.xlane vm1  }
0xbd: {  	(v2sf) =	vpush v8, $0x0  }
0xbe: {  	(v2sf) =	vpush v9, $0x0;
	_ =	sdelay $0x5  }
0xbf: {  	s15 =	spop (v2sf)  }
0xc0: {  	v8 =	vadd.s32 $0x70, v7;
	s15 =	sadd.s32 s8, s15;
	s8 =	spop (v2sf)  }
0xc1: {  	s14 =	sadd.s32 s14, s8;
	[tilespmem:s15+$0x2000] =	vst.msk vm0, v8;
	v8 =	vadd.s32 $0x870, v7  }
0xc2: {  	s9 =	sadd.s32 $0x80, s9;
	[tilespmem:s14+$0x3080] =	vst.msk vm1, v8  }
.Ltmp2:
0xc3: {  	v9 =	vld [tilespmem:s9+$0xFFFFF800];
	(pc) =	sbr.rel @p0 .LBB2_3-.Ltmp2, $2  }
0xc4: {  	v8 =	vld [tilespmem:s9+$0x0];
	_ =	sdelay $0x2  }
0xc5: {  	s8 =	spop (v2sf)  }
0xc6: {  	vm0 =	vle.f32 v9, v6;
	s8 =	sadd.s32 s15, s8;
	v7 =	vadd.s32 $0x80, v7;
	s13 =	spop (v2sf)  }
0xc7: {  	vm1 =	vle.f32 v8, v6;
	[tilespmem:s8+$0x2000] =	vst.msk vm0, v7;
	v8 =	vadd.s32 $0x800, v7;
	v9 =	vmpcnt.ones.xlane vm0;
	s13 =	sadd.s32 s14, s13  }
0xc8: {  	[tilespmem:s13+$0x3080] =	vst.msk vm1, v8;
	v8 =	vmpcnt.ones.xlane vm1  }
0xc9: {  	v10 =	vld [tilespmem:s9+$0xFFFFF810];
	(v2sf) =	vpush v9, $0x0  }
0xca: {  	v50 =	vld [tilespmem:s9+$0x10];
	(v2sf) =	vpush v8, $0x0;
	_ =	sdelay $0x3  }
0xcb: {  	vm14 =	vle.f32 v10, v6  }
0xcc: {  	vm15 =	vle.f32 v50, v6;
	v8 =	vmpcnt.ones.xlane vm14  }
0xcd: {  	v9 =	vmpcnt.ones.xlane vm15  }
0xce: {  	(v2sf) =	vpush v8, $0x0  }
0xcf: {  	(v2sf) =	vpush v9, $0x0;
	_ =	sdelay $0x5  }
0xd0: {  	s17 =	spop (v2sf)  }
0xd1: {  	v8 =	vadd.s32 $0x10, v7;
	s8 =	sadd.s32 s8, s17;
	s15 =	spop (v2sf)  }
0xd2: {  	s13 =	sadd.s32 s13, s15;
	[tilespmem:s8+$0x2000] =	vst.msk vm14, v8;
	v8 =	vadd.s32 $0x810, v7  }
0xd3: {  	[tilespmem:s13+$0x3080] =	vst.msk vm15, v8  }
0xd4: {  	v8 =	vld [tilespmem:s9+$0xFFFFF820]  }
0xd5: {  	v51 =	vld [tilespmem:s9+$0x20];
	_ =	sdelay $0x2  }
0xd6: {  	s17 =	spop (v2sf)  }
0xd7: {  	v52 =	vadd.s32 $0x20, v7;
	s8 =	sadd.s32 s8, s17;
	vm4 =	vle.f32 v8, v6;
	s15 =	spop (v2sf)  }
0xd8: {  	vm5 =	vle.f32 v51, v6;
	v8 =	vadd.s32 $0x820, v7;
	s13 =	sadd.s32 s13, s15;
	[tilespmem:s8+$0x2000] =	vst.msk vm4, v52;
	v53 =	vmpcnt.ones.xlane vm4  }
0xd9: {  	[tilespmem:s13+$0x3080] =	vst.msk vm5, v8;
	v8 =	vmpcnt.ones.xlane vm5  }
0xda: {  	v10 =	vld [tilespmem:s9+$0xFFFFF830];
	(v2sf) =	vpush v53, $0x0  }
0xdb: {  	v54 =	vld [tilespmem:s9+$0x30];
	(v2sf) =	vpush v8, $0x0;
	_ =	sdelay $0x3  }
0xdc: {  	vm6 =	vle.f32 v10, v6  }
0xdd: {  	vm7 =	vle.f32 v54, v6;
	v8 =	vmpcnt.ones.xlane vm6  }
0xde: {  	v9 =	vmpcnt.ones.xlane vm7  }
0xdf: {  	(v2sf) =	vpush v8, $0x0  }
0xe0: {  	(v2sf) =	vpush v9, $0x0;
	_ =	sdelay $0x5  }
0xe1: {  	s17 =	spop (v2sf)  }
0xe2: {  	v8 =	vadd.s32 $0x30, v7;
	s8 =	sadd.s32 s8, s17;
	s15 =	spop (v2sf)  }
0xe3: {  	s13 =	sadd.s32 s13, s15;
	[tilespmem:s8+$0x2000] =	vst.msk vm6, v8;
	v8 =	vadd.s32 $0x830, v7  }
0xe4: {  	[tilespmem:s13+$0x3080] =	vst.msk vm7, v8  }
0xe5: {  	v8 =	vld [tilespmem:s9+$0xFFFFF840]  }
0xe6: {  	v55 =	vld [tilespmem:s9+$0x40];
	_ =	sdelay $0x2  }
0xe7: {  	s17 =	spop (v2sf)  }
0xe8: {  	v56 =	vadd.s32 $0x40, v7;
	s8 =	sadd.s32 s8, s17;
	vm8 =	vle.f32 v8, v6;
	s15 =	spop (v2sf)  }
0xe9: {  	vm9 =	vle.f32 v55, v6;
	v8 =	vadd.s32 $0x840, v7;
	s13 =	sadd.s32 s13, s15;
	[tilespmem:s8+$0x2000] =	vst.msk vm8, v56;
	v57 =	vmpcnt.ones.xlane vm8  }
0xea: {  	[tilespmem:s13+$0x3080] =	vst.msk vm9, v8;
	v8 =	vmpcnt.ones.xlane vm9  }
0xeb: {  	v10 =	vld [tilespmem:s9+$0xFFFFF850];
	(v2sf) =	vpush v57, $0x0  }
0xec: {  	v58 =	vld [tilespmem:s9+$0x50];
	(v2sf) =	vpush v8, $0x0;
	_ =	sdelay $0x3  }
0xed: {  	vm10 =	vle.f32 v10, v6  }
0xee: {  	vm11 =	vle.f32 v58, v6;
	v8 =	vmpcnt.ones.xlane vm10  }
0xef: {  	v9 =	vmpcnt.ones.xlane vm11  }
0xf0: {  	(v2sf) =	vpush v8, $0x0  }
0xf1: {  	(v2sf) =	vpush v9, $0x0;
	_ =	sdelay $0x5  }
0xf2: {  	s17 =	spop (v2sf)  }
0xf3: {  	v8 =	vadd.s32 $0x50, v7;
	s8 =	sadd.s32 s8, s17;
	s15 =	spop (v2sf)  }
0xf4: {  	s13 =	sadd.s32 s13, s15;
	[tilespmem:s8+$0x2000] =	vst.msk vm10, v8;
	v8 =	vadd.s32 $0x850, v7  }
0xf5: {  	[tilespmem:s13+$0x3080] =	vst.msk vm11, v8  }
0xf6: {  	v8 =	vld [tilespmem:s9+$0xFFFFF860]  }
0xf7: {  	v59 =	vld [tilespmem:s9+$0x60];
	_ =	sdelay $0x2  }
0xf8: {  	s17 =	spop (v2sf)  }
0xf9: {  	v60 =	vadd.s32 $0x60, v7;
	s8 =	sadd.s32 s8, s17;
	vm12 =	vle.f32 v8, v6;
	s15 =	spop (v2sf)  }
0xfa: {  	vm13 =	vle.f32 v59, v6;
	v8 =	vadd.s32 $0x860, v7;
	s14 =	sadd.s32 s13, s15;
	[tilespmem:s8+$0x2000] =	vst.msk vm12, v60  }
0xfb: {  	[tilespmem:s14+$0x3080] =	vst.msk vm13, v8  }
0xfc: {  	v8 =	vld [tilespmem:s9+$0xFFFFF870];
	_ =	sdelay $0x3  }
0xfd: {  	v61 =	vmpcnt.ones.xlane vm12  }
0xfe: {  	v62 =	vmpcnt.ones.xlane vm13;
	vm14 =	vle.f32 v8, v6  }
0xff: {  	(v2sf) =	vpush v61, $0x0;
	v8 =	vmpcnt.ones.xlane vm14  }
0x100: {  	(v2sf) =	vpush v62, $0x0  }
0x101: {  	(v2sf) =	vpush v8, $0x0;
	_ =	sdelay $0x3  }
0x102: {  	v63 =	vld [tilespmem:s9+$0x70];
	_ =	sdelay $0x4  }
0x103: {  	vm15 =	vle.f32 v63, v6  }
0x104: {  	v6 =	vmpcnt.ones.xlane vm15;
	_ =	sdelay $0x1  }
0x105: {  	(v2sf) =	vpush v6, $0x0  }
0x106: {  	s17 =	spop (v2sf)  }
0x107: {  	s15 =	spop (v2sf)  }
0x108: {  	s8 =	sadd.s32 s8, s17;
	s13 =	spop (v2sf)  }
0x109: {  	s13 =	sadd.s32 s8, s13  }
0x10a: {  	s9 =	sadd.s32 $0xF, s13  }
0x10b: {  	s17 =	sand.u32 $0xF, s9  }
0x10c: {  	p1 =	slt.s32 s9, $0x1;
	p0 =	sne.s32 s17, $0x0;
	s17 =	sshra.s32 s9, $0x1F  }
0x10d: {  	s17 =	sshrl.u32 s17, $0x1C;
	p0 =	por !p1, !p0  }
0x10e: {  	s9 =	sadd.s32 s17, s9;
	p0 =	por !p0, !p0;
	s17 =	simm.s32 $0x1  }
0x10f: {  	s15 =	sadd.s32 s14, s15;
	s14 =	sshra.s32 s9, $0x4;
	s17 =	simm.s32 @!p0 $0x0  }
0x110: {  	s14 =	ssub.s32 s14, s17  }
0x111: {  	p0 =	slt.s32 s14, $0x1  }
.Ltmp3:
0x112: {  	v6 =	vadd.s32 $0x70, v7;
	(pc) =	sbr.rel @p0 .LBB2_5-.Ltmp3, $4  }
0x113: {  	[tilespmem:s8+$0x2000] =	vst.msk vm14, v6;
	v6 =	vadd.s32 $0x870, v7  }
0x114: {  	[tilespmem:s15+$0x3080] =	vst.msk vm15, v6;
	v6 =	vimm.s32 $0x0;
	s17 =	spop (v2sf)  }
0x115: {  	[tilespmem:s13+$0x2000] =	vst v6;
	s9 =	sadd.s32 s15, s17  }
0x116: {  	v7 =	vimm.f32 $+Inf;
	[tilespmem:s9+$0x3080] =	vst v6  }
0x117: {  	s8 =	simm.s32 $0x2000  }
0x118: {  	v9 =	vld [tilespmem:s8+$0x0];
	_ =	sdelay $0x7  }
0x119: {  	v10 =	vld.idx.msk [tilespmem:v9+s3+$0x0], $0xffff  }
0x11a: {  	p1 =	sne.s32 s14, $0x1  }
.Ltmp4:
0x11b: {  	s17 =	simm.s32 $0x0;
	(pc) =	sbr.rel @!p1 .LBB2_7-.Ltmp4, $4  }
0x11c: {  	v8 =	vmov s13;
	v11 =	vor.u32 s17, v0  }
0x11d: {  	vm0 =	vlt.s32 v11, v8  }
0x11e: {  	v10 =	vnsel vm0, $0x7F800000, v10  }
0x11f: {  	s15 =	sadd.s32 $0xFFFFFFFF, s14;
	p0 =	por $0x0, $0x0;
	(xrf1) =	vsort.ascd.msk.f32 $0xffff, v10, v9  }
0x120: {  	_ =	sdelay $0x5  }
0x121: {  	s13 =	simm.s32 $0x2010  }
0x122: {  	v9 =	vld [tilespmem:s13+$0x0];
	_ =	sdelay $0x5  }
0x123: {  	v10, v11, _ =	vpop (xrf1)  }
0x124: {  	v10 =	vperm.xlane v10, v3  }
0x125: {  	v12 =	vld.idx.msk [tilespmem:v9+s3+$0x0], $0xffff;
	v11 =	vperm.xlane v11, v3  }
0x126: {  	p1 =	sne.s32 s15, $0x1;
	vm0 =	vle.f32 v7, v10  }
.Ltmp5:
0x127: {  	s14 =	simm.s32 $0x10;
	v10 =	vsel vm0, v7, v10;
	v11 =	vsel vm0, v6, v11;
	(pc) =	sbr.rel @!p1 .LBB2_9-.Ltmp5, $4  }
0x128: {  	v13 =	vor.u32 s14, v0;
	(xrf1) =	vsort.ascd.msk.f32 $0xffff, v10, v11  }
0x129: {  	vm15 =	vlt.s32 v13, v8  }
0x12a: {  	v10 =	vnsel vm15, $0x7F800000, v12  }
0x12b: {  	s15 =	sadd.s32 $0xFFFFFFFF, s15;
	p0 =	por $0x1, $0x1;
	(xrf1) =	vsort.ascd.msk.f32 $0xffff, v10, v9;
	v10 =	vimm.f32 $+Inf;
	v9 =	vimm.s32 $0x0  }
.LBB2_10:
0x12c: {  	_ = 	snop  }
0x12d: {  	p1 =	sne.s32 s15, $0x1;
	s15 =	sadd.s32 $0xFFFFFFFF, s15;
	_ =	sdelay $0x8  }
0x12e: {  	v11, v12, _ =	vpop (xrf1)  }
0x12f: {  	v11 =	vperm.xlane v11, v3  }
0x130: {  	v12 =	vperm.xlane v12, v3  }
0x131: {  	v13, v14, _ =	vpop (xrf1);
	vm0 =	vle.f32 v10, v11  }
0x132: {  	v13 =	vperm.xlane v13, v3;
	v15 =	vsel vm0, v11, v10;
	v16 =	vsel vm0, v12, v9  }
0x133: {  	v10 =	vsel vm0, v10, v11;
	v9 =	vsel vm0, v9, v12;
	(xrf1) =	vsort.ascd.msk.f32 $0xffff, v15, v16  }
0x134: {  	(xrf1) =	vsort.ascd.msk.f32 $0xffff, v10, v9;
	_ =	sdelay $0x2  }
0x135: {  	s13 =	sadd.s32 $0x10, s13  }
0x136: {  	v11 =	vld [tilespmem:s13+$0x0];
	_ =	sdelay $0x7  }
0x137: {  	v12 =	vld.idx.msk [tilespmem:v11+s3+$0x0], $0xffff  }
0x138: {  	v14 =	vperm.xlane v14, v3;
	v15, v16, _ =	vpop (xrf1)  }
0x139: {  	vm0 =	vle.f32 v15, v13;
	v10, v9, _ =	vpop (xrf1)  }
.Ltmp6:
0x13a: {  	s14 =	sadd.s32 $0x10, s14;
	v13 =	vsel vm0, v15, v13;
	v14 =	vsel vm0, v16, v14;
	(pc) =	sbr.rel @p1 .LBB2_10-.Ltmp6, $4  }
0x13b: {  	v15 =	vor.u32 s14, v0;
	(xrf1) =	vsort.ascd.msk.f32 $0xffff, v13, v14  }
0x13c: {  	vm0 =	vlt.s32 v15, v8  }
0x13d: {  	v12 =	vnsel vm0, $0x7F800000, v12  }
0x13e: {  	(xrf1) =	vsort.ascd.msk.f32 $0xffff, v12, v11  }
.LBB2_11:
0x13f: {  	_ =	sdelay $0x9  }
0x140: {  	v8, v11, _ =	vpop @p0 (xrf1)  }
0x141: {  	v8 =	vperm.xlane @p0 v8, v3  }
0x142: {  	v11 =	vperm.xlane @p0 v11, v3  }
0x143: {  	vm0 =	vle.f32 @p0 v10, v8  }
0x144: {  	v12 =	vsel @p0 vm0, v8, v10;
	v13 =	vsel @p0 vm0, v11, v9  }
0x145: {  	(xrf1) =	vsort.ascd.msk.f32 @p0 $0xffff, v12, v13;
	_ =	sdelay $0xc  }
0x146: {  	v12, v13, _ =	vpop (xrf1)  }
0x147: {  	v12 =	vperm.xlane v12, v3;
	v14, v15, _ =	vpop @p0 (xrf1)  }
0x148: {  	v8 =	vsel @p0 vm0, v10, v8;
	v10 =	vperm.xlane v13, v3;
	v63 =	vpsel p0, v14, v7  }
0x149: {  	v9 =	vsel @p0 vm0, v9, v11;
	v11 =	vpsel p0, v15, v6;
	vm14 =	vle.f32 v63, v12  }
0x14a: {  	(xrf1) =	vsort.ascd.msk.f32 @p0 $0xffff, v8, v9;
	v8 =	vsel vm14, v63, v12;
	v9 =	vsel vm14, v11, v10  }
0x14b: {  	(xrf1) =	vsort.ascd.msk.f32 $0xffff, v8, v9;
	_ =	sdelay $0xc  }
0x14c: {  	v8, v9, _ =	vpop @p0 (xrf1)  }
0x14d: {  	v10, v11, _ =	vpop (xrf1)  }
0x14e: {  	v10 =	vperm.xlane v10, v3  }
0x14f: {  	v7 =	vpsel p0, v8, v7;
	v8 =	vperm.xlane v11, v3  }
0x150: {  	v6 =	vpsel p0, v9, v6;
	vm15 =	vle.f32 v7, v10  }
0x151: {  	v9 =	vsel vm15, v10, v7;
	v11 =	vsel vm15, v8, v6  }
0x152: {  	v7 =	vsel vm15, v7, v10;
	v6 =	vsel vm15, v6, v8;
	(xrf1) =	vsort.ascd.msk.f32 $0xffff, v9, v11  }
0x153: {  	(xrf1) =	vsort.ascd.msk.f32 $0xffff, v7, v6;
	_ =	sdelay $0x9  }
.Ltmp7:
0x154: {  	_ = 	snop;
	(pc) =	sbr.rel .LBB2_12-.Ltmp7, $3  }
0x155: {  	_ =	sdelay $0x1  }
0x156: {  	v9, v8, _ =	vpop (xrf1)  }
0x157: {  	v7, v6, _ =	vpop (xrf1)  }
.LBB2_5:
0x158: {  	v9 =	vimm.f32 $+Inf;
	v8 =	vimm.s32 $0x0  }
.LBB2_12:
0x159: {  	s8 =	sadd.s32 $0xF, s9  }
0x15a: {  	s13 =	sand.u32 $0xF, s8  }
0x15b: {  	s14 =	sshra.s32 s8, $0x1F;
	p0 =	slt.s32 s8, $0x1;
	p1 =	sne.s32 s13, $0x0  }
0x15c: {  	s17 =	sshrl.u32 s14, $0x1C;
	p0 =	por !p0, !p1  }
0x15d: {  	s13 =	simm.s32 $0x1;
	s8 =	sadd.s32 s17, s8;
	p0 =	por !p0, !p0  }
0x15e: {  	s8 =	sshra.s32 s8, $0x4;
	s13 =	simm.s32 @!p0 $0x0  }
0x15f: {  	s13 =	ssub.s32 s8, s13  }
0x160: {  	p0 =	slt.s32 s13, $0x1  }
.Ltmp8:
0x161: {  	_ = 	snop;
	(pc) =	sbr.rel @p0 .LBB2_19-.Ltmp8, $1  }
0x162: {  	_ =	sdelay $0x3  }
0x163: {  	s8 =	simm.s32 $0x3080  }
0x164: {  	v11 =	vld [tilespmem:s8+$0x0];
	_ =	sdelay $0x7  }
0x165: {  	v12 =	vld.idx.msk [tilespmem:v11+s3+$0x0], $0xffff  }
0x166: {  	p1 =	sne.s32 s13, $0x1  }
.Ltmp9:
0x167: {  	s17 =	simm.s32 $0x0;
	(pc) =	sbr.rel @!p1 .LBB2_14-.Ltmp9, $4  }
0x168: {  	v10 =	vmov s9;
	v13 =	vor.u32 s17, v0  }
0x169: {  	vm0 =	vlt.s32 v13, v10  }
0x16a: {  	v12 =	vnsel vm0, $0x7F800000, v12  }
0x16b: {  	s14 =	sadd.s32 $0xFFFFFFFF, s13;
	p0 =	por $0x0, $0x0;
	(xrf1) =	vsort.ascd.msk.f32 $0xffff, v12, v11  }
0x16c: {  	_ =	sdelay $0x3  }
0x16d: {  	s9 =	simm.s32 $0x3090  }
0x16e: {  	v11 =	vld [tilespmem:s9+$0x0];
	_ =	sdelay $0x7  }
0x16f: {  	v14 =	vld.idx.msk [tilespmem:v11+s3+$0x0], $0xffff;
	v12, v13, _ =	vpop (xrf1)  }
0x170: {  	v12 =	vperm.xlane v12, v3  }
0x171: {  	s13 =	simm.s32 $0x10;
	v13 =	vperm.xlane v13, v3  }
0x172: {  	p1 =	sne.s32 s14, $0x1;
	v15 =	vor.u32 s13, v0;
	vm0 =	vle.f32 v9, v12  }
.Ltmp10:
0x173: {  	vm15 =	vlt.s32 v15, v10;
	v12 =	vsel vm0, v9, v12;
	v13 =	vsel vm0, v8, v13;
	(pc) =	sbr.rel @!p1 .LBB2_16-.Ltmp10, $2  }
0x174: {  	(xrf1) =	vsort.ascd.msk.f32 $0xffff, v12, v13;
	v12 =	vnsel vm15, $0x7F800000, v14;
	_ =	sdelay $0x2  }
0x175: {  	s14 =	sadd.s32 $0xFFFFFFFF, s14;
	p0 =	por $0x1, $0x1;
	(xrf1) =	vsort.ascd.msk.f32 $0xffff, v12, v11;
	v11 =	vmov v6;
	v12 =	vmov v7  }
.LBB2_17:
0x176: {  	_ = 	snop  }
0x177: {  	p1 =	sne.s32 s14, $0x1;
	s14 =	sadd.s32 $0xFFFFFFFF, s14;
	_ =	sdelay $0x8  }
0x178: {  	v13, v14, _ =	vpop (xrf1)  }
0x179: {  	v13 =	vperm.xlane v13, v3  }
0x17a: {  	v14 =	vperm.xlane v14, v3  }
0x17b: {  	v15, v16, _ =	vpop (xrf1);
	vm0 =	vle.f32 v12, v13  }
0x17c: {  	v15 =	vperm.xlane v15, v3;
	v17 =	vsel vm0, v13, v12;
	v18 =	vsel vm0, v14, v11  }
0x17d: {  	v12 =	vsel vm0, v12, v13;
	v11 =	vsel vm0, v11, v14;
	(xrf1) =	vsort.ascd.msk.f32 $0xffff, v17, v18  }
0x17e: {  	(xrf1) =	vsort.ascd.msk.f32 $0xffff, v12, v11;
	_ =	sdelay $0x2  }
0x17f: {  	s9 =	sadd.s32 $0x10, s9  }
0x180: {  	v13 =	vld [tilespmem:s9+$0x0];
	_ =	sdelay $0x7  }
0x181: {  	v14 =	vld.idx.msk [tilespmem:v13+s3+$0x0], $0xffff  }
0x182: {  	v16 =	vperm.xlane v16, v3;
	v17, v18, _ =	vpop (xrf1)  }
0x183: {  	vm0 =	vle.f32 v17, v15;
	v12, v11, _ =	vpop (xrf1)  }
.Ltmp11:
0x184: {  	s13 =	sadd.s32 $0x10, s13;
	v15 =	vsel vm0, v17, v15;
	v16 =	vsel vm0, v18, v16;
	(pc) =	sbr.rel @p1 .LBB2_17-.Ltmp11, $4  }
0x185: {  	v17 =	vor.u32 s13, v0;
	(xrf1) =	vsort.ascd.msk.f32 $0xffff, v15, v16  }
0x186: {  	vm0 =	vlt.s32 v17, v10  }
0x187: {  	v14 =	vnsel vm0, $0x7F800000, v14  }
0x188: {  	(xrf1) =	vsort.ascd.msk.f32 $0xffff, v14, v13  }
.LBB2_18:
0x189: {  	_ =	sdelay $0x9  }
0x18a: {  	v10, v13, _ =	vpop @p0 (xrf1)  }
0x18b: {  	v10 =	vperm.xlane @p0 v10, v3  }
0x18c: {  	v13 =	vperm.xlane @p0 v13, v3  }
0x18d: {  	vm0 =	vle.f32 @p0 v12, v10  }
0x18e: {  	v14 =	vsel @p0 vm0, v10, v12;
	v15 =	vsel @p0 vm0, v13, v11  }
0x18f: {  	(xrf1) =	vsort.ascd.msk.f32 @p0 $0xffff, v14, v15;
	_ =	sdelay $0xc  }
0x190: {  	v14, v15, _ =	vpop (xrf1)  }
0x191: {  	v14 =	vperm.xlane v14, v3;
	v16, v17, _ =	vpop @p0 (xrf1)  }
0x192: {  	v10 =	vsel @p0 vm0, v12, v10;
	v63 =	vperm.xlane v15, v3;
	v9 =	vpsel p0, v16, v9  }
0x193: {  	v11 =	vsel @p0 vm0, v11, v13;
	v8 =	vpsel p0, v17, v8;
	vm14 =	vle.f32 v9, v14  }
0x194: {  	(xrf1) =	vsort.ascd.msk.f32 @p0 $0xffff, v10, v11;
	v9 =	vsel vm14, v9, v14;
	v8 =	vsel vm14, v8, v63  }
0x195: {  	(xrf1) =	vsort.ascd.msk.f32 $0xffff, v9, v8;
	_ =	sdelay $0xc  }
0x196: {  	v8, v9, _ =	vpop @p0 (xrf1)  }
0x197: {  	v10, v11, _ =	vpop (xrf1)  }
0x198: {  	v10 =	vperm.xlane v10, v3  }
0x199: {  	v7 =	vpsel p0, v8, v7;
	v8 =	vperm.xlane v11, v3  }
0x19a: {  	v6 =	vpsel p0, v9, v6;
	vm15 =	vle.f32 v7, v10  }
0x19b: {  	v9 =	vsel vm15, v10, v7;
	v11 =	vsel vm15, v8, v6  }
0x19c: {  	(xrf1) =	vsort.ascd.msk.f32 $0xffff, v9, v11  }
0x19d: {  	v7 =	vsel vm15, v7, v10;
	v6 =	vsel vm15, v6, v8  }
0x19e: {  	(xrf1) =	vsort.ascd.msk.f32 $0xffff, v7, v6;
	_ =	sdelay $0xb  }
0x19f: {  	v6, v8, _ =	vpop (xrf1);
	_ =	sdelay $0x1  }
0x1a0: {  	v7, v6, _ =	vpop (xrf1)  }
.LBB2_19:
0x1a1: {  	s8 =	sor.u32 s11, s7  }
0x1a2: {  	s8 =	smul.u32 $0x3, s8;
	_ =	sdelay $0x1  }
0x1a3: {  	v7 =	vmov s8  }
0x1a4: {  	v9 =	vmul.u32 $0x3, v6;
	v7 =	vand.u32 $0xFFFFFFFE, v7  }
0x1a5: {  	v7 =	vbroadcast v7, $0x0;
	_ =	sdelay $0x4  }
0x1a6: {  	v11 =	vld.idx.msk [tilespmem:v9+s20+$0x0], $0xffff  }
0x1a7: {  	s15 =	smul.u32 $0xC0, s6;
	s9 =	sor.u32 $0x1, s8;
	v7 =	vld.idx.msk [tilespmem:v7+s20+$0x0], $0xffff  }
0x1a8: {  	s8 =	sadd.s32 $0x2, s8;
	v10 =	vmov s9  }
0x1a9: {  	v13 =	vor.u32 s15, v1;
	v12 =	vmov s8  }
0x1aa: {  	v14 =	vadd.s32 $0x1, v9;
	_ =	sdelay $0x1  }
0x1ab: {  	v11 =	vsub.f32 v11, v7  }
0x1ac: {  	v10 =	vld.idx.msk [tilespmem:v10+s20+$0x0], $0xffff  }
0x1ad: {  	v12 =	vld.idx.msk [tilespmem:v12+s20+$0x0], $0xffff;
	[tilespmem:v13+s24+$0x0] =	vst.idx.msk $0xffff, v11  }
0x1ae: {  	v11 =	vld.idx.msk [tilespmem:v14+s20+$0x0], $0xffff;
	_ =	sdelay $0x1  }
0x1af: {  	v58 =	vor.u32 s15, v4  }
0x1b0: {  	v9 =	vadd.s32 $0x2, v9;
	_ =	sdelay $0x1  }
0x1b1: {  	v11 =	vsub.f32 v11, v10;
	_ =	sdelay $0x1  }
0x1b2: {  	[tilespmem:v58+s24+$0x0] =	vst.idx.msk $0xffff, v11  }
0x1b3: {  	v9 =	vld.idx.msk [tilespmem:v9+s20+$0x0], $0xffff;
	_ =	sdelay $0x1  }
0x1b4: {  	v59 =	vor.u32 s15, v5  }
0x1b5: {  	v60 =	vmul.u32 $0x3, v8;
	_ =	sdelay $0x1  }
0x1b6: {  	v9 =	vsub.f32 v9, v12;
	_ =	sdelay $0x1  }
0x1b7: {  	v6 =	vadd.s32 v2, v6;
	[tilespmem:v59+s24+$0x0] =	vst.idx.msk $0xffff, v9  }
0x1b8: {  	[tilespmem:$0x13380] =	vst v6  }
0x1b9: {  	v6 =	vld.idx.msk [tilespmem:v60+s20+$0x0], $0xffff  }
0x1ba: {  	s17 =	sor.u32 $0x30, s15  }
0x1bb: {  	v61 =	vadd.s32 s17, v1  }
0x1bc: {  	v62 =	vadd.s32 $0x1, v60;
	_ =	sdelay $0x1  }
0x1bd: {  	v6 =	vsub.f32 v6, v7;
	_ =	sdelay $0x1  }
0x1be: {  	[tilespmem:v61+s24+$0x0] =	vst.idx.msk $0xffff, v6  }
0x1bf: {  	v6 =	vld.idx.msk [tilespmem:v62+s20+$0x0], $0xffff;
	_ =	sdelay $0x1  }
0x1c0: {  	v7 =	vadd.s32 s17, v4  }
0x1c1: {  	v63 =	vadd.s32 $0x2, v60;
	_ =	sdelay $0x1  }
0x1c2: {  	v6 =	vsub.f32 v6, v10;
	_ =	sdelay $0x1  }
0x1c3: {  	[tilespmem:v7+s24+$0x0] =	vst.idx.msk $0xffff, v6  }
0x1c4: {  	v6 =	vld.idx.msk [tilespmem:v63+s20+$0x0], $0xffff;
	_ =	sdelay $0x1  }
0x1c5: {  	v7 =	vadd.s32 s17, v5  }
0x1c6: {  	p0 =	sne.s32 s6, $0x0  }
.Ltmp12:
0x1c7: {  	_ = 	snop;
	(pc) =	sbr.rel @!p0 .LBB2_20-.Ltmp12, $3  }
0x1c8: {  	v6 =	vsub.f32 v6, v12;
	_ =	sdelay $0x1  }
0x1c9: {  	[tilespmem:v7+s24+$0x0] =	vst.idx.msk $0xffff, v6;
	v6 =	vadd.s32 v2, v8  }
0x1ca: {  	[tilespmem:$0x13390] =	vst v6  }
0x1cb: {  	_ =	swait.ge [sflag:s2], $0x1000  }
0x1cc: {  	[sflag:s2] =	ssyncset.done $0x0  }
0x1cd: {  	p0 =	seq.s32 s6, $0xFF;
	[sflag:s2] =	ssyncadd.s32 $0xFFFFF000  }
0x1ce: {  	[tilespmem:s28], [sflag:$0x3] =	stream.indirect.gather [hbm4b:s1+s25], $0x80, s26, s25, $0xb8;
	[tilespmem:$0x15480] =	vst v63  }
.Ltmp13:
0x1cf: {  	_ = 	snop;
	(pc) =	sbr.rel @p0 .LBB2_23-.Ltmp13, $4  }
.Ltmp14:
0x1d0: {  	_ =	swait.ge [sflag:s16], $0x1000;
	(pc) =	sbr.rel @!p0 .LBB2_22-.Ltmp14, $4  }
0x1d1: {  	s8 =	sshll.u32 s6, $0xA;
	[sflag:s16] =	ssyncset.done $0x0  }
0x1d2: {  	s8 =	sadd.s32 s8, s12;
	[sflag:s16] =	ssyncadd.s32 $0xFFFFF000  }
0x1d3: {  	[hbm4b:s8+s3] =	stream.linear.scatter [tilespmem:s31], [sflag:$0x6], $0x1000, $0x38;
	[tilespmem:$0x15480] =	vst v63  }
0x1d4: {  	_ = 	snop  }
.LBB2_20:
0x1d5: {  	[tilespmem:s28], [sflag:$0x3] =	stream.indirect.gather [hbm4b:s1+s25], $0x80, s26, s25, $0xb8;
	[tilespmem:$0x15480] =	vst v63  }
.LBB2_22:
0x1d6: {  	s8 =	sor.u32 s5, s7  }
0x1d7: {  	s8 =	sadd.s32 $0x2, s8  }
0x1d8: {  	s9 =	sshll.u32 s8, $0x4  }
0x1d9: {  	s8 =	sshll.u32 s8, $0x9;
	s9 =	sand.u32 $0x60, s9  }
0x1da: {  	s8 =	sand.u32 $0xFFFF000, s8;
	s9 =	sadd.s32 s4, s9  }
0x1db: {  	s8 =	sadd.s32 s8, s9  }
0x1dc: {  	[tilespmem:s3], [sflag:$0x1] =	stream.strided.gather [hbm4b:s8+s18], $0x1000, s21, s18, $0x38;
	[tilespmem:$0x15480] =	vst v63  }
.LBB2_23:
0x1dd: {  	_ =	swait.ge [sflag:s29], $0x1000  }
0x1de: {  	[sflag:s29] =	ssyncset.done $0x0  }
0x1df: {  	[sflag:s29] =	ssyncadd.s32 $0xFFFFF000  }
0x1e0: {  	v6 =	vld [tilespmem:s7+$0x4101];
	_ =	sdelay $0x2  }
0x1e1: {  	s9 =	simm.s32 $0x1800  }
0x1e2: {  	v8 =	vld [tilespmem:s9+$0xFFFFF800]  }
0x1e3: {  	v9 =	vld [tilespmem:s9+$0x0];
	v6 =	vadd.f32 $0.0e+00, v6;
	_ =	sdelay $0x1  }
0x1e4: {  	v6 =	vbroadcast v6, $0x0;
	_ =	sdelay $0x1  }
0x1e5: {  	s8 =	simm.s32 $0x0;
	v7 =	vlaneseq.u32;
	vm0 =	vle.f32 v8, v6  }
0x1e6: {  	vm1 =	vle.f32 v9, v6;
	v8 =	vadd.s32 $0x800, v7;
	[tilespmem:s8+$0x2000] =	vst.msk vm0, v7;
	v9 =	vmpcnt.ones.xlane vm0  }
0x1e7: {  	[tilespmem:s8+$0x3080] =	vst.msk vm1, v8;
	v8 =	vmpcnt.ones.xlane vm1  }
0x1e8: {  	v10 =	vld [tilespmem:s9+$0xFFFFF810];
	(v2sf) =	vpush v9, $0x0  }
0x1e9: {  	v9 =	vld [tilespmem:s9+$0x10];
	(v2sf) =	vpush v8, $0x0;
	_ =	sdelay $0x3  }
0x1ea: {  	vm14 =	vle.f32 v10, v6  }
0x1eb: {  	vm15 =	vle.f32 v9, v6;
	v8 =	vmpcnt.ones.xlane vm14  }
0x1ec: {  	v9 =	vmpcnt.ones.xlane vm15  }
0x1ed: {  	(v2sf) =	vpush v8, $0x0  }
0x1ee: {  	(v2sf) =	vpush v9, $0x0;
	_ =	sdelay $0x5  }
0x1ef: {  	s15 =	spop (v2sf)  }
0x1f0: {  	v8 =	vadd.s32 $0x10, v7;
	s8 =	sadd.s32 $0x0, s15;
	s13 =	spop (v2sf)  }
0x1f1: {  	s13 =	sadd.s32 $0x0, s13;
	[tilespmem:s8+$0x2000] =	vst.msk vm14, v8;
	v8 =	vadd.s32 $0x810, v7  }
0x1f2: {  	[tilespmem:s13+$0x3080] =	vst.msk vm15, v8  }
0x1f3: {  	v8 =	vld [tilespmem:s9+$0xFFFFF820]  }
0x1f4: {  	v9 =	vld [tilespmem:s9+$0x20];
	_ =	sdelay $0x2  }
0x1f5: {  	s14 =	spop (v2sf)  }
0x1f6: {  	v10 =	vadd.s32 $0x20, v7;
	s8 =	sadd.s32 s8, s14;
	vm4 =	vle.f32 v8, v6;
	s17 =	spop (v2sf)  }
0x1f7: {  	vm5 =	vle.f32 v9, v6;
	v8 =	vadd.s32 $0x820, v7;
	s13 =	sadd.s32 s13, s17;
	[tilespmem:s8+$0x2000] =	vst.msk vm4, v10;
	v9 =	vmpcnt.ones.xlane vm4  }
0x1f8: {  	[tilespmem:s13+$0x3080] =	vst.msk vm5, v8;
	v8 =	vmpcnt.ones.xlane vm5  }
0x1f9: {  	v10 =	vld [tilespmem:s9+$0xFFFFF830];
	(v2sf) =	vpush v9, $0x0  }
0x1fa: {  	v9 =	vld [tilespmem:s9+$0x30];
	(v2sf) =	vpush v8, $0x0;
	_ =	sdelay $0x3  }
0x1fb: {  	vm6 =	vle.f32 v10, v6  }
0x1fc: {  	vm7 =	vle.f32 v9, v6;
	v8 =	vmpcnt.ones.xlane vm6  }
0x1fd: {  	v9 =	vmpcnt.ones.xlane vm7  }
0x1fe: {  	(v2sf) =	vpush v8, $0x0  }
0x1ff: {  	(v2sf) =	vpush v9, $0x0;
	_ =	sdelay $0x5  }
0x200: {  	s15 =	spop (v2sf)  }
0x201: {  	v8 =	vadd.s32 $0x30, v7;
	s8 =	sadd.s32 s8, s15;
	s17 =	spop (v2sf)  }
0x202: {  	s13 =	sadd.s32 s13, s17;
	[tilespmem:s8+$0x2000] =	vst.msk vm6, v8;
	v8 =	vadd.s32 $0x830, v7  }
0x203: {  	[tilespmem:s13+$0x3080] =	vst.msk vm7, v8  }
0x204: {  	v8 =	vld [tilespmem:s9+$0xFFFFF840]  }
0x205: {  	v9 =	vld [tilespmem:s9+$0x40];
	_ =	sdelay $0x2  }
0x206: {  	s15 =	spop (v2sf)  }
0x207: {  	v10 =	vadd.s32 $0x40, v7;
	s8 =	sadd.s32 s8, s15;
	vm8 =	vle.f32 v8, v6;
	s17 =	spop (v2sf)  }
0x208: {  	vm9 =	vle.f32 v9, v6;
	v8 =	vadd.s32 $0x840, v7;
	s13 =	sadd.s32 s13, s17;
	[tilespmem:s8+$0x2000] =	vst.msk vm8, v10;
	v9 =	vmpcnt.ones.xlane vm8  }
0x209: {  	[tilespmem:s13+$0x3080] =	vst.msk vm9, v8;
	v8 =	vmpcnt.ones.xlane vm9  }
0x20a: {  	v10 =	vld [tilespmem:s9+$0xFFFFF850];
	(v2sf) =	vpush v9, $0x0  }
0x20b: {  	v9 =	vld [tilespmem:s9+$0x50];
	(v2sf) =	vpush v8, $0x0;
	_ =	sdelay $0x3  }
0x20c: {  	vm10 =	vle.f32 v10, v6  }
0x20d: {  	vm11 =	vle.f32 v9, v6;
	v8 =	vmpcnt.ones.xlane vm10  }
0x20e: {  	v9 =	vmpcnt.ones.xlane vm11  }
0x20f: {  	(v2sf) =	vpush v8, $0x0  }
0x210: {  	(v2sf) =	vpush v9, $0x0;
	_ =	sdelay $0x5  }
0x211: {  	s15 =	spop (v2sf)  }
0x212: {  	v8 =	vadd.s32 $0x50, v7;
	s8 =	sadd.s32 s8, s15;
	s17 =	spop (v2sf)  }
0x213: {  	s13 =	sadd.s32 s13, s17;
	[tilespmem:s8+$0x2000] =	vst.msk vm10, v8;
	v8 =	vadd.s32 $0x850, v7  }
0x214: {  	[tilespmem:s13+$0x3080] =	vst.msk vm11, v8  }
0x215: {  	v8 =	vld [tilespmem:s9+$0xFFFFF860]  }
0x216: {  	v9 =	vld [tilespmem:s9+$0x60];
	_ =	sdelay $0x2  }
0x217: {  	s15 =	spop (v2sf)  }
0x218: {  	v10 =	vadd.s32 $0x60, v7;
	s8 =	sadd.s32 s8, s15;
	vm12 =	vle.f32 v8, v6;
	s17 =	spop (v2sf)  }
0x219: {  	vm13 =	vle.f32 v9, v6;
	v8 =	vadd.s32 $0x860, v7;
	s13 =	sadd.s32 s13, s17;
	[tilespmem:s8+$0x2000] =	vst.msk vm12, v10  }
0x21a: {  	v9 =	vmpcnt.ones.xlane vm12;
	[tilespmem:s13+$0x3080] =	vst.msk vm13, v8  }
0x21b: {  	v8 =	vld [tilespmem:s9+$0xFFFFF870]  }
0x21c: {  	(v2sf) =	vpush v9, $0x0;
	_ =	sdelay $0x3  }
0x21d: {  	v10 =	vmpcnt.ones.xlane vm13;
	vm14 =	vle.f32 v8, v6  }
0x21e: {  	v8 =	vmpcnt.ones.xlane vm14  }
0x21f: {  	(v2sf) =	vpush v10, $0x0  }
0x220: {  	(v2sf) =	vpush v8, $0x0;
	v8 =	vld [tilespmem:s9+$0x70];
	_ =	sdelay $0x4  }
0x221: {  	vm15 =	vle.f32 v8, v6  }
0x222: {  	v10 =	vmpcnt.ones.xlane vm15;
	_ =	sdelay $0x1  }
0x223: {  	s15 =	spop (v2sf);
	(v2sf) =	vpush v10, $0x0;
	_ =	sdelay $0x6  }
0x224: {  	v9 =	vadd.s32 $0x70, v7;
	s15 =	sadd.s32 s8, s15;
	s17 =	spop (v2sf)  }
0x225: {  	v8 =	vadd.s32 $0x870, v7;
	s14 =	sadd.s32 s13, s17;
	[tilespmem:s15+$0x2000] =	vst.msk vm14, v9  }
0x226: {  	s9 =	simm.s32 $0x1880;
	[tilespmem:s14+$0x3080] =	vst.msk vm15, v8  }
0x227: {  	v9 =	vld [tilespmem:s9+$0xFFFFF800]  }
0x228: {  	v8 =	vld [tilespmem:s9+$0x0];
	_ =	sdelay $0x2  }
0x229: {  	s13 =	simm.s32 $0x8;
	s8 =	spop (v2sf)  }
.LBB2_24:
0x22a: {  	s13 =	sadd.s32 $0x8, s13;
	vm0 =	vle.f32 v9, v6;
	s8 =	sadd.s32 s15, s8;
	v7 =	vadd.s32 $0x80, v7;
	s15 =	spop (v2sf)  }
0x22b: {  	p0 =	slt.u32 s13, $0x78;
	vm1 =	vle.f32 v8, v6;
	[tilespmem:s8+$0x2000] =	vst.msk vm0, v7;
	v8 =	vadd.s32 $0x800, v7;
	v9 =	vmpcnt.ones.xlane vm0;
	s14 =	sadd.s32 s14, s15  }
0x22c: {  	[tilespmem:s14+$0x3080] =	vst.msk vm1, v8;
	v8 =	vmpcnt.ones.xlane vm1  }
0x22d: {  	v10 =	vld [tilespmem:s9+$0xFFFFF810];
	(v2sf) =	vpush v9, $0x0  }
0x22e: {  	v9 =	vld [tilespmem:s9+$0x10];
	(v2sf) =	vpush v8, $0x0;
	_ =	sdelay $0x3  }
0x22f: {  	vm0 =	vle.f32 v10, v6  }
0x230: {  	vm1 =	vle.f32 v9, v6;
	v8 =	vmpcnt.ones.xlane vm0  }
0x231: {  	v9 =	vmpcnt.ones.xlane vm1  }
0x232: {  	(v2sf) =	vpush v8, $0x0  }
0x233: {  	(v2sf) =	vpush v9, $0x0;
	_ =	sdelay $0x5  }
0x234: {  	s15 =	spop (v2sf)  }
0x235: {  	v8 =	vadd.s32 $0x10, v7;
	s8 =	sadd.s32 s8, s15;
	s15 =	spop (v2sf)  }
0x236: {  	s14 =	sadd.s32 s14, s15;
	[tilespmem:s8+$0x2000] =	vst.msk vm0, v8;
	v8 =	vadd.s32 $0x810, v7  }
0x237: {  	[tilespmem:s14+$0x3080] =	vst.msk vm1, v8  }
0x238: {  	v8 =	vld [tilespmem:s9+$0xFFFFF820]  }
0x239: {  	v9 =	vld [tilespmem:s9+$0x20];
	_ =	sdelay $0x2  }
0x23a: {  	s15 =	spop (v2sf)  }
0x23b: {  	v10 =	vadd.s32 $0x20, v7;
	s8 =	sadd.s32 s8, s15;
	vm0 =	vle.f32 v8, v6;
	s15 =	spop (v2sf)  }
0x23c: {  	v8 =	vadd.s32 $0x820, v7;
	s14 =	sadd.s32 s14, s15;
	vm1 =	vle.f32 v9, v6;
	[tilespmem:s8+$0x2000] =	vst.msk vm0, v10;
	v9 =	vmpcnt.ones.xlane vm0  }
0x23d: {  	[tilespmem:s14+$0x3080] =	vst.msk vm1, v8;
	v8 =	vmpcnt.ones.xlane vm1  }
0x23e: {  	v10 =	vld [tilespmem:s9+$0xFFFFF830];
	(v2sf) =	vpush v9, $0x0  }
0x23f: {  	v9 =	vld [tilespmem:s9+$0x30];
	(v2sf) =	vpush v8, $0x0;
	_ =	sdelay $0x3  }
0x240: {  	vm0 =	vle.f32 v10, v6  }
0x241: {  	vm1 =	vle.f32 v9, v6;
	v8 =	vmpcnt.ones.xlane vm0  }
0x242: {  	v9 =	vmpcnt.ones.xlane vm1  }
0x243: {  	(v2sf) =	vpush v8, $0x0  }
0x244: {  	(v2sf) =	vpush v9, $0x0;
	_ =	sdelay $0x5  }
0x245: {  	s15 =	spop (v2sf)  }
0x246: {  	v8 =	vadd.s32 $0x30, v7;
	s8 =	sadd.s32 s8, s15;
	s15 =	spop (v2sf)  }
0x247: {  	s14 =	sadd.s32 s14, s15;
	[tilespmem:s8+$0x2000] =	vst.msk vm0, v8;
	v8 =	vadd.s32 $0x830, v7  }
0x248: {  	[tilespmem:s14+$0x3080] =	vst.msk vm1, v8  }
0x249: {  	v8 =	vld [tilespmem:s9+$0xFFFFF840]  }
0x24a: {  	v9 =	vld [tilespmem:s9+$0x40];
	_ =	sdelay $0x2  }
0x24b: {  	s15 =	spop (v2sf)  }
0x24c: {  	v10 =	vadd.s32 $0x40, v7;
	s8 =	sadd.s32 s8, s15;
	vm0 =	vle.f32 v8, v6;
	s15 =	spop (v2sf)  }
0x24d: {  	v8 =	vadd.s32 $0x840, v7;
	s14 =	sadd.s32 s14, s15;
	vm1 =	vle.f32 v9, v6;
	[tilespmem:s8+$0x2000] =	vst.msk vm0, v10;
	v9 =	vmpcnt.ones.xlane vm0  }
0x24e: {  	[tilespmem:s14+$0x3080] =	vst.msk vm1, v8;
	v8 =	vmpcnt.ones.xlane vm1  }
0x24f: {  	v10 =	vld [tilespmem:s9+$0xFFFFF850];
	(v2sf) =	vpush v9, $0x0  }
0x250: {  	v9 =	vld [tilespmem:s9+$0x50];
	(v2sf) =	vpush v8, $0x0;
	_ =	sdelay $0x3  }
0x251: {  	vm0 =	vle.f32 v10, v6  }
0x252: {  	vm1 =	vle.f32 v9, v6;
	v8 =	vmpcnt.ones.xlane vm0  }
0x253: {  	v9 =	vmpcnt.ones.xlane vm1  }
0x254: {  	(v2sf) =	vpush v8, $0x0  }
0x255: {  	(v2sf) =	vpush v9, $0x0;
	_ =	sdelay $0x5  }
0x256: {  	s15 =	spop (v2sf)  }
0x257: {  	v8 =	vadd.s32 $0x50, v7;
	s8 =	sadd.s32 s8, s15;
	s15 =	spop (v2sf)  }
0x258: {  	s14 =	sadd.s32 s14, s15;
	[tilespmem:s8+$0x2000] =	vst.msk vm0, v8;
	v8 =	vadd.s32 $0x850, v7  }
0x259: {  	[tilespmem:s14+$0x3080] =	vst.msk vm1, v8  }
0x25a: {  	v8 =	vld [tilespmem:s9+$0xFFFFF860]  }
0x25b: {  	v9 =	vld [tilespmem:s9+$0x60];
	_ =	sdelay $0x2  }
0x25c: {  	s15 =	spop (v2sf)  }
0x25d: {  	v10 =	vadd.s32 $0x60, v7;
	s8 =	sadd.s32 s8, s15;
	vm0 =	vle.f32 v8, v6;
	s15 =	spop (v2sf)  }
0x25e: {  	v8 =	vadd.s32 $0x860, v7;
	s14 =	sadd.s32 s14, s15;
	vm1 =	vle.f32 v9, v6;
	[tilespmem:s8+$0x2000] =	vst.msk vm0, v10;
	v9 =	vmpcnt.ones.xlane vm0  }
0x25f: {  	[tilespmem:s14+$0x3080] =	vst.msk vm1, v8;
	v8 =	vmpcnt.ones.xlane vm1  }
0x260: {  	v10 =	vld [tilespmem:s9+$0xFFFFF870];
	(v2sf) =	vpush v9, $0x0  }
0x261: {  	v9 =	vld [tilespmem:s9+$0x70];
	(v2sf) =	vpush v8, $0x0;
	_ =	sdelay $0x3  }
0x262: {  	vm0 =	vle.f32 v10, v6  }
0x263: {  	vm1 =	vle.f32 v9, v6;
	v8 =	vmpcnt.ones.xlane vm0  }
0x264: {  	v9 =	vmpcnt.ones.xlane vm1  }
0x265: {  	(v2sf) =	vpush v8, $0x0  }
0x266: {  	(v2sf) =	vpush v9, $0x0;
	_ =	sdelay $0x5  }
0x267: {  	s15 =	spop (v2sf)  }
0x268: {  	v8 =	vadd.s32 $0x70, v7;
	s15 =	sadd.s32 s8, s15;
	s8 =	spop (v2sf)  }
0x269: {  	s14 =	sadd.s32 s14, s8;
	[tilespmem:s15+$0x2000] =	vst.msk vm0, v8;
	v8 =	vadd.s32 $0x870, v7  }
0x26a: {  	s9 =	sadd.s32 $0x80, s9;
	[tilespmem:s14+$0x3080] =	vst.msk vm1, v8  }
.Ltmp15:
0x26b: {  	v9 =	vld [tilespmem:s9+$0xFFFFF800];
	(pc) =	sbr.rel @p0 .LBB2_24-.Ltmp15, $2  }
0x26c: {  	v8 =	vld [tilespmem:s9+$0x0];
	_ =	sdelay $0x2  }
0x26d: {  	s8 =	spop (v2sf)  }
0x26e: {  	vm0 =	vle.f32 v9, v6;
	s8 =	sadd.s32 s15, s8;
	v7 =	vadd.s32 $0x80, v7;
	s13 =	spop (v2sf)  }
0x26f: {  	vm1 =	vle.f32 v8, v6;
	[tilespmem:s8+$0x2000] =	vst.msk vm0, v7;
	v8 =	vadd.s32 $0x800, v7;
	v9 =	vmpcnt.ones.xlane vm0;
	s13 =	sadd.s32 s14, s13  }
0x270: {  	[tilespmem:s13+$0x3080] =	vst.msk vm1, v8;
	v8 =	vmpcnt.ones.xlane vm1  }
0x271: {  	v10 =	vld [tilespmem:s9+$0xFFFFF810];
	(v2sf) =	vpush v9, $0x0  }
0x272: {  	v50 =	vld [tilespmem:s9+$0x10];
	(v2sf) =	vpush v8, $0x0;
	_ =	sdelay $0x3  }
0x273: {  	vm14 =	vle.f32 v10, v6  }
0x274: {  	vm15 =	vle.f32 v50, v6;
	v8 =	vmpcnt.ones.xlane vm14  }
0x275: {  	v9 =	vmpcnt.ones.xlane vm15  }
0x276: {  	(v2sf) =	vpush v8, $0x0  }
0x277: {  	(v2sf) =	vpush v9, $0x0;
	_ =	sdelay $0x5  }
0x278: {  	s17 =	spop (v2sf)  }
0x279: {  	v8 =	vadd.s32 $0x10, v7;
	s8 =	sadd.s32 s8, s17;
	s15 =	spop (v2sf)  }
0x27a: {  	s13 =	sadd.s32 s13, s15;
	[tilespmem:s8+$0x2000] =	vst.msk vm14, v8;
	v8 =	vadd.s32 $0x810, v7  }
0x27b: {  	[tilespmem:s13+$0x3080] =	vst.msk vm15, v8  }
0x27c: {  	v8 =	vld [tilespmem:s9+$0xFFFFF820]  }
0x27d: {  	v51 =	vld [tilespmem:s9+$0x20];
	_ =	sdelay $0x2  }
0x27e: {  	s17 =	spop (v2sf)  }
0x27f: {  	v52 =	vadd.s32 $0x20, v7;
	s8 =	sadd.s32 s8, s17;
	vm4 =	vle.f32 v8, v6;
	s15 =	spop (v2sf)  }
0x280: {  	vm5 =	vle.f32 v51, v6;
	v8 =	vadd.s32 $0x820, v7;
	s13 =	sadd.s32 s13, s15;
	[tilespmem:s8+$0x2000] =	vst.msk vm4, v52;
	v53 =	vmpcnt.ones.xlane vm4  }
0x281: {  	[tilespmem:s13+$0x3080] =	vst.msk vm5, v8;
	v8 =	vmpcnt.ones.xlane vm5  }
0x282: {  	v10 =	vld [tilespmem:s9+$0xFFFFF830];
	(v2sf) =	vpush v53, $0x0  }
0x283: {  	v54 =	vld [tilespmem:s9+$0x30];
	(v2sf) =	vpush v8, $0x0;
	_ =	sdelay $0x3  }
0x284: {  	vm6 =	vle.f32 v10, v6  }
0x285: {  	vm7 =	vle.f32 v54, v6;
	v8 =	vmpcnt.ones.xlane vm6  }
0x286: {  	v9 =	vmpcnt.ones.xlane vm7  }
0x287: {  	(v2sf) =	vpush v8, $0x0  }
0x288: {  	(v2sf) =	vpush v9, $0x0;
	_ =	sdelay $0x5  }
0x289: {  	s17 =	spop (v2sf)  }
0x28a: {  	v8 =	vadd.s32 $0x30, v7;
	s8 =	sadd.s32 s8, s17;
	s15 =	spop (v2sf)  }
0x28b: {  	s13 =	sadd.s32 s13, s15;
	[tilespmem:s8+$0x2000] =	vst.msk vm6, v8;
	v8 =	vadd.s32 $0x830, v7  }
0x28c: {  	[tilespmem:s13+$0x3080] =	vst.msk vm7, v8  }
0x28d: {  	v8 =	vld [tilespmem:s9+$0xFFFFF840]  }
0x28e: {  	v55 =	vld [tilespmem:s9+$0x40];
	_ =	sdelay $0x2  }
0x28f: {  	s17 =	spop (v2sf)  }
0x290: {  	v56 =	vadd.s32 $0x40, v7;
	s8 =	sadd.s32 s8, s17;
	vm8 =	vle.f32 v8, v6;
	s15 =	spop (v2sf)  }
0x291: {  	vm9 =	vle.f32 v55, v6;
	v8 =	vadd.s32 $0x840, v7;
	s13 =	sadd.s32 s13, s15;
	[tilespmem:s8+$0x2000] =	vst.msk vm8, v56;
	v57 =	vmpcnt.ones.xlane vm8  }
0x292: {  	[tilespmem:s13+$0x3080] =	vst.msk vm9, v8;
	v8 =	vmpcnt.ones.xlane vm9  }
0x293: {  	v10 =	vld [tilespmem:s9+$0xFFFFF850];
	(v2sf) =	vpush v57, $0x0  }
0x294: {  	v58 =	vld [tilespmem:s9+$0x50];
	(v2sf) =	vpush v8, $0x0;
	_ =	sdelay $0x3  }
0x295: {  	vm10 =	vle.f32 v10, v6  }
0x296: {  	vm11 =	vle.f32 v58, v6;
	v8 =	vmpcnt.ones.xlane vm10  }
0x297: {  	v9 =	vmpcnt.ones.xlane vm11  }
0x298: {  	(v2sf) =	vpush v8, $0x0  }
0x299: {  	(v2sf) =	vpush v9, $0x0;
	_ =	sdelay $0x5  }
0x29a: {  	s17 =	spop (v2sf)  }
0x29b: {  	v8 =	vadd.s32 $0x50, v7;
	s8 =	sadd.s32 s8, s17;
	s15 =	spop (v2sf)  }
0x29c: {  	s13 =	sadd.s32 s13, s15;
	[tilespmem:s8+$0x2000] =	vst.msk vm10, v8;
	v8 =	vadd.s32 $0x850, v7  }
0x29d: {  	[tilespmem:s13+$0x3080] =	vst.msk vm11, v8  }
0x29e: {  	v8 =	vld [tilespmem:s9+$0xFFFFF860]  }
0x29f: {  	v59 =	vld [tilespmem:s9+$0x60];
	_ =	sdelay $0x2  }
0x2a0: {  	s17 =	spop (v2sf)  }
0x2a1: {  	v60 =	vadd.s32 $0x60, v7;
	s8 =	sadd.s32 s8, s17;
	vm12 =	vle.f32 v8, v6;
	s15 =	spop (v2sf)  }
0x2a2: {  	vm13 =	vle.f32 v59, v6;
	v8 =	vadd.s32 $0x860, v7;
	s14 =	sadd.s32 s13, s15;
	[tilespmem:s8+$0x2000] =	vst.msk vm12, v60  }
0x2a3: {  	[tilespmem:s14+$0x3080] =	vst.msk vm13, v8  }
0x2a4: {  	v8 =	vld [tilespmem:s9+$0xFFFFF870];
	_ =	sdelay $0x3  }
0x2a5: {  	v61 =	vmpcnt.ones.xlane vm12  }
0x2a6: {  	v62 =	vmpcnt.ones.xlane vm13;
	vm14 =	vle.f32 v8, v6  }
0x2a7: {  	(v2sf) =	vpush v61, $0x0;
	v8 =	vmpcnt.ones.xlane vm14  }
0x2a8: {  	(v2sf) =	vpush v62, $0x0  }
0x2a9: {  	(v2sf) =	vpush v8, $0x0;
	_ =	sdelay $0x3  }
0x2aa: {  	v63 =	vld [tilespmem:s9+$0x70];
	_ =	sdelay $0x4  }
0x2ab: {  	vm15 =	vle.f32 v63, v6  }
0x2ac: {  	v6 =	vmpcnt.ones.xlane vm15;
	_ =	sdelay $0x1  }
0x2ad: {  	(v2sf) =	vpush v6, $0x0  }
0x2ae: {  	s17 =	spop (v2sf)  }
0x2af: {  	s15 =	spop (v2sf)  }
0x2b0: {  	s8 =	sadd.s32 s8, s17;
	s13 =	spop (v2sf)  }
0x2b1: {  	s13 =	sadd.s32 s8, s13  }
0x2b2: {  	s9 =	sadd.s32 $0xF, s13  }
0x2b3: {  	s17 =	sand.u32 $0xF, s9  }
0x2b4: {  	p1 =	slt.s32 s9, $0x1;
	p0 =	sne.s32 s17, $0x0;
	s17 =	sshra.s32 s9, $0x1F  }
0x2b5: {  	s17 =	sshrl.u32 s17, $0x1C;
	p0 =	por !p1, !p0  }
0x2b6: {  	s9 =	sadd.s32 s17, s9;
	p0 =	por !p0, !p0;
	s17 =	simm.s32 $0x1  }
0x2b7: {  	s15 =	sadd.s32 s14, s15;
	s14 =	sshra.s32 s9, $0x4;
	s17 =	simm.s32 @!p0 $0x0  }
0x2b8: {  	s14 =	ssub.s32 s14, s17  }
0x2b9: {  	p0 =	slt.s32 s14, $0x1  }
.Ltmp16:
0x2ba: {  	v6 =	vadd.s32 $0x70, v7;
	(pc) =	sbr.rel @p0 .LBB2_26-.Ltmp16, $4  }
0x2bb: {  	[tilespmem:s8+$0x2000] =	vst.msk vm14, v6;
	v6 =	vadd.s32 $0x870, v7  }
0x2bc: {  	[tilespmem:s15+$0x3080] =	vst.msk vm15, v6;
	v6 =	vimm.s32 $0x0;
	s17 =	spop (v2sf)  }
0x2bd: {  	[tilespmem:s13+$0x2000] =	vst v6;
	s9 =	sadd.s32 s15, s17  }
0x2be: {  	v7 =	vimm.f32 $+Inf;
	[tilespmem:s9+$0x3080] =	vst v6  }
0x2bf: {  	s8 =	simm.s32 $0x2000  }
0x2c0: {  	v9 =	vld [tilespmem:s8+$0x0];
	_ =	sdelay $0x7  }
0x2c1: {  	v10 =	vld.idx.msk [tilespmem:v9+s22+$0x0], $0xffff  }
0x2c2: {  	p1 =	sne.s32 s14, $0x1  }
.Ltmp17:
0x2c3: {  	s17 =	simm.s32 $0x0;
	(pc) =	sbr.rel @!p1 .LBB2_28-.Ltmp17, $4  }
0x2c4: {  	v8 =	vmov s13;
	v11 =	vor.u32 s17, v0  }
0x2c5: {  	vm0 =	vlt.s32 v11, v8  }
0x2c6: {  	v10 =	vnsel vm0, $0x7F800000, v10  }
0x2c7: {  	s15 =	sadd.s32 $0xFFFFFFFF, s14;
	p0 =	por $0x0, $0x0;
	(xrf1) =	vsort.ascd.msk.f32 $0xffff, v10, v9  }
0x2c8: {  	_ =	sdelay $0x5  }
0x2c9: {  	s13 =	simm.s32 $0x2010  }
0x2ca: {  	v9 =	vld [tilespmem:s13+$0x0];
	_ =	sdelay $0x5  }
0x2cb: {  	v10, v11, _ =	vpop (xrf1)  }
0x2cc: {  	v10 =	vperm.xlane v10, v3  }
0x2cd: {  	v12 =	vld.idx.msk [tilespmem:v9+s22+$0x0], $0xffff;
	v11 =	vperm.xlane v11, v3  }
0x2ce: {  	p1 =	sne.s32 s15, $0x1;
	vm0 =	vle.f32 v7, v10  }
.Ltmp18:
0x2cf: {  	s14 =	simm.s32 $0x10;
	v10 =	vsel vm0, v7, v10;
	v11 =	vsel vm0, v6, v11;
	(pc) =	sbr.rel @!p1 .LBB2_30-.Ltmp18, $4  }
0x2d0: {  	v13 =	vor.u32 s14, v0;
	(xrf1) =	vsort.ascd.msk.f32 $0xffff, v10, v11  }
0x2d1: {  	vm15 =	vlt.s32 v13, v8  }
0x2d2: {  	v10 =	vnsel vm15, $0x7F800000, v12  }
0x2d3: {  	s15 =	sadd.s32 $0xFFFFFFFF, s15;
	p0 =	por $0x1, $0x1;
	(xrf1) =	vsort.ascd.msk.f32 $0xffff, v10, v9;
	v10 =	vimm.f32 $+Inf;
	v9 =	vimm.s32 $0x0  }
.LBB2_31:
0x2d4: {  	_ = 	snop  }
0x2d5: {  	p1 =	sne.s32 s15, $0x1;
	s15 =	sadd.s32 $0xFFFFFFFF, s15;
	_ =	sdelay $0x8  }
0x2d6: {  	v11, v12, _ =	vpop (xrf1)  }
0x2d7: {  	v11 =	vperm.xlane v11, v3  }
0x2d8: {  	v12 =	vperm.xlane v12, v3  }
0x2d9: {  	v13, v14, _ =	vpop (xrf1);
	vm0 =	vle.f32 v10, v11  }
0x2da: {  	v13 =	vperm.xlane v13, v3;
	v15 =	vsel vm0, v11, v10;
	v16 =	vsel vm0, v12, v9  }
0x2db: {  	v10 =	vsel vm0, v10, v11;
	v9 =	vsel vm0, v9, v12;
	(xrf1) =	vsort.ascd.msk.f32 $0xffff, v15, v16  }
0x2dc: {  	(xrf1) =	vsort.ascd.msk.f32 $0xffff, v10, v9;
	_ =	sdelay $0x2  }
0x2dd: {  	s13 =	sadd.s32 $0x10, s13  }
0x2de: {  	v11 =	vld [tilespmem:s13+$0x0];
	_ =	sdelay $0x7  }
0x2df: {  	v12 =	vld.idx.msk [tilespmem:v11+s22+$0x0], $0xffff  }
0x2e0: {  	v14 =	vperm.xlane v14, v3;
	v15, v16, _ =	vpop (xrf1)  }
0x2e1: {  	vm0 =	vle.f32 v15, v13;
	v10, v9, _ =	vpop (xrf1)  }
.Ltmp19:
0x2e2: {  	s14 =	sadd.s32 $0x10, s14;
	v13 =	vsel vm0, v15, v13;
	v14 =	vsel vm0, v16, v14;
	(pc) =	sbr.rel @p1 .LBB2_31-.Ltmp19, $4  }
0x2e3: {  	v15 =	vor.u32 s14, v0;
	(xrf1) =	vsort.ascd.msk.f32 $0xffff, v13, v14  }
0x2e4: {  	vm0 =	vlt.s32 v15, v8  }
0x2e5: {  	v12 =	vnsel vm0, $0x7F800000, v12  }
0x2e6: {  	(xrf1) =	vsort.ascd.msk.f32 $0xffff, v12, v11  }
.LBB2_32:
0x2e7: {  	_ =	sdelay $0x9  }
0x2e8: {  	v8, v11, _ =	vpop @p0 (xrf1)  }
0x2e9: {  	v8 =	vperm.xlane @p0 v8, v3  }
0x2ea: {  	v11 =	vperm.xlane @p0 v11, v3  }
0x2eb: {  	vm0 =	vle.f32 @p0 v10, v8  }
0x2ec: {  	v12 =	vsel @p0 vm0, v8, v10;
	v13 =	vsel @p0 vm0, v11, v9  }
0x2ed: {  	(xrf1) =	vsort.ascd.msk.f32 @p0 $0xffff, v12, v13;
	_ =	sdelay $0xc  }
0x2ee: {  	v12, v13, _ =	vpop (xrf1)  }
0x2ef: {  	v12 =	vperm.xlane v12, v3;
	v14, v15, _ =	vpop @p0 (xrf1)  }
0x2f0: {  	v8 =	vsel @p0 vm0, v10, v8;
	v10 =	vperm.xlane v13, v3;
	v63 =	vpsel p0, v14, v7  }
0x2f1: {  	v9 =	vsel @p0 vm0, v9, v11;
	v11 =	vpsel p0, v15, v6;
	vm14 =	vle.f32 v63, v12  }
0x2f2: {  	(xrf1) =	vsort.ascd.msk.f32 @p0 $0xffff, v8, v9;
	v8 =	vsel vm14, v63, v12;
	v9 =	vsel vm14, v11, v10  }
0x2f3: {  	(xrf1) =	vsort.ascd.msk.f32 $0xffff, v8, v9;
	_ =	sdelay $0xc  }
0x2f4: {  	v8, v9, _ =	vpop @p0 (xrf1)  }
0x2f5: {  	v10, v11, _ =	vpop (xrf1)  }
0x2f6: {  	v10 =	vperm.xlane v10, v3  }
0x2f7: {  	v7 =	vpsel p0, v8, v7;
	v8 =	vperm.xlane v11, v3  }
0x2f8: {  	v6 =	vpsel p0, v9, v6;
	vm15 =	vle.f32 v7, v10  }
0x2f9: {  	v9 =	vsel vm15, v10, v7;
	v11 =	vsel vm15, v8, v6  }
0x2fa: {  	v7 =	vsel vm15, v7, v10;
	v6 =	vsel vm15, v6, v8;
	(xrf1) =	vsort.ascd.msk.f32 $0xffff, v9, v11  }
0x2fb: {  	(xrf1) =	vsort.ascd.msk.f32 $0xffff, v7, v6;
	_ =	sdelay $0x9  }
.Ltmp20:
0x2fc: {  	_ = 	snop;
	(pc) =	sbr.rel .LBB2_33-.Ltmp20, $3  }
0x2fd: {  	_ =	sdelay $0x1  }
0x2fe: {  	v9, v8, _ =	vpop (xrf1)  }
0x2ff: {  	v7, v6, _ =	vpop (xrf1)  }
.LBB2_26:
0x300: {  	v9 =	vimm.f32 $+Inf;
	v8 =	vimm.s32 $0x0  }
.LBB2_33:
0x301: {  	s8 =	sadd.s32 $0xF, s9  }
0x302: {  	s13 =	sand.u32 $0xF, s8  }
0x303: {  	s14 =	sshra.s32 s8, $0x1F;
	p0 =	slt.s32 s8, $0x1;
	p1 =	sne.s32 s13, $0x0  }
0x304: {  	s17 =	sshrl.u32 s14, $0x1C;
	p0 =	por !p0, !p1  }
0x305: {  	s13 =	simm.s32 $0x1;
	s8 =	sadd.s32 s17, s8;
	p0 =	por !p0, !p0  }
0x306: {  	s8 =	sshra.s32 s8, $0x4;
	s13 =	simm.s32 @!p0 $0x0  }
0x307: {  	s13 =	ssub.s32 s8, s13  }
0x308: {  	p0 =	slt.s32 s13, $0x1  }
.Ltmp21:
0x309: {  	_ = 	snop;
	(pc) =	sbr.rel @p0 .LBB2_40-.Ltmp21, $1  }
0x30a: {  	_ =	sdelay $0x3  }
0x30b: {  	s8 =	simm.s32 $0x3080  }
0x30c: {  	v11 =	vld [tilespmem:s8+$0x0];
	_ =	sdelay $0x7  }
0x30d: {  	v12 =	vld.idx.msk [tilespmem:v11+s22+$0x0], $0xffff  }
0x30e: {  	p1 =	sne.s32 s13, $0x1  }
.Ltmp22:
0x30f: {  	s17 =	simm.s32 $0x0;
	(pc) =	sbr.rel @!p1 .LBB2_35-.Ltmp22, $4  }
0x310: {  	v10 =	vmov s9;
	v13 =	vor.u32 s17, v0  }
0x311: {  	vm0 =	vlt.s32 v13, v10  }
0x312: {  	v12 =	vnsel vm0, $0x7F800000, v12  }
0x313: {  	s14 =	sadd.s32 $0xFFFFFFFF, s13;
	p0 =	por $0x0, $0x0;
	(xrf1) =	vsort.ascd.msk.f32 $0xffff, v12, v11  }
0x314: {  	_ =	sdelay $0x3  }
0x315: {  	s9 =	simm.s32 $0x3090  }
0x316: {  	v11 =	vld [tilespmem:s9+$0x0];
	_ =	sdelay $0x7  }
0x317: {  	v14 =	vld.idx.msk [tilespmem:v11+s22+$0x0], $0xffff;
	v12, v13, _ =	vpop (xrf1)  }
0x318: {  	v12 =	vperm.xlane v12, v3  }
0x319: {  	s13 =	simm.s32 $0x10;
	v13 =	vperm.xlane v13, v3  }
0x31a: {  	p1 =	sne.s32 s14, $0x1;
	v15 =	vor.u32 s13, v0;
	vm0 =	vle.f32 v9, v12  }
.Ltmp23:
0x31b: {  	vm15 =	vlt.s32 v15, v10;
	v12 =	vsel vm0, v9, v12;
	v13 =	vsel vm0, v8, v13;
	(pc) =	sbr.rel @!p1 .LBB2_37-.Ltmp23, $2  }
0x31c: {  	(xrf1) =	vsort.ascd.msk.f32 $0xffff, v12, v13;
	v12 =	vnsel vm15, $0x7F800000, v14;
	_ =	sdelay $0x2  }
0x31d: {  	s14 =	sadd.s32 $0xFFFFFFFF, s14;
	p0 =	por $0x1, $0x1;
	(xrf1) =	vsort.ascd.msk.f32 $0xffff, v12, v11;
	v11 =	vmov v6;
	v12 =	vmov v7  }
.LBB2_38:
0x31e: {  	_ = 	snop  }
0x31f: {  	p1 =	sne.s32 s14, $0x1;
	s14 =	sadd.s32 $0xFFFFFFFF, s14;
	_ =	sdelay $0x8  }
0x320: {  	v13, v14, _ =	vpop (xrf1)  }
0x321: {  	v13 =	vperm.xlane v13, v3  }
0x322: {  	v14 =	vperm.xlane v14, v3  }
0x323: {  	v15, v16, _ =	vpop (xrf1);
	vm0 =	vle.f32 v12, v13  }
0x324: {  	v15 =	vperm.xlane v15, v3;
	v17 =	vsel vm0, v13, v12;
	v18 =	vsel vm0, v14, v11  }
0x325: {  	v12 =	vsel vm0, v12, v13;
	v11 =	vsel vm0, v11, v14;
	(xrf1) =	vsort.ascd.msk.f32 $0xffff, v17, v18  }
0x326: {  	(xrf1) =	vsort.ascd.msk.f32 $0xffff, v12, v11;
	_ =	sdelay $0x2  }
0x327: {  	s9 =	sadd.s32 $0x10, s9  }
0x328: {  	v13 =	vld [tilespmem:s9+$0x0];
	_ =	sdelay $0x7  }
0x329: {  	v14 =	vld.idx.msk [tilespmem:v13+s22+$0x0], $0xffff  }
0x32a: {  	v16 =	vperm.xlane v16, v3;
	v17, v18, _ =	vpop (xrf1)  }
0x32b: {  	vm0 =	vle.f32 v17, v15;
	v12, v11, _ =	vpop (xrf1)  }
.Ltmp24:
0x32c: {  	s13 =	sadd.s32 $0x10, s13;
	v15 =	vsel vm0, v17, v15;
	v16 =	vsel vm0, v18, v16;
	(pc) =	sbr.rel @p1 .LBB2_38-.Ltmp24, $4  }
0x32d: {  	v17 =	vor.u32 s13, v0;
	(xrf1) =	vsort.ascd.msk.f32 $0xffff, v15, v16  }
0x32e: {  	vm0 =	vlt.s32 v17, v10  }
0x32f: {  	v14 =	vnsel vm0, $0x7F800000, v14  }
0x330: {  	(xrf1) =	vsort.ascd.msk.f32 $0xffff, v14, v13  }
.LBB2_39:
0x331: {  	_ =	sdelay $0x9  }
0x332: {  	v10, v13, _ =	vpop @p0 (xrf1)  }
0x333: {  	v10 =	vperm.xlane @p0 v10, v3  }
0x334: {  	v13 =	vperm.xlane @p0 v13, v3  }
0x335: {  	vm0 =	vle.f32 @p0 v12, v10  }
0x336: {  	v14 =	vsel @p0 vm0, v10, v12;
	v15 =	vsel @p0 vm0, v13, v11  }
0x337: {  	(xrf1) =	vsort.ascd.msk.f32 @p0 $0xffff, v14, v15;
	_ =	sdelay $0xc  }
0x338: {  	v14, v15, _ =	vpop (xrf1)  }
0x339: {  	v14 =	vperm.xlane v14, v3;
	v16, v17, _ =	vpop @p0 (xrf1)  }
0x33a: {  	v10 =	vsel @p0 vm0, v12, v10;
	v63 =	vperm.xlane v15, v3;
	v9 =	vpsel p0, v16, v9  }
0x33b: {  	v11 =	vsel @p0 vm0, v11, v13;
	v8 =	vpsel p0, v17, v8;
	vm14 =	vle.f32 v9, v14  }
0x33c: {  	(xrf1) =	vsort.ascd.msk.f32 @p0 $0xffff, v10, v11;
	v9 =	vsel vm14, v9, v14;
	v8 =	vsel vm14, v8, v63  }
0x33d: {  	(xrf1) =	vsort.ascd.msk.f32 $0xffff, v9, v8;
	_ =	sdelay $0xc  }
0x33e: {  	v8, v9, _ =	vpop @p0 (xrf1)  }
0x33f: {  	v10, v11, _ =	vpop (xrf1)  }
0x340: {  	v10 =	vperm.xlane v10, v3  }
0x341: {  	v7 =	vpsel p0, v8, v7;
	v8 =	vperm.xlane v11, v3  }
0x342: {  	v6 =	vpsel p0, v9, v6;
	vm15 =	vle.f32 v7, v10  }
0x343: {  	v9 =	vsel vm15, v10, v7;
	v11 =	vsel vm15, v8, v6  }
0x344: {  	(xrf1) =	vsort.ascd.msk.f32 $0xffff, v9, v11  }
0x345: {  	v7 =	vsel vm15, v7, v10;
	v6 =	vsel vm15, v6, v8  }
0x346: {  	(xrf1) =	vsort.ascd.msk.f32 $0xffff, v7, v6;
	_ =	sdelay $0xb  }
0x347: {  	v6, v8, _ =	vpop (xrf1);
	_ =	sdelay $0x1  }
0x348: {  	v7, v6, _ =	vpop (xrf1)  }
.LBB2_40:
0x349: {  	s7 =	sor.u32 $0x1, s7  }
0x34a: {  	s8 =	sor.u32 s11, s7  }
0x34b: {  	v9 =	vmul.u32 $0x3, v6;
	s8 =	smul.u32 $0x3, s8;
	_ =	sdelay $0x1  }
0x34c: {  	v7 =	vmov s8;
	_ =	sdelay $0x3  }
0x34d: {  	v11 =	vld.idx.msk [tilespmem:v9+s20+$0x0], $0xffff  }
0x34e: {  	s14 =	smul.u32 $0x60, s7;
	s9 =	sadd.s32 $0x1, s8;
	v7 =	vld.idx.msk [tilespmem:v7+s20+$0x0], $0xffff  }
0x34f: {  	s8 =	sadd.s32 $0x2, s8;
	v10 =	vmov s9  }
0x350: {  	v13 =	vadd.s32 s14, v1;
	v12 =	vmov s8  }
0x351: {  	v14 =	vadd.s32 $0x1, v9;
	_ =	sdelay $0x1  }
0x352: {  	v11 =	vsub.f32 v11, v7  }
0x353: {  	v10 =	vld.idx.msk [tilespmem:v10+s20+$0x0], $0xffff  }
0x354: {  	v12 =	vld.idx.msk [tilespmem:v12+s20+$0x0], $0xffff;
	[tilespmem:v13+s24+$0x0] =	vst.idx.msk $0xffff, v11  }
0x355: {  	v11 =	vld.idx.msk [tilespmem:v14+s20+$0x0], $0xffff;
	_ =	sdelay $0x1  }
0x356: {  	v58 =	vadd.s32 s14, v4  }
0x357: {  	v9 =	vadd.s32 $0x2, v9;
	_ =	sdelay $0x1  }
0x358: {  	v11 =	vsub.f32 v11, v10;
	_ =	sdelay $0x1  }
0x359: {  	[tilespmem:v58+s24+$0x0] =	vst.idx.msk $0xffff, v11  }
0x35a: {  	v9 =	vld.idx.msk [tilespmem:v9+s20+$0x0], $0xffff;
	_ =	sdelay $0x1  }
0x35b: {  	v59 =	vadd.s32 s14, v5  }
0x35c: {  	v60 =	vmul.u32 $0x3, v8;
	_ =	sdelay $0x1  }
0x35d: {  	v9 =	vsub.f32 v9, v12;
	_ =	sdelay $0x1  }
0x35e: {  	v6 =	vadd.s32 v2, v6;
	[tilespmem:v59+s24+$0x0] =	vst.idx.msk $0xffff, v9  }
0x35f: {  	[tilespmem:$0x13400] =	vst v6  }
0x360: {  	v6 =	vld.idx.msk [tilespmem:v60+s20+$0x0], $0xffff  }
0x361: {  	s15 =	sadd.s32 $0x30, s14  }
0x362: {  	v61 =	vadd.s32 s15, v1  }
0x363: {  	v62 =	vadd.s32 $0x1, v60;
	_ =	sdelay $0x1  }
0x364: {  	v6 =	vsub.f32 v6, v7;
	_ =	sdelay $0x1  }
0x365: {  	[tilespmem:v61+s24+$0x0] =	vst.idx.msk $0xffff, v6  }
0x366: {  	v6 =	vld.idx.msk [tilespmem:v62+s20+$0x0], $0xffff;
	_ =	sdelay $0x1  }
0x367: {  	v7 =	vadd.s32 s15, v4  }
0x368: {  	v63 =	vadd.s32 $0x2, v60;
	_ =	sdelay $0x1  }
0x369: {  	v6 =	vsub.f32 v6, v10;
	_ =	sdelay $0x1  }
0x36a: {  	[tilespmem:v7+s24+$0x0] =	vst.idx.msk $0xffff, v6  }
0x36b: {  	v6 =	vld.idx.msk [tilespmem:v63+s20+$0x0], $0xffff;
	_ =	sdelay $0x1  }
0x36c: {  	v7 =	vadd.s32 s15, v5;
	_ =	sdelay $0x2  }
0x36d: {  	v6 =	vsub.f32 v6, v12;
	_ =	sdelay $0x1  }
0x36e: {  	p0 =	seq.s32 s6, $0x0;
	[tilespmem:v7+s24+$0x0] =	vst.idx.msk $0xffff, v6;
	v6 =	vadd.s32 v2, v8  }
0x36f: {  	s8 =	simm.s32 @!p0 $0x6;
	[tilespmem:$0x13410] =	vst v6  }
0x370: {  	_ =	swait.ge @!p0 [sflag:s8], $0x1000  }
0x371: {  	[sflag:s8] =	ssyncset.done @!p0 $0x0  }
0x372: {  	[sflag:s8] =	ssyncadd.s32 @!p0 $0xFFFFF000;
	p0 =	seq.s32 s6, $0xFF  }
0x373: {  	[tilespmem:s31], [sflag:$0x4] =	stream.indirect.gather [hbm4b:s1+s25], $0x80, s30, s25, $0xb8;
	[tilespmem:$0x15480] =	vst v63  }
.Ltmp25:
0x374: {  	_ = 	snop;
	(pc) =	sbr.rel @p0 .LBB2_42-.Ltmp25, $4  }
0x375: {  	_ =	swait.ge [sflag:s0], $0x1000  }
0x376: {  	s17 =	sshll.u32 s6, $0xA;
	[sflag:s0] =	ssyncset.done $0x0  }
0x377: {  	s8 =	sadd.s32 s17, s10;
	[sflag:s0] =	ssyncadd.s32 $0xFFFFF000  }
0x378: {  	[hbm4b:s8+s3] =	stream.linear.scatter [tilespmem:s28], [sflag:$0x5], $0x1000, $0x38;
	[tilespmem:$0x15480] =	vst v63  }
0x379: {  	s7 =	sor.u32 s5, s7  }
0x37a: {  	s7 =	sadd.s32 $0x2, s7  }
.Ltmp26:
0x37b: {  	s8 =	sshll.u32 s7, $0x4;
	(pc) =	sbr.rel .LBB2_2-.Ltmp26, $4  }
0x37c: {  	s7 =	sshll.u32 s7, $0x9;
	s8 =	sand.u32 $0x70, s8  }
0x37d: {  	s7 =	sand.u32 $0xFFFF000, s7;
	s8 =	sadd.s32 s4, s8  }
0x37e: {  	s6 =	sadd.s32 $0x1, s6;
	s7 =	sadd.s32 s7, s8  }
0x37f: {  	[tilespmem:s22], [sflag:$0x2] =	stream.strided.gather [hbm4b:s7+s18], $0x1000, s21, s18, $0x38;
	[tilespmem:$0x15480] =	vst v63  }
.LBB2_7:
.Ltmp27:
0x380: {  	(pc) =	sbr.rel .LBB2_11-.Ltmp27, $2  }
0x381: {  	_ =	sdelay $0x2  }
0x382: {  	v10 =	vimm.f32 $+Inf;
	v9 =	vimm.s32 $0x0  }
.LBB2_14:
.Ltmp28:
0x383: {  	(pc) =	sbr.rel .LBB2_18-.Ltmp28, $2  }
0x384: {  	_ =	sdelay $0x2  }
0x385: {  	v12 =	vmov v7;
	v11 =	vmov v6  }
.LBB2_28:
.Ltmp29:
0x386: {  	(pc) =	sbr.rel .LBB2_32-.Ltmp29, $2  }
0x387: {  	_ =	sdelay $0x2  }
0x388: {  	v10 =	vimm.f32 $+Inf;
	v9 =	vimm.s32 $0x0  }
.LBB2_35:
.Ltmp30:
0x389: {  	(pc) =	sbr.rel .LBB2_39-.Ltmp30, $2  }
0x38a: {  	_ =	sdelay $0x2  }
0x38b: {  	v12 =	vmov v7;
	v11 =	vmov v6  }
.LBB2_9:
.Ltmp31:
0x38c: {  	(pc) =	sbr.rel .LBB2_11-.Ltmp31, $2  }
0x38d: {  	_ =	sdelay $0x2  }
0x38e: {  	v10 =	vimm.f32 $+Inf;
	v9 =	vimm.s32 $0x0  }
.LBB2_16:
.Ltmp32:
0x38f: {  	(pc) =	sbr.rel .LBB2_18-.Ltmp32, $2  }
0x390: {  	_ =	sdelay $0x2  }
0x391: {  	v12 =	vmov v7;
	v11 =	vmov v6  }
.LBB2_30:
.Ltmp33:
0x392: {  	(pc) =	sbr.rel .LBB2_32-.Ltmp33, $2  }
0x393: {  	_ =	sdelay $0x2  }
0x394: {  	v10 =	vimm.f32 $+Inf;
	v9 =	vimm.s32 $0x0  }
.LBB2_37:
.Ltmp34:
0x395: {  	(pc) =	sbr.rel .LBB2_39-.Ltmp34, $2  }
0x396: {  	_ =	sdelay $0x2  }
0x397: {  	v12 =	vmov v7;
	v11 =	vmov v6  }
.LBB2_43:
0x398: {  	_ =	sfence.sel $0x180000  }
0x399: {  	[bflag:$0x0] =	sbarrier.arrive $0xFFFF  }
0x39a: {  	_ =	strace $0x90000047  }
0x39b: {  	s0 =	stileid.u32;
	[bflag:$0x2] =	sbarrier.arrive $0xFFFF  }
0x39c: {  	p0 =	sne.s32 s0, $0x0;
	s0 =	rddreg [dreg:$0x4]  }
0x39d: {  	s0 =	sadd.s32 @!p0 $0x100000, s0  }
0x39e: {  	[sflag:s0] =	ssyncadd.tile.s32 @!p0 $0x1;
	_ =	shalt  }
.Lfunc_end2:
_tile_overlayer_lowered:
.L_overlay_start_2:
0x39f: {  	(tag) =	ssettag $0x2  }
0x3a0: {  	s0 =	rddreg [dreg:$0x0];
	s2 =	stileid.u32  }
0x3a1: {  	s1 =	rddreg [dreg:$0x1];
	p0 =	sne.s32 s2, $0x0  }
0x3a2: {  	s3 =	rddreg [dreg:$0x2];
	[bflag:$0x3] =	sbarrier.arrive $0xFFFF;
	s2 =	simm.s32 @!p0 $0x1C07  }
0x3a3: {  	[timem:s3], [sflag:s2] =	dma.local @!p0 [hbm:s0], s1  }
0x3a4: {  	s0 =	simm.s32 @!p0 $0x7  }
0x3a5: {  	_ =	swait.ge @!p0 [sflag:s0], s1  }
0x3a6: {  	s1 =	ssub.s32 @!p0 $0x0, s1;
	[sflag:s0] =	ssyncset.done @!p0 $0x0  }
0x3a7: {  	[sflag:s0] =	ssyncadd.s32 @!p0 s1  }
0x3a8: {  	[bflag:$0x3] =	sbarrier.arrive $0xFFFF  }
0x3a9: {  	_ =	shalt  }

</sc_bundles>
